<compile_context>
chip_gen: v7x
topology: tpu7x:2x2x1
jax: 0.10.2.dev20260603
libtpu: 0.0.44.dev20260713+nightly
codegen_flags: <defaults>
</compile_context>

<pallas_src>
import functools

import jax
import jax.numpy as jnp
from jax import lax
from jax.experimental import pallas as pl
from jax.experimental.pallas import tpu as pltpu
from jax.experimental.pallas import tpu_sc as plsc

_N = 10000
_E = 320000
_H = 128
_C = 40
_G = 8

_NC = 2
_NS = 16
_NW = _NC * _NS
_EPW = _E // _NW
_CH = 80
_NCHUNK = _EPW // _CH
_RPT = 624
_RTAIL = _N - _NS * _RPT

_sc_mesh = plsc.VectorSubcoreMesh(core_axis_name="c", subcore_axis_name="s")

_NBUF = 3
_NTAIL = _NCHUNK - (_NCHUNK // _NBUF) * _NBUF
_ZR = 16


@functools.partial(
    pl.kernel,
    out_type=jax.ShapeDtypeStruct((2, _N, _H), jnp.float32),
    mesh=_sc_mesh,
    scratch_types=[
        pltpu.VMEM_SHARED((_N, _H), jnp.float32),
        pltpu.VMEM((_EPW,), jnp.int32),
        pltpu.VMEM((_NBUF, _CH), jnp.int32),
        pltpu.VMEM((_ZR, _H), jnp.float32),
    ]
    + [pltpu.VMEM((_CH, _H), jnp.float32) for _ in range(_NBUF)]
    + [pltpu.SemaphoreType.DMA for _ in range(2 * _NBUF)],
)
def _sc_edge_agg(h_hbm, src_hbm, dst_hbm, out_hbm,
                 agg_s, src_v, dst_ring, zbuf, *bufs_and_sems):
    rows = bufs_and_sems[:_NBUF]
    sems = bufs_and_sems[_NBUF:2 * _NBUF]
    dsems = bufs_and_sems[2 * _NBUF:]
    c = lax.axis_index("c")
    s = lax.axis_index("s")
    w = c * _NS + s
    base = w * _EPW

    pltpu.sync_copy(src_hbm.at[pl.ds(base, _EPW)], src_v)

    for b in range(_NBUF):
        pltpu.async_copy(dst_hbm.at[pl.ds(base + b * _CH, _CH)],
                         dst_ring.at[b], dsems[b])
        pltpu.async_copy(h_hbm.at[src_v.at[pl.ds(b * _CH, _CH)]],
                         rows[b], sems[b])

    @pl.loop(0, _H // 16)
    def _zc(j):
        @pl.loop(0, _ZR)
        def _zr(i):
            zbuf[i, pl.ds(j * 16, 16)] = jnp.zeros((16,), jnp.float32)

    @pl.loop(0, _RPT // _ZR)
    def _zs(r):
        pltpu.sync_copy(zbuf, agg_s.at[pl.ds(s * _RPT + r * _ZR, _ZR)])

    @pl.when(s == _NS - 1)
    def _():
        pltpu.sync_copy(zbuf.at[pl.ds(0, _RTAIL)],
                        agg_s.at[pl.ds(_NS * _RPT, _RTAIL)])

    plsc.subcore_barrier()

    @pl.loop(0, _NCHUNK // _NBUF)
    def _grp(g):
        for b in range(_NBUF):
            k = g * _NBUF + b
            pltpu.make_async_copy(
                dst_hbm.at[pl.ds(base + k * _CH, _CH)],
                dst_ring.at[b], dsems[b]).wait()
            pltpu.make_async_copy(
                h_hbm.at[src_v.at[pl.ds(b * _CH, _CH)]],
                rows[b], sems[b]).wait()
            pltpu.sync_copy(rows[b], agg_s.at[dst_ring.at[b]], add=True)

            @pl.when(k + _NBUF < _NCHUNK)
            def _():
                pltpu.async_copy(
                    dst_hbm.at[pl.ds(base + (k + _NBUF) * _CH, _CH)],
                    dst_ring.at[b], dsems[b])
                pltpu.async_copy(
                    h_hbm.at[src_v.at[pl.ds((k + _NBUF) * _CH, _CH)]],
                    rows[b], sems[b])

    for t in range(_NTAIL):
        k = (_NCHUNK // _NBUF) * _NBUF + t
        b = k % _NBUF
        pltpu.make_async_copy(
            dst_hbm.at[pl.ds(base + k * _CH, _CH)],
            dst_ring.at[b], dsems[b]).wait()
        pltpu.make_async_copy(
            h_hbm.at[src_v.at[pl.ds(b * _CH, _CH)]],
            rows[b], sems[b]).wait()
        pltpu.sync_copy(rows[b], agg_s.at[dst_ring.at[b]], add=True)

    plsc.subcore_barrier()
    pltpu.sync_copy(agg_s.at[pl.ds(s * _RPT, _RPT)],
                    out_hbm.at[c, pl.ds(s * _RPT, _RPT)])

    @pl.when(s == _NS - 1)
    def _():
        pltpu.sync_copy(agg_s.at[pl.ds(_NS * _RPT, _RTAIL)],
                        out_hbm.at[c, pl.ds(_NS * _RPT, _RTAIL)])


_BN = 1000

def _split_body(e_ref, src_ref, dst_ref):
    src_ref[...] = e_ref[0, :]
    dst_ref[...] = e_ref[1, :]


_split = pl.pallas_call(
    _split_body,
    out_shape=[jax.ShapeDtypeStruct((_E,), jnp.int32),
               jax.ShapeDtypeStruct((_E,), jnp.int32)],
)


def _root_body(h_ref, w_ref, o_ref):
    o_ref[...] = jnp.dot(h_ref[...], w_ref[...],
                         preferred_element_type=jnp.float32)


_root = pl.pallas_call(
    _root_body,
    grid=(_N // _BN,),
    in_specs=[
        pl.BlockSpec((_BN, _H), lambda i: (i, 0)),
        pl.BlockSpec((_H, _H), lambda i: (0, 0)),
    ],
    out_specs=pl.BlockSpec((_BN, _H), lambda i: (i, 0)),
    out_shape=jax.ShapeDtypeStruct((_N, _H), jnp.float32),
)


def _combine_body(p_ref, r_ref, wrel_ref, b_ref, o_ref):
    agg = p_ref[0] + p_ref[1]
    acc = jnp.dot(agg, wrel_ref[...], preferred_element_type=jnp.float32)
    o_ref[...] = jnp.maximum(acc + r_ref[...] + b_ref[...], 0.0)


_combine = pl.pallas_call(
    _combine_body,
    grid=(_N // _BN,),
    in_specs=[
        pl.BlockSpec((2, _BN, _H), lambda i: (0, i, 0)),
        pl.BlockSpec((_BN, _H), lambda i: (i, 0)),
        pl.BlockSpec((_H, _H), lambda i: (0, 0)),
        pl.BlockSpec((1, _H), lambda i: (0, 0)),
    ],
    out_specs=pl.BlockSpec((_BN, _H), lambda i: (i, 0)),
    out_shape=jax.ShapeDtypeStruct((_N, _H), jnp.float32),
)


def _final_body(p_ref, r_ref, wrel_ref, b_ref, lo_ref, hi_ref,
                w1_ref, b1_ref, gam_ref, bet_ref, w2_ref, b2_ref,
                o_ref, acc_ref):
    i = pl.program_id(0)

    @pl.when(i == 0)
    def _():
        acc_ref[...] = jnp.zeros_like(acc_ref)

    agg = p_ref[0] + p_ref[1]
    h2 = jnp.maximum(
        jnp.dot(agg, wrel_ref[...], preferred_element_type=jnp.float32)
        + r_ref[...] + b_ref[...], 0.0)
    row = lax.broadcasted_iota(jnp.int32, (_BN, 128), 0) + i * _BN
    onehot = ((row >= lo_ref[...]) & (row < hi_ref[...])).astype(jnp.float32)
    acc_ref[...] += lax.dot_general(
        onehot, h2, (((0,), (0,)), ((), ())),
        preferred_element_type=jnp.float32,
        precision=lax.Precision.HIGHEST)

    @pl.when(i == _N // _BN - 1)
    def _():
        g = acc_ref[0:_G, :]
        z = jnp.dot(g, w1_ref[...], preferred_element_type=jnp.float32)
        z += b1_ref[...]
        m = jnp.mean(z, axis=0, keepdims=True)
        v = jnp.mean((z - m) ** 2, axis=0, keepdims=True)
        zn = (z - m) * lax.rsqrt(v + 1e-5) * gam_ref[...] + bet_ref[...]
        zr = jnp.maximum(zn, 0.0)
        o_ref[...] = (jnp.dot(zr, w2_ref[...],
                              preferred_element_type=jnp.float32)
                      + b2_ref[...])[:, :_C]


_final = pl.pallas_call(
    _final_body,
    grid=(_N // _BN,),
    in_specs=[
        pl.BlockSpec((2, _BN, _H), lambda i: (0, i, 0)),
        pl.BlockSpec((_BN, _H), lambda i: (i, 0)),
        pl.BlockSpec((_H, _H), lambda i: (0, 0)),
        pl.BlockSpec((1, _H), lambda i: (0, 0)),
        pl.BlockSpec((1, 128), lambda i: (0, 0)),
        pl.BlockSpec((1, 128), lambda i: (0, 0)),
        pl.BlockSpec((_H, _H), lambda i: (0, 0)),
        pl.BlockSpec((1, _H), lambda i: (0, 0)),
        pl.BlockSpec((1, _H), lambda i: (0, 0)),
        pl.BlockSpec((1, _H), lambda i: (0, 0)),
        pl.BlockSpec((_H, _H), lambda i: (0, 0)),
        pl.BlockSpec((1, _H), lambda i: (0, 0)),
    ],
    out_specs=pl.BlockSpec((_G, _C), lambda i: (0, 0)),
    out_shape=jax.ShapeDtypeStruct((_G, _C), jnp.float32),
    scratch_shapes=[pltpu.VMEM((128, 128), jnp.float32)],
)


def kernel(x, edge_index, batch,
           W_rel0, b_rel0, W_root0,
           W_rel1, b_rel1, W_root1,
           W_mlp1, b_mlp1, bn_gamma, bn_beta,
           W_mlp2, b_mlp2):
    src, dst = _split(edge_index)

    p0 = _sc_edge_agg(x, src, dst)
    r0 = _root(x, W_root0)
    h1 = _combine(p0, r0, W_rel0, b_rel0.reshape(1, _H))

    p1 = _sc_edge_agg(h1, src, dst)
    r1 = _root(h1, W_root1)

    bounds = jnp.searchsorted(batch, jnp.arange(_G + 1, dtype=jnp.int32)
                              ).astype(jnp.int32)
    lo = jnp.full((1, 128), _N, jnp.int32).at[0, :_G].set(bounds[:_G])
    hi = jnp.zeros((1, 128), jnp.int32).at[0, :_G].set(bounds[1:])

    w2p = jnp.zeros((_H, _H), jnp.float32).at[:, :_C].set(W_mlp2)
    b2p = jnp.zeros((_H,), jnp.float32).at[:_C].set(b_mlp2)
    return _final(p1, r1, W_rel1, b_rel1.reshape(1, _H), lo, hi,
                  W_mlp1, b_mlp1.reshape(1, _H),
                  bn_gamma.reshape(1, _H), bn_beta.reshape(1, _H),
                  w2p, b2p.reshape(1, _H))

# --- scband reference (transcript-rebuilt; emitter-appended) ---
"""Pipeline reference for scband-net-33225867001967 (READ-ONLY COPY).

The authoritative reference and input builder live on the scoring server;
editing this copy changes nothing except your own understanding.
"""

import jax, jax.numpy as jnp
import numpy as np

N = 10000
E = 320000
D = 128
H = 128
C = 40
G = 8


def setup_inputs(seed: int = 0) -> dict:
    key = jax.random.key(seed)
    ks = jax.random.split(key, 16)
    x = jax.random.normal(ks[0], (N, D), dtype=jnp.float32)
    edge_index = jax.random.randint(ks[1], (2, E), 0, N, dtype=jnp.int32)
    batch = jnp.sort(jax.random.randint(ks[2], (N,), 0, G, dtype=jnp.int32))
    s_d = 1.0 / np.sqrt(D)
    s_h = 1.0 / np.sqrt(H)
    W_rel0 = jax.random.uniform(ks[3], (D, H), jnp.float32, -s_d, s_d)
    b_rel0 = jax.random.uniform(ks[4], (H,), jnp.float32, -s_d, s_d)
    W_root0 = jax.random.uniform(ks[5], (D, H), jnp.float32, -s_d, s_d)
    W_rel1 = jax.random.uniform(ks[6], (H, H), jnp.float32, -s_h, s_h)
    b_rel1 = jax.random.uniform(ks[7], (H,), jnp.float32, -s_h, s_h)
    W_root1 = jax.random.uniform(ks[8], (H, H), jnp.float32, -s_h, s_h)
    W_mlp1 = jax.random.uniform(ks[9], (H, H), jnp.float32, -s_h, s_h)
    b_mlp1 = jax.random.uniform(ks[10], (H,), jnp.float32, -s_h, s_h)
    bn_gamma = jnp.ones((H,), jnp.float32)
    bn_beta = jnp.zeros((H,), jnp.float32)
    W_mlp2 = jax.random.uniform(ks[11], (H, C), jnp.float32, -s_h, s_h)
    b_mlp2 = jax.random.uniform(ks[12], (C,), jnp.float32, -s_h, s_h)
    return {
        "x": x, "edge_index": edge_index, "batch": batch,
        "W_rel0": W_rel0, "b_rel0": b_rel0, "W_root0": W_root0,
        "W_rel1": W_rel1, "b_rel1": b_rel1, "W_root1": W_root1,
        "W_mlp1": W_mlp1, "b_mlp1": b_mlp1,
        "bn_gamma": bn_gamma, "bn_beta": bn_beta,
        "W_mlp2": W_mlp2, "b_mlp2": b_mlp2,
    }


def reference(x, edge_index, batch,
              W_rel0, b_rel0, W_root0,
              W_rel1, b_rel1, W_root1,
              W_mlp1, b_mlp1, bn_gamma, bn_beta,
              W_mlp2, b_mlp2):
    src = edge_index[0]
    dst = edge_index[1]
    h = x
    # GraphConv layer 0: aggregate neighbor features (add), lin_rel + lin_root, relu
    agg = jax.ops.segment_sum(h[src], dst, num_segments=N)
    h = jax.nn.relu(agg @ W_rel0 + b_rel0 + h @ W_root0)
    # GraphConv layer 1
    agg = jax.ops.segment_sum(h[src], dst, num_segments=N)
    h = jax.nn.relu(agg @ W_rel1 + b_rel1 + h @ W_root1)
    # global add pool over graphs in batch
    g = jax.ops.segment_sum(h, batch, num_segments=G)
    # MLP([H, H, C]): Linear -> BatchNorm (train-mode batch stats) -> ReLU -> Linear
    z = g @ W_mlp1 + b_mlp1
    mean = jnp.mean(z, axis=0)
    var = jnp.var(z, axis=0)
    z = (z - mean) / jnp.sqrt(var + 1e-5) * bn_gamma + bn_beta
    z = jax.nn.relu(z)
    out = z @ W_mlp2 + b_mlp2
    return out

if __name__ == "__main__":
    import jax
    _d = setup_inputs()
    print(jax.jit(kernel)(*tuple(_d.values())))

</pallas_src>

<mosaic_0001>
#map = affine_map<(d0, d1) -> (0, 0)>
#map1 = affine_map<(d0, d1) -> (0)>
#map2 = affine_map<(d0, d1) -> (0, 0, 0)>
module attributes {stable_mosaic.version = 14 : i64} {
  func.func @_sc_edge_agg(%arg0: i32, %arg1: i32, %arg2: memref<10000x128xf32, #tpu.memory_space<hbm>>, %arg3: memref<320000xi32, #tpu.memory_space<hbm>>, %arg4: memref<320000xi32, #tpu.memory_space<hbm>>, %arg5: memref<2x10000x128xf32, #tpu.memory_space<hbm>>, %arg6: memref<10000x128xf32, #tpu.memory_space<vmem_shared>>, %arg7: memref<10000xi32, #tpu.memory_space<vmem>>, %arg8: memref<3x80xi32, #tpu.memory_space<vmem>>, %arg9: memref<16x128xf32, #tpu.memory_space<vmem>>, %arg10: memref<80x128xf32, #tpu.memory_space<vmem>>, %arg11: memref<80x128xf32, #tpu.memory_space<vmem>>, %arg12: memref<80x128xf32, #tpu.memory_space<vmem>>, %arg13: memref<!tpu.dma_semaphore, #tpu.memory_space<semaphore_mem>>, %arg14: memref<!tpu.dma_semaphore, #tpu.memory_space<semaphore_mem>>, %arg15: memref<!tpu.dma_semaphore, #tpu.memory_space<semaphore_mem>>, %arg16: memref<!tpu.dma_semaphore, #tpu.memory_space<semaphore_mem>>, %arg17: memref<!tpu.dma_semaphore, #tpu.memory_space<semaphore_mem>>, %arg18: memref<!tpu.dma_semaphore, #tpu.memory_space<semaphore_mem>>) attributes {dimension_semantics = [#tpu.dimension_semantics<core_parallel>, #tpu.dimension_semantics<subcore_parallel>], iteration_bounds = array<i64: 2, 16>, scalar_prefetch = 0 : i64, scratch_operands = 13 : i64, tpu.core_type = #tpu.core_type<sc_vector_subcore>, window_params = [{transform_indices = #map}, {transform_indices = #map1}, {transform_indices = #map1}, {transform_indices = #map2}]} {
    %mul3A = arith.constant 16 : i32
    %mul3A_0 = arith.muli %arg0, %mul3A : i32
    %add3A = arith.addi %mul3A_0, %arg1 : i32
    %mul3A_1 = arith.constant 10000 : i32
    %mul3A_2 = arith.muli %add3A, %mul3A_1 : i32
    "tpu.region"() ({
      %run_scoped3A_108 = tpu.sem_alloc : memref<!tpu.dma_semaphore, #tpu.memory_space<semaphore_mem>>
      %dma_start3A_109 = tpu.memref_slice %arg3[%mul3A_2] : memref<320000xi32, #tpu.memory_space<hbm>> -> memref<10000xi32, #tpu.memory_space<hbm>>
      %dma_start3A_110 = tpu.memref_slice %arg3[%mul3A_2] : memref<320000xi32, #tpu.memory_space<hbm>> -> memref<10000xi32, #tpu.memory_space<hbm>>
      tpu.enqueue_dma source(%dma_start3A_110 : memref<10000xi32, #tpu.memory_space<hbm>>) target(%arg7 : memref<10000xi32, #tpu.memory_space<vmem>>) target_semaphore(%run_scoped3A_108 : memref<!tpu.dma_semaphore, #tpu.memory_space<semaphore_mem>>)
      %dma_wait3A_111 = tpu.memref_slice %arg3[%mul3A_2] : memref<320000xi32, #tpu.memory_space<hbm>> -> memref<10000xi32, #tpu.memory_space<hbm>>
      %dma_wait3A_112 = tpu.memref_slice %arg3[%mul3A_2] : memref<320000xi32, #tpu.memory_space<hbm>> -> memref<10000xi32, #tpu.memory_space<hbm>>
      tpu.wait_dma2 semaphore(%run_scoped3A_108 : memref<!tpu.dma_semaphore, #tpu.memory_space<semaphore_mem>>) src(%dma_wait3A_112 : memref<10000xi32, #tpu.memory_space<hbm>>) dst(%arg7 : memref<10000xi32, #tpu.memory_space<vmem>>)
      tpu.yield
    }) : () -> ()
    %add3A_3 = arith.constant 0 : i32
    %add3A_4 = arith.addi %mul3A_2, %add3A_3 : i32
    %dma_start3A = arith.constant 0 : i32
    %dma_start3A_5 = arith.constant 0 : i32
    %dma_start3A_6 = tpu.memref_slice %arg8[%dma_start3A, %dma_start3A_5] : memref<3x80xi32, #tpu.memory_space<vmem>> -> memref<1x80xi32, #tpu.memory_space<vmem>>
    %dma_start3A_7 = tpu.memref_squeeze %dma_start3A_6 : memref<1x80xi32, #tpu.memory_space<vmem>> -> memref<80xi32, #tpu.memory_space<vmem>>
    %dma_start3A_8 = tpu.memref_slice %arg4[%add3A_4] : memref<320000xi32, #tpu.memory_space<hbm>> -> memref<80xi32, #tpu.memory_space<hbm>>
    %dma_start3A_9 = arith.constant 0 : i32
    %dma_start3A_10 = tpu.memref_slice %arg8[%dma_start3A, %dma_start3A_9] : memref<3x80xi32, #tpu.memory_space<vmem>> -> memref<1x80xi32, #tpu.memory_space<vmem>>
    %dma_start3A_11 = tpu.memref_squeeze %dma_start3A_10 : memref<1x80xi32, #tpu.memory_space<vmem>> -> memref<80xi32, #tpu.memory_space<vmem>>
    %dma_start3A_12 = tpu.memref_slice %arg4[%add3A_4] : memref<320000xi32, #tpu.memory_space<hbm>> -> memref<80xi32, #tpu.memory_space<hbm>>
    tpu.enqueue_dma source(%dma_start3A_12 : memref<80xi32, #tpu.memory_space<hbm>>) target(%dma_start3A_11 : memref<80xi32, #tpu.memory_space<vmem>>) target_semaphore(%arg16 : memref<!tpu.dma_semaphore, #tpu.memory_space<semaphore_mem>>)
    %dma_start3A_13 = arith.constant 0 : i32
    %dma_start3A_14 = tpu.memref_slice %arg7[%dma_start3A_13] : memref<10000xi32, #tpu.memory_space<vmem>> -> memref<80xi32, #tpu.memory_space<vmem>>
    %dma_start3A_15 = arith.constant 0 : i32
    %dma_start3A_16 = arith.constant 0 : i32
    %dma_start3A_17 = tpu.memref_slice %arg2[%dma_start3A_15, %dma_start3A_16] : memref<10000x128xf32, #tpu.memory_space<hbm>> -> memref<10000x128xf32, #tpu.memory_space<hbm>>
    tpu.enqueue_indirect_dma source(%dma_start3A_17 : memref<10000x128xf32, #tpu.memory_space<hbm>>) target(%arg10 : memref<80x128xf32, #tpu.memory_space<vmem>>) offsets(%dma_start3A_14 : memref<80xi32, #tpu.memory_space<vmem>>) semaphore(%arg13 : memref<!tpu.dma_semaphore, #tpu.memory_space<semaphore_mem>>)
    %add3A_18 = arith.constant 80 : i32
    %add3A_19 = arith.addi %mul3A_2, %add3A_18 : i32
    %dma_start3A_20 = arith.constant 1 : i32
    %dma_start3A_21 = arith.constant 0 : i32
    %dma_start3A_22 = tpu.memref_slice %arg8[%dma_start3A_20, %dma_start3A_21] : memref<3x80xi32, #tpu.memory_space<vmem>> -> memref<1x80xi32, #tpu.memory_space<vmem>>
    %dma_start3A_23 = tpu.memref_squeeze %dma_start3A_22 : memref<1x80xi32, #tpu.memory_space<vmem>> -> memref<80xi32, #tpu.memory_space<vmem>>
    %dma_start3A_24 = tpu.memref_slice %arg4[%add3A_19] : memref<320000xi32, #tpu.memory_space<hbm>> -> memref<80xi32, #tpu.memory_space<hbm>>
    %dma_start3A_25 = arith.constant 0 : i32
    %dma_start3A_26 = tpu.memref_slice %arg8[%dma_start3A_20, %dma_start3A_25] : memref<3x80xi32, #tpu.memory_space<vmem>> -> memref<1x80xi32, #tpu.memory_space<vmem>>
    %dma_start3A_27 = tpu.memref_squeeze %dma_start3A_26 : memref<1x80xi32, #tpu.memory_space<vmem>> -> memref<80xi32, #tpu.memory_space<vmem>>
    %dma_start3A_28 = tpu.memref_slice %arg4[%add3A_19] : memref<320000xi32, #tpu.memory_space<hbm>> -> memref<80xi32, #tpu.memory_space<hbm>>
    tpu.enqueue_dma source(%dma_start3A_28 : memref<80xi32, #tpu.memory_space<hbm>>) target(%dma_start3A_27 : memref<80xi32, #tpu.memory_space<vmem>>) target_semaphore(%arg17 : memref<!tpu.dma_semaphore, #tpu.memory_space<semaphore_mem>>)
    %dma_start3A_29 = arith.constant 80 : i32
    %dma_start3A_30 = tpu.memref_slice %arg7[%dma_start3A_29] : memref<10000xi32, #tpu.memory_space<vmem>> -> memref<80xi32, #tpu.memory_space<vmem>>
    %dma_start3A_31 = arith.constant 0 : i32
    %dma_start3A_32 = arith.constant 0 : i32
    %dma_start3A_33 = tpu.memref_slice %arg2[%dma_start3A_31, %dma_start3A_32] : memref<10000x128xf32, #tpu.memory_space<hbm>> -> memref<10000x128xf32, #tpu.memory_space<hbm>>
    tpu.enqueue_indirect_dma source(%dma_start3A_33 : memref<10000x128xf32, #tpu.memory_space<hbm>>) target(%arg11 : memref<80x128xf32, #tpu.memory_space<vmem>>) offsets(%dma_start3A_30 : memref<80xi32, #tpu.memory_space<vmem>>) semaphore(%arg14 : memref<!tpu.dma_semaphore, #tpu.memory_space<semaphore_mem>>)
    %add3A_34 = arith.constant 160 : i32
    %add3A_35 = arith.addi %mul3A_2, %add3A_34 : i32
    %dma_start3A_36 = arith.constant 2 : i32
    %dma_start3A_37 = arith.constant 0 : i32
    %dma_start3A_38 = tpu.memref_slice %arg8[%dma_start3A_36, %dma_start3A_37] : memref<3x80xi32, #tpu.memory_space<vmem>> -> memref<1x80xi32, #tpu.memory_space<vmem>>
    %dma_start3A_39 = tpu.memref_squeeze %dma_start3A_38 : memref<1x80xi32, #tpu.memory_space<vmem>> -> memref<80xi32, #tpu.memory_space<vmem>>
    %dma_start3A_40 = tpu.memref_slice %arg4[%add3A_35] : memref<320000xi32, #tpu.memory_space<hbm>> -> memref<80xi32, #tpu.memory_space<hbm>>
    %dma_start3A_41 = arith.constant 0 : i32
    %dma_start3A_42 = tpu.memref_slice %arg8[%dma_start3A_36, %dma_start3A_41] : memref<3x80xi32, #tpu.memory_space<vmem>> -> memref<1x80xi32, #tpu.memory_space<vmem>>
    %dma_start3A_43 = tpu.memref_squeeze %dma_start3A_42 : memref<1x80xi32, #tpu.memory_space<vmem>> -> memref<80xi32, #tpu.memory_space<vmem>>
    %dma_start3A_44 = tpu.memref_slice %arg4[%add3A_35] : memref<320000xi32, #tpu.memory_space<hbm>> -> memref<80xi32, #tpu.memory_space<hbm>>
    tpu.enqueue_dma source(%dma_start3A_44 : memref<80xi32, #tpu.memory_space<hbm>>) target(%dma_start3A_43 : memref<80xi32, #tpu.memory_space<vmem>>) target_semaphore(%arg18 : memref<!tpu.dma_semaphore, #tpu.memory_space<semaphore_mem>>)
    %dma_start3A_45 = arith.constant 160 : i32
    %dma_start3A_46 = tpu.memref_slice %arg7[%dma_start3A_45] : memref<10000xi32, #tpu.memory_space<vmem>> -> memref<80xi32, #tpu.memory_space<vmem>>
    %dma_start3A_47 = arith.constant 0 : i32
    %dma_start3A_48 = arith.constant 0 : i32
    %dma_start3A_49 = tpu.memref_slice %arg2[%dma_start3A_47, %dma_start3A_48] : memref<10000x128xf32, #tpu.memory_space<hbm>> -> memref<10000x128xf32, #tpu.memory_space<hbm>>
    tpu.enqueue_indirect_dma source(%dma_start3A_49 : memref<10000x128xf32, #tpu.memory_space<hbm>>) target(%arg12 : memref<80x128xf32, #tpu.memory_space<vmem>>) offsets(%dma_start3A_46 : memref<80xi32, #tpu.memory_space<vmem>>) semaphore(%arg15 : memref<!tpu.dma_semaphore, #tpu.memory_space<semaphore_mem>>)
    %scan3A = arith.constant 0 : i32
    %scan3A_50 = arith.constant 8 : i32
    %scan3A_51 = arith.addi %scan3A, %scan3A_50 : i32
    %scan3A_52 = arith.constant 1 : i32
    scf.for %scan3A_108 = %scan3A to %scan3A_51 step %scan3A_52  : i32 {
      %mul3A_109 = arith.constant 1 : i32
      %mul3A_110 = arith.muli %scan3A_108, %mul3A_109 : i32
      %add3A_111 = arith.constant 0 : i32
      %add3A_112 = arith.addi %add3A_111, %mul3A_110 : i32
      %scan3A_113 = arith.constant 0 : i32
      %scan3A_114 = arith.constant 16 : i32
      %scan3A_115 = arith.addi %scan3A_113, %scan3A_114 : i32
      %scan3A_116 = arith.constant 1 : i32
      scf.for %scan3A_118 = %scan3A_113 to %scan3A_115 step %scan3A_116  : i32 {
        %mul3A_119 = arith.constant 1 : i32
        %mul3A_120 = arith.muli %scan3A_118, %mul3A_119 : i32
        %add3A_121 = arith.constant 0 : i32
        %add3A_122 = arith.addi %add3A_121, %mul3A_120 : i32
        %broadcast_in_dim3A = arith.constant 0.000000e+00 : f32
        %broadcast_in_dim3A_123 = vector.broadcast %broadcast_in_dim3A : f32 to vector<16xf32>
        %mul3A_124 = arith.constant 16 : i32
        %mul3A_125 = arith.muli %add3A_112, %mul3A_124 : i32
        %swap3A = arith.index_cast %add3A_122 : i32 to index
        %swap3A_126 = arith.index_cast %mul3A_125 : i32 to index
        %swap3A_127 = tpu.vector_load %arg9[%swap3A, %swap3A_126] {strides = array<i32>} : memref<16x128xf32, #tpu.memory_space<vmem>>, vector<1x16xf32>,
        %swap3A_128 = vector.shape_cast %swap3A_127 : vector<1x16xf32> to vector<16xf32>
        %swap3A_129 = vector.shape_cast %broadcast_in_dim3A_123 : vector<16xf32> to vector<1x16xf32>
        tpu.vector_store %arg9[%swap3A, %swap3A_126], %swap3A_129 {strides = array<i32>} : memref<16x128xf32, #tpu.memory_space<vmem>>, vector<1x16xf32>,
      }
      %scan3A_117 = arith.constant 16 : i32
    }
    %scan3A_53 = arith.constant 8 : i32
    %scan3A_54 = arith.constant 0 : i32
    %scan3A_55 = arith.constant 39 : i32
    %scan3A_56 = arith.addi %scan3A_54, %scan3A_55 : i32
    %scan3A_57 = arith.constant 1 : i32
    scf.for %scan3A_108 = %scan3A_54 to %scan3A_56 step %scan3A_57  : i32 {
      %mul3A_109 = arith.constant 1 : i32
      %mul3A_110 = arith.muli %scan3A_108, %mul3A_109 : i32
      %add3A_111 = arith.constant 0 : i32
      %add3A_112 = arith.addi %add3A_111, %mul3A_110 : i32
      %mul3A_113 = arith.constant 624 : i32
      %mul3A_114 = arith.muli %arg1, %mul3A_113 : i32
      %mul3A_115 = arith.constant 16 : i32
      %mul3A_116 = arith.muli %add3A_112, %mul3A_115 : i32
      %add3A_117 = arith.addi %mul3A_114, %mul3A_116 : i32
      "tpu.region"() ({
        %run_scoped3A_118 = tpu.sem_alloc : memref<!tpu.dma_semaphore, #tpu.memory_space<semaphore_mem>>
        %dma_start3A_119 = arith.constant 0 : i32
        %dma_start3A_120 = tpu.memref_slice %arg6[%add3A_117, %dma_start3A_119] : memref<10000x128xf32, #tpu.memory_space<vmem_shared>> -> memref<16x128xf32, #tpu.memory_space<vmem_shared>>
        %dma_start3A_121 = arith.constant 0 : i32
        %dma_start3A_122 = tpu.memref_slice %arg6[%add3A_117, %dma_start3A_121] : memref<10000x128xf32, #tpu.memory_space<vmem_shared>> -> memref<16x128xf32, #tpu.memory_space<vmem_shared>>
        tpu.enqueue_dma source(%arg9 : memref<16x128xf32, #tpu.memory_space<vmem>>) target(%dma_start3A_122 : memref<16x128xf32, #tpu.memory_space<vmem_shared>>) target_semaphore(%run_scoped3A_118 : memref<!tpu.dma_semaphore, #tpu.memory_space<semaphore_mem>>)
        %dma_wait3A_123 = arith.constant 0 : i32
        %dma_wait3A_124 = tpu.memref_slice %arg6[%add3A_117, %dma_wait3A_123] : memref<10000x128xf32, #tpu.memory_space<vmem_shared>> -> memref<16x128xf32, #tpu.memory_space<vmem_shared>>
        %dma_wait3A_125 = arith.constant 0 : i32
        %dma_wait3A_126 = tpu.memref_slice %arg6[%add3A_117, %dma_wait3A_125] : memref<10000x128xf32, #tpu.memory_space<vmem_shared>> -> memref<16x128xf32, #tpu.memory_space<vmem_shared>>
        tpu.wait_dma2 semaphore(%run_scoped3A_118 : memref<!tpu.dma_semaphore, #tpu.memory_space<semaphore_mem>>) src(%arg9 : memref<16x128xf32, #tpu.memory_space<vmem>>) dst(%dma_wait3A_126 : memref<16x128xf32, #tpu.memory_space<vmem_shared>>)
        tpu.yield
      }) : () -> ()
    }
    %scan3A_58 = arith.constant 39 : i32
    %eq3A = arith.constant 15 : i32
    %eq3A_59 = arith.cmpi eq, %arg1, %eq3A : i32
    %convert_element_type3A = arith.extui %eq3A_59 : i1 to i32
    %cond3A = arith.constant 0 : i32
    %cond3A_60 = arith.cmpi ne, %convert_element_type3A, %cond3A : i32
    scf.if %cond3A_60 {
      "tpu.region"() ({
        %run_scoped3A_108 = tpu.sem_alloc : memref<!tpu.dma_semaphore, #tpu.memory_space<semaphore_mem>>
        %dma_start3A_109 = arith.constant 0 : i32
        %dma_start3A_110 = arith.constant 0 : i32
        %dma_start3A_111 = tpu.memref_slice %arg9[%dma_start3A_109, %dma_start3A_110] : memref<16x128xf32, #tpu.memory_space<vmem>> -> memref<16x128xf32, #tpu.memory_space<vmem>>
        %dma_start3A_112 = arith.constant 9984 : i32
        %dma_start3A_113 = arith.constant 0 : i32
        %dma_start3A_114 = tpu.memref_slice %arg6[%dma_start3A_112, %dma_start3A_113] : memref<10000x128xf32, #tpu.memory_space<vmem_shared>> -> memref<16x128xf32, #tpu.memory_space<vmem_shared>>
        %dma_start3A_115 = arith.constant 9984 : i32
        %dma_start3A_116 = arith.constant 0 : i32
        %dma_start3A_117 = tpu.memref_slice %arg6[%dma_start3A_115, %dma_start3A_116] : memref<10000x128xf32, #tpu.memory_space<vmem_shared>> -> memref<16x128xf32, #tpu.memory_space<vmem_shared>>
        %dma_start3A_118 = arith.constant 0 : i32
        %dma_start3A_119 = arith.constant 0 : i32
        %dma_start3A_120 = tpu.memref_slice %arg9[%dma_start3A_118, %dma_start3A_119] : memref<16x128xf32, #tpu.memory_space<vmem>> -> memref<16x128xf32, #tpu.memory_space<vmem>>
        tpu.enqueue_dma source(%dma_start3A_120 : memref<16x128xf32, #tpu.memory_space<vmem>>) target(%dma_start3A_117 : memref<16x128xf32, #tpu.memory_space<vmem_shared>>) target_semaphore(%run_scoped3A_108 : memref<!tpu.dma_semaphore, #tpu.memory_space<semaphore_mem>>)
        %dma_wait3A_121 = arith.constant 0 : i32
        %dma_wait3A_122 = arith.constant 0 : i32
        %dma_wait3A_123 = tpu.memref_slice %arg9[%dma_wait3A_121, %dma_wait3A_122] : memref<16x128xf32, #tpu.memory_space<vmem>> -> memref<16x128xf32, #tpu.memory_space<vmem>>
        %dma_wait3A_124 = arith.constant 9984 : i32
        %dma_wait3A_125 = arith.constant 0 : i32
        %dma_wait3A_126 = tpu.memref_slice %arg6[%dma_wait3A_124, %dma_wait3A_125] : memref<10000x128xf32, #tpu.memory_space<vmem_shared>> -> memref<16x128xf32, #tpu.memory_space<vmem_shared>>
        %dma_wait3A_127 = arith.constant 9984 : i32
        %dma_wait3A_128 = arith.constant 0 : i32
        %dma_wait3A_129 = tpu.memref_slice %arg6[%dma_wait3A_127, %dma_wait3A_128] : memref<10000x128xf32, #tpu.memory_space<vmem_shared>> -> memref<16x128xf32, #tpu.memory_space<vmem_shared>>
        %dma_wait3A_130 = arith.constant 0 : i32
        %dma_wait3A_131 = arith.constant 0 : i32
        %dma_wait3A_132 = tpu.memref_slice %arg9[%dma_wait3A_130, %dma_wait3A_131] : memref<16x128xf32, #tpu.memory_space<vmem>> -> memref<16x128xf32, #tpu.memory_space<vmem>>
        tpu.wait_dma2 semaphore(%run_scoped3A_108 : memref<!tpu.dma_semaphore, #tpu.memory_space<semaphore_mem>>) src(%dma_wait3A_132 : memref<16x128xf32, #tpu.memory_space<vmem>>) dst(%dma_wait3A_129 : memref<16x128xf32, #tpu.memory_space<vmem_shared>>)
        tpu.yield
      }) : () -> ()
    } else {
    }
    %barrier3A = arith.constant 0 : index
    tpu.barrier barrier_id(%barrier3A)
    %scan3A_61 = arith.constant 0 : i32
    %scan3A_62 = arith.constant 41 : i32
    %scan3A_63 = arith.addi %scan3A_61, %scan3A_62 : i32
    %scan3A_64 = arith.constant 1 : i32
    scf.for %scan3A_108 = %scan3A_61 to %scan3A_63 step %scan3A_64  : i32 {
      %mul3A_109 = arith.constant 1 : i32
      %mul3A_110 = arith.muli %scan3A_108, %mul3A_109 : i32
      %add3A_111 = arith.constant 0 : i32
      %add3A_112 = arith.addi %add3A_111, %mul3A_110 : i32
      %mul3A_113 = arith.constant 3 : i32
      %mul3A_114 = arith.muli %add3A_112, %mul3A_113 : i32
      %add3A_115 = arith.constant 0 : i32
      %add3A_116 = arith.addi %mul3A_114, %add3A_115 : i32
      %mul3A_117 = arith.constant 80 : i32
      %mul3A_118 = arith.muli %add3A_116, %mul3A_117 : i32
      %add3A_119 = arith.addi %mul3A_2, %mul3A_118 : i32
      %dma_wait3A_120 = arith.constant 0 : i32
      %dma_wait3A_121 = arith.constant 0 : i32
      %dma_wait3A_122 = tpu.memref_slice %arg8[%dma_wait3A_120, %dma_wait3A_121] : memref<3x80xi32, #tpu.memory_space<vmem>> -> memref<1x80xi32, #tpu.memory_space<vmem>>
      %dma_wait3A_123 = tpu.memref_squeeze %dma_wait3A_122 : memref<1x80xi32, #tpu.memory_space<vmem>> -> memref<80xi32, #tpu.memory_space<vmem>>
      %dma_wait3A_124 = tpu.memref_slice %arg4[%add3A_119] : memref<320000xi32, #tpu.memory_space<hbm>> -> memref<80xi32, #tpu.memory_space<hbm>>
      %dma_wait3A_125 = arith.constant 0 : i32
      %dma_wait3A_126 = tpu.memref_slice %arg8[%dma_wait3A_120, %dma_wait3A_125] : memref<3x80xi32, #tpu.memory_space<vmem>> -> memref<1x80xi32, #tpu.memory_space<vmem>>
      %dma_wait3A_127 = tpu.memref_squeeze %dma_wait3A_126 : memref<1x80xi32, #tpu.memory_space<vmem>> -> memref<80xi32, #tpu.memory_space<vmem>>
      %dma_wait3A_128 = tpu.memref_slice %arg4[%add3A_119] : memref<320000xi32, #tpu.memory_space<hbm>> -> memref<80xi32, #tpu.memory_space<hbm>>
      tpu.wait_dma2 semaphore(%arg16 : memref<!tpu.dma_semaphore, #tpu.memory_space<semaphore_mem>>) src(%dma_wait3A_128 : memref<80xi32, #tpu.memory_space<hbm>>) dst(%dma_wait3A_127 : memref<80xi32, #tpu.memory_space<vmem>>)
      %dma_wait3A_129 = arith.constant 0 : i32
      %dma_wait3A_130 = tpu.memref_slice %arg7[%dma_wait3A_129] : memref<10000xi32, #tpu.memory_space<vmem>> -> memref<80xi32, #tpu.memory_space<vmem>>
      %dma_wait3A_131 = arith.constant 0 : i32
      %dma_wait3A_132 = arith.constant 0 : i32
      %dma_wait3A_133 = tpu.memref_slice %arg2[%dma_wait3A_131, %dma_wait3A_132] : memref<10000x128xf32, #tpu.memory_space<hbm>> -> memref<10000x128xf32, #tpu.memory_space<hbm>>
      tpu.wait_indirect_dma semaphore(%arg13 : memref<!tpu.dma_semaphore, #tpu.memory_space<semaphore_mem>>) src(%dma_wait3A_133 : memref<10000x128xf32, #tpu.memory_space<hbm>>) dst(%arg10 : memref<80x128xf32, #tpu.memory_space<vmem>>)
      %run_scoped3A_134 = arith.constant 0 : i32
      "tpu.region"() ({
        %run_scoped3A_199 = tpu.sem_alloc : memref<!tpu.dma_semaphore, #tpu.memory_space<semaphore_mem>>
        %dma_start3A_200 = arith.constant 0 : i32
        %dma_start3A_201 = tpu.memref_slice %arg8[%run_scoped3A_134, %dma_start3A_200] : memref<3x80xi32, #tpu.memory_space<vmem>> -> memref<1x80xi32, #tpu.memory_space<vmem>>
        %dma_start3A_202 = tpu.memref_squeeze %dma_start3A_201 : memref<1x80xi32, #tpu.memory_space<vmem>> -> memref<80xi32, #tpu.memory_space<vmem>>
        %dma_start3A_203 = arith.constant 0 : i32
        %dma_start3A_204 = arith.constant 0 : i32
        %dma_start3A_205 = tpu.memref_slice %arg6[%dma_start3A_203, %dma_start3A_204] : memref<10000x128xf32, #tpu.memory_space<vmem_shared>> -> memref<10000x128xf32, #tpu.memory_space<vmem_shared>>
        tpu.enqueue_indirect_dma source(%arg10 : memref<80x128xf32, #tpu.memory_space<vmem>>) target(%dma_start3A_205 : memref<10000x128xf32, #tpu.memory_space<vmem_shared>>) offsets(%dma_start3A_202 : memref<80xi32, #tpu.memory_space<vmem>>) semaphore(%run_scoped3A_199 : memref<!tpu.dma_semaphore, #tpu.memory_space<semaphore_mem>>) {add = true}
        %dma_wait3A_206 = arith.constant 0 : i32
        %dma_wait3A_207 = tpu.memref_slice %arg8[%run_scoped3A_134, %dma_wait3A_206] : memref<3x80xi32, #tpu.memory_space<vmem>> -> memref<1x80xi32, #tpu.memory_space<vmem>>
        %dma_wait3A_208 = tpu.memref_squeeze %dma_wait3A_207 : memref<1x80xi32, #tpu.memory_space<vmem>> -> memref<80xi32, #tpu.memory_space<vmem>>
        %dma_wait3A_209 = arith.constant 0 : i32
        %dma_wait3A_210 = arith.constant 0 : i32
        %dma_wait3A_211 = tpu.memref_slice %arg6[%dma_wait3A_209, %dma_wait3A_210] : memref<10000x128xf32, #tpu.memory_space<vmem_shared>> -> memref<10000x128xf32, #tpu.memory_space<vmem_shared>>
        tpu.wait_indirect_dma semaphore(%run_scoped3A_199 : memref<!tpu.dma_semaphore, #tpu.memory_space<semaphore_mem>>) src(%arg10 : memref<80x128xf32, #tpu.memory_space<vmem>>) dst(%dma_wait3A_211 : memref<10000x128xf32, #tpu.memory_space<vmem_shared>>)
        tpu.yield
      }) : () -> ()
      %add3A_135 = arith.constant 3 : i32
      %add3A_136 = arith.addi %add3A_116, %add3A_135 : i32
      %lt3A = arith.constant 125 : i32
      %lt3A_137 = arith.cmpi slt, %add3A_136, %lt3A : i32
      %convert_element_type3A_138 = arith.extui %lt3A_137 : i1 to i32
      %cond3A_139 = arith.constant 0 : i32
      %cond3A_140 = arith.cmpi ne, %convert_element_type3A_138, %cond3A_139 : i32
      scf.if %cond3A_140 {
        %add3A_199 = arith.constant 3 : i32
        %add3A_200 = arith.addi %add3A_116, %add3A_199 : i32
        %mul3A_201 = arith.constant 80 : i32
        %mul3A_202 = arith.muli %add3A_200, %mul3A_201 : i32
        %add3A_203 = arith.addi %mul3A_2, %mul3A_202 : i32
        %dma_start3A_204 = arith.constant 0 : i32
        %dma_start3A_205 = arith.constant 0 : i32
        %dma_start3A_206 = tpu.memref_slice %arg8[%dma_start3A_204, %dma_start3A_205] : memref<3x80xi32, #tpu.memory_space<vmem>> -> memref<1x80xi32, #tpu.memory_space<vmem>>
        %dma_start3A_207 = tpu.memref_squeeze %dma_start3A_206 : memref<1x80xi32, #tpu.memory_space<vmem>> -> memref<80xi32, #tpu.memory_space<vmem>>
        %dma_start3A_208 = tpu.memref_slice %arg4[%add3A_203] : memref<320000xi32, #tpu.memory_space<hbm>> -> memref<80xi32, #tpu.memory_space<hbm>>
        %dma_start3A_209 = arith.constant 0 : i32
        %dma_start3A_210 = tpu.memref_slice %arg8[%dma_start3A_204, %dma_start3A_209] : memref<3x80xi32, #tpu.memory_space<vmem>> -> memref<1x80xi32, #tpu.memory_space<vmem>>
        %dma_start3A_211 = tpu.memref_squeeze %dma_start3A_210 : memref<1x80xi32, #tpu.memory_space<vmem>> -> memref<80xi32, #tpu.memory_space<vmem>>
        %dma_start3A_212 = tpu.memref_slice %arg4[%add3A_203] : memref<320000xi32, #tpu.memory_space<hbm>> -> memref<80xi32, #tpu.memory_space<hbm>>
        tpu.enqueue_dma source(%dma_start3A_212 : memref<80xi32, #tpu.memory_space<hbm>>) target(%dma_start3A_211 : memref<80xi32, #tpu.memory_space<vmem>>) target_semaphore(%arg16 : memref<!tpu.dma_semaphore, #tpu.memory_space<semaphore_mem>>)
        %add3A_213 = arith.constant 3 : i32
        %add3A_214 = arith.addi %add3A_116, %add3A_213 : i32
        %mul3A_215 = arith.constant 80 : i32
        %mul3A_216 = arith.muli %add3A_214, %mul3A_215 : i32
        %dma_start3A_217 = tpu.memref_slice %arg7[%mul3A_216] : memref<10000xi32, #tpu.memory_space<vmem>> -> memref<80xi32, #tpu.memory_space<vmem>>
        %dma_start3A_218 = arith.constant 0 : i32
        %dma_start3A_219 = arith.constant 0 : i32
        %dma_start3A_220 = tpu.memref_slice %arg2[%dma_start3A_218, %dma_start3A_219] : memref<10000x128xf32, #tpu.memory_space<hbm>> -> memref<10000x128xf32, #tpu.memory_space<hbm>>
        tpu.enqueue_indirect_dma source(%dma_start3A_220 : memref<10000x128xf32, #tpu.memory_space<hbm>>) target(%arg10 : memref<80x128xf32, #tpu.memory_space<vmem>>) offsets(%dma_start3A_217 : memref<80xi32, #tpu.memory_space<vmem>>) semaphore(%arg13 : memref<!tpu.dma_semaphore, #tpu.memory_space<semaphore_mem>>)
      } else {
      }
      %mul3A_141 = arith.constant 3 : i32
      %mul3A_142 = arith.muli %add3A_112, %mul3A_141 : i32
      %add3A_143 = arith.constant 1 : i32
      %add3A_144 = arith.addi %mul3A_142, %add3A_143 : i32
      %mul3A_145 = arith.constant 80 : i32
      %mul3A_146 = arith.muli %add3A_144, %mul3A_145 : i32
      %add3A_147 = arith.addi %mul3A_2, %mul3A_146 : i32
      %dma_wait3A_148 = arith.constant 1 : i32
      %dma_wait3A_149 = arith.constant 0 : i32
      %dma_wait3A_150 = tpu.memref_slice %arg8[%dma_wait3A_148, %dma_wait3A_149] : memref<3x80xi32, #tpu.memory_space<vmem>> -> memref<1x80xi32, #tpu.memory_space<vmem>>
      %dma_wait3A_151 = tpu.memref_squeeze %dma_wait3A_150 : memref<1x80xi32, #tpu.memory_space<vmem>> -> memref<80xi32, #tpu.memory_space<vmem>>
      %dma_wait3A_152 = tpu.memref_slice %arg4[%add3A_147] : memref<320000xi32, #tpu.memory_space<hbm>> -> memref<80xi32, #tpu.memory_space<hbm>>
      %dma_wait3A_153 = arith.constant 0 : i32
      %dma_wait3A_154 = tpu.memref_slice %arg8[%dma_wait3A_148, %dma_wait3A_153] : memref<3x80xi32, #tpu.memory_space<vmem>> -> memref<1x80xi32, #tpu.memory_space<vmem>>
      %dma_wait3A_155 = tpu.memref_squeeze %dma_wait3A_154 : memref<1x80xi32, #tpu.memory_space<vmem>> -> memref<80xi32, #tpu.memory_space<vmem>>
      %dma_wait3A_156 = tpu.memref_slice %arg4[%add3A_147] : memref<320000xi32, #tpu.memory_space<hbm>> -> memref<80xi32, #tpu.memory_space<hbm>>
      tpu.wait_dma2 semaphore(%arg17 : memref<!tpu.dma_semaphore, #tpu.memory_space<semaphore_mem>>) src(%dma_wait3A_156 : memref<80xi32, #tpu.memory_space<hbm>>) dst(%dma_wait3A_155 : memref<80xi32, #tpu.memory_space<vmem>>)
      %dma_wait3A_157 = arith.constant 80 : i32
      %dma_wait3A_158 = tpu.memref_slice %arg7[%dma_wait3A_157] : memref<10000xi32, #tpu.memory_space<vmem>> -> memref<80xi32, #tpu.memory_space<vmem>>
      %dma_wait3A_159 = arith.constant 0 : i32
      %dma_wait3A_160 = arith.constant 0 : i32
      %dma_wait3A_161 = tpu.memref_slice %arg2[%dma_wait3A_159, %dma_wait3A_160] : memref<10000x128xf32, #tpu.memory_space<hbm>> -> memref<10000x128xf32, #tpu.memory_space<hbm>>
      tpu.wait_indirect_dma semaphore(%arg14 : memref<!tpu.dma_semaphore, #tpu.memory_space<semaphore_mem>>) src(%dma_wait3A_161 : memref<10000x128xf32, #tpu.memory_space<hbm>>) dst(%arg11 : memref<80x128xf32, #tpu.memory_space<vmem>>)
      %run_scoped3A_162 = arith.constant 1 : i32
      "tpu.region"() ({
        %run_scoped3A_199 = tpu.sem_alloc : memref<!tpu.dma_semaphore, #tpu.memory_space<semaphore_mem>>
        %dma_start3A_200 = arith.constant 0 : i32
        %dma_start3A_201 = tpu.memref_slice %arg8[%run_scoped3A_162, %dma_start3A_200] : memref<3x80xi32, #tpu.memory_space<vmem>> -> memref<1x80xi32, #tpu.memory_space<vmem>>
        %dma_start3A_202 = tpu.memref_squeeze %dma_start3A_201 : memref<1x80xi32, #tpu.memory_space<vmem>> -> memref<80xi32, #tpu.memory_space<vmem>>
        %dma_start3A_203 = arith.constant 0 : i32
        %dma_start3A_204 = arith.constant 0 : i32
        %dma_start3A_205 = tpu.memref_slice %arg6[%dma_start3A_203, %dma_start3A_204] : memref<10000x128xf32, #tpu.memory_space<vmem_shared>> -> memref<10000x128xf32, #tpu.memory_space<vmem_shared>>
        tpu.enqueue_indirect_dma source(%arg11 : memref<80x128xf32, #tpu.memory_space<vmem>>) target(%dma_start3A_205 : memref<10000x128xf32, #tpu.memory_space<vmem_shared>>) offsets(%dma_start3A_202 : memref<80xi32, #tpu.memory_space<vmem>>) semaphore(%run_scoped3A_199 : memref<!tpu.dma_semaphore, #tpu.memory_space<semaphore_mem>>) {add = true}
        %dma_wait3A_206 = arith.constant 0 : i32
        %dma_wait3A_207 = tpu.memref_slice %arg8[%run_scoped3A_162, %dma_wait3A_206] : memref<3x80xi32, #tpu.memory_space<vmem>> -> memref<1x80xi32, #tpu.memory_space<vmem>>
        %dma_wait3A_208 = tpu.memref_squeeze %dma_wait3A_207 : memref<1x80xi32, #tpu.memory_space<vmem>> -> memref<80xi32, #tpu.memory_space<vmem>>
        %dma_wait3A_209 = arith.constant 0 : i32
        %dma_wait3A_210 = arith.constant 0 : i32
        %dma_wait3A_211 = tpu.memref_slice %arg6[%dma_wait3A_209, %dma_wait3A_210] : memref<10000x128xf32, #tpu.memory_space<vmem_shared>> -> memref<10000x128xf32, #tpu.memory_space<vmem_shared>>
        tpu.wait_indirect_dma semaphore(%run_scoped3A_199 : memref<!tpu.dma_semaphore, #tpu.memory_space<semaphore_mem>>) src(%arg11 : memref<80x128xf32, #tpu.memory_space<vmem>>) dst(%dma_wait3A_211 : memref<10000x128xf32, #tpu.memory_space<vmem_shared>>)
        tpu.yield
      }) : () -> ()
      %add3A_163 = arith.constant 3 : i32
      %add3A_164 = arith.addi %add3A_144, %add3A_163 : i32
      %lt3A_165 = arith.constant 125 : i32
      %lt3A_166 = arith.cmpi slt, %add3A_164, %lt3A_165 : i32
      %convert_element_type3A_167 = arith.extui %lt3A_166 : i1 to i32
      %cond3A_168 = arith.constant 0 : i32
      %cond3A_169 = arith.cmpi ne, %convert_element_type3A_167, %cond3A_168 : i32
      scf.if %cond3A_169 {
        %add3A_199 = arith.constant 3 : i32
        %add3A_200 = arith.addi %add3A_144, %add3A_199 : i32
        %mul3A_201 = arith.constant 80 : i32
        %mul3A_202 = arith.muli %add3A_200, %mul3A_201 : i32
        %add3A_203 = arith.addi %mul3A_2, %mul3A_202 : i32
        %dma_start3A_204 = arith.constant 1 : i32
        %dma_start3A_205 = arith.constant 0 : i32
        %dma_start3A_206 = tpu.memref_slice %arg8[%dma_start3A_204, %dma_start3A_205] : memref<3x80xi32, #tpu.memory_space<vmem>> -> memref<1x80xi32, #tpu.memory_space<vmem>>
        %dma_start3A_207 = tpu.memref_squeeze %dma_start3A_206 : memref<1x80xi32, #tpu.memory_space<vmem>> -> memref<80xi32, #tpu.memory_space<vmem>>
        %dma_start3A_208 = tpu.memref_slice %arg4[%add3A_203] : memref<320000xi32, #tpu.memory_space<hbm>> -> memref<80xi32, #tpu.memory_space<hbm>>
        %dma_start3A_209 = arith.constant 0 : i32
        %dma_start3A_210 = tpu.memref_slice %arg8[%dma_start3A_204, %dma_start3A_209] : memref<3x80xi32, #tpu.memory_space<vmem>> -> memref<1x80xi32, #tpu.memory_space<vmem>>
        %dma_start3A_211 = tpu.memref_squeeze %dma_start3A_210 : memref<1x80xi32, #tpu.memory_space<vmem>> -> memref<80xi32, #tpu.memory_space<vmem>>
        %dma_start3A_212 = tpu.memref_slice %arg4[%add3A_203] : memref<320000xi32, #tpu.memory_space<hbm>> -> memref<80xi32, #tpu.memory_space<hbm>>
        tpu.enqueue_dma source(%dma_start3A_212 : memref<80xi32, #tpu.memory_space<hbm>>) target(%dma_start3A_211 : memref<80xi32, #tpu.memory_space<vmem>>) target_semaphore(%arg17 : memref<!tpu.dma_semaphore, #tpu.memory_space<semaphore_mem>>)
        %add3A_213 = arith.constant 3 : i32
        %add3A_214 = arith.addi %add3A_144, %add3A_213 : i32
        %mul3A_215 = arith.constant 80 : i32
        %mul3A_216 = arith.muli %add3A_214, %mul3A_215 : i32
        %dma_start3A_217 = tpu.memref_slice %arg7[%mul3A_216] : memref<10000xi32, #tpu.memory_space<vmem>> -> memref<80xi32, #tpu.memory_space<vmem>>
        %dma_start3A_218 = arith.constant 0 : i32
        %dma_start3A_219 = arith.constant 0 : i32
        %dma_start3A_220 = tpu.memref_slice %arg2[%dma_start3A_218, %dma_start3A_219] : memref<10000x128xf32, #tpu.memory_space<hbm>> -> memref<10000x128xf32, #tpu.memory_space<hbm>>
        tpu.enqueue_indirect_dma source(%dma_start3A_220 : memref<10000x128xf32, #tpu.memory_space<hbm>>) target(%arg11 : memref<80x128xf32, #tpu.memory_space<vmem>>) offsets(%dma_start3A_217 : memref<80xi32, #tpu.memory_space<vmem>>) semaphore(%arg14 : memref<!tpu.dma_semaphore, #tpu.memory_space<semaphore_mem>>)
      } else {
      }
      %mul3A_170 = arith.constant 3 : i32
      %mul3A_171 = arith.muli %add3A_112, %mul3A_170 : i32
      %add3A_172 = arith.constant 2 : i32
      %add3A_173 = arith.addi %mul3A_171, %add3A_172 : i32
      %mul3A_174 = arith.constant 80 : i32
      %mul3A_175 = arith.muli %add3A_173, %mul3A_174 : i32
      %add3A_176 = arith.addi %mul3A_2, %mul3A_175 : i32
      %dma_wait3A_177 = arith.constant 2 : i32
      %dma_wait3A_178 = arith.constant 0 : i32
      %dma_wait3A_179 = tpu.memref_slice %arg8[%dma_wait3A_177, %dma_wait3A_178] : memref<3x80xi32, #tpu.memory_space<vmem>> -> memref<1x80xi32, #tpu.memory_space<vmem>>
      %dma_wait3A_180 = tpu.memref_squeeze %dma_wait3A_179 : memref<1x80xi32, #tpu.memory_space<vmem>> -> memref<80xi32, #tpu.memory_space<vmem>>
      %dma_wait3A_181 = tpu.memref_slice %arg4[%add3A_176] : memref<320000xi32, #tpu.memory_space<hbm>> -> memref<80xi32, #tpu.memory_space<hbm>>
      %dma_wait3A_182 = arith.constant 0 : i32
      %dma_wait3A_183 = tpu.memref_slice %arg8[%dma_wait3A_177, %dma_wait3A_182] : memref<3x80xi32, #tpu.memory_space<vmem>> -> memref<1x80xi32, #tpu.memory_space<vmem>>
      %dma_wait3A_184 = tpu.memref_squeeze %dma_wait3A_183 : memref<1x80xi32, #tpu.memory_space<vmem>> -> memref<80xi32, #tpu.memory_space<vmem>>
      %dma_wait3A_185 = tpu.memref_slice %arg4[%add3A_176] : memref<320000xi32, #tpu.memory_space<hbm>> -> memref<80xi32, #tpu.memory_space<hbm>>
      tpu.wait_dma2 semaphore(%arg18 : memref<!tpu.dma_semaphore, #tpu.memory_space<semaphore_mem>>) src(%dma_wait3A_185 : memref<80xi32, #tpu.memory_space<hbm>>) dst(%dma_wait3A_184 : memref<80xi32, #tpu.memory_space<vmem>>)
      %dma_wait3A_186 = arith.constant 160 : i32
      %dma_wait3A_187 = tpu.memref_slice %arg7[%dma_wait3A_186] : memref<10000xi32, #tpu.memory_space<vmem>> -> memref<80xi32, #tpu.memory_space<vmem>>
      %dma_wait3A_188 = arith.constant 0 : i32
      %dma_wait3A_189 = arith.constant 0 : i32
      %dma_wait3A_190 = tpu.memref_slice %arg2[%dma_wait3A_188, %dma_wait3A_189] : memref<10000x128xf32, #tpu.memory_space<hbm>> -> memref<10000x128xf32, #tpu.memory_space<hbm>>
      tpu.wait_indirect_dma semaphore(%arg15 : memref<!tpu.dma_semaphore, #tpu.memory_space<semaphore_mem>>) src(%dma_wait3A_190 : memref<10000x128xf32, #tpu.memory_space<hbm>>) dst(%arg12 : memref<80x128xf32, #tpu.memory_space<vmem>>)
      %run_scoped3A_191 = arith.constant 2 : i32
      "tpu.region"() ({
        %run_scoped3A_199 = tpu.sem_alloc : memref<!tpu.dma_semaphore, #tpu.memory_space<semaphore_mem>>
        %dma_start3A_200 = arith.constant 0 : i32
        %dma_start3A_201 = tpu.memref_slice %arg8[%run_scoped3A_191, %dma_start3A_200] : memref<3x80xi32, #tpu.memory_space<vmem>> -> memref<1x80xi32, #tpu.memory_space<vmem>>
        %dma_start3A_202 = tpu.memref_squeeze %dma_start3A_201 : memref<1x80xi32, #tpu.memory_space<vmem>> -> memref<80xi32, #tpu.memory_space<vmem>>
        %dma_start3A_203 = arith.constant 0 : i32
        %dma_start3A_204 = arith.constant 0 : i32
        %dma_start3A_205 = tpu.memref_slice %arg6[%dma_start3A_203, %dma_start3A_204] : memref<10000x128xf32, #tpu.memory_space<vmem_shared>> -> memref<10000x128xf32, #tpu.memory_space<vmem_shared>>
        tpu.enqueue_indirect_dma source(%arg12 : memref<80x128xf32, #tpu.memory_space<vmem>>) target(%dma_start3A_205 : memref<10000x128xf32, #tpu.memory_space<vmem_shared>>) offsets(%dma_start3A_202 : memref<80xi32, #tpu.memory_space<vmem>>) semaphore(%run_scoped3A_199 : memref<!tpu.dma_semaphore, #tpu.memory_space<semaphore_mem>>) {add = true}
        %dma_wait3A_206 = arith.constant 0 : i32
        %dma_wait3A_207 = tpu.memref_slice %arg8[%run_scoped3A_191, %dma_wait3A_206] : memref<3x80xi32, #tpu.memory_space<vmem>> -> memref<1x80xi32, #tpu.memory_space<vmem>>
        %dma_wait3A_208 = tpu.memref_squeeze %dma_wait3A_207 : memref<1x80xi32, #tpu.memory_space<vmem>> -> memref<80xi32, #tpu.memory_space<vmem>>
        %dma_wait3A_209 = arith.constant 0 : i32
        %dma_wait3A_210 = arith.constant 0 : i32
        %dma_wait3A_211 = tpu.memref_slice %arg6[%dma_wait3A_209, %dma_wait3A_210] : memref<10000x128xf32, #tpu.memory_space<vmem_shared>> -> memref<10000x128xf32, #tpu.memory_space<vmem_shared>>
        tpu.wait_indirect_dma semaphore(%run_scoped3A_199 : memref<!tpu.dma_semaphore, #tpu.memory_space<semaphore_mem>>) src(%arg12 : memref<80x128xf32, #tpu.memory_space<vmem>>) dst(%dma_wait3A_211 : memref<10000x128xf32, #tpu.memory_space<vmem_shared>>)
        tpu.yield
      }) : () -> ()
      %add3A_192 = arith.constant 3 : i32
      %add3A_193 = arith.addi %add3A_173, %add3A_192 : i32
      %lt3A_194 = arith.constant 125 : i32
      %lt3A_195 = arith.cmpi slt, %add3A_193, %lt3A_194 : i32
      %convert_element_type3A_196 = arith.extui %lt3A_195 : i1 to i32
      %cond3A_197 = arith.constant 0 : i32
      %cond3A_198 = arith.cmpi ne, %convert_element_type3A_196, %cond3A_197 : i32
      scf.if %cond3A_198 {
        %add3A_199 = arith.constant 3 : i32
        %add3A_200 = arith.addi %add3A_173, %add3A_199 : i32
        %mul3A_201 = arith.constant 80 : i32
        %mul3A_202 = arith.muli %add3A_200, %mul3A_201 : i32
        %add3A_203 = arith.addi %mul3A_2, %mul3A_202 : i32
        %dma_start3A_204 = arith.constant 2 : i32
        %dma_start3A_205 = arith.constant 0 : i32
        %dma_start3A_206 = tpu.memref_slice %arg8[%dma_start3A_204, %dma_start3A_205] : memref<3x80xi32, #tpu.memory_space<vmem>> -> memref<1x80xi32, #tpu.memory_space<vmem>>
        %dma_start3A_207 = tpu.memref_squeeze %dma_start3A_206 : memref<1x80xi32, #tpu.memory_space<vmem>> -> memref<80xi32, #tpu.memory_space<vmem>>
        %dma_start3A_208 = tpu.memref_slice %arg4[%add3A_203] : memref<320000xi32, #tpu.memory_space<hbm>> -> memref<80xi32, #tpu.memory_space<hbm>>
        %dma_start3A_209 = arith.constant 0 : i32
        %dma_start3A_210 = tpu.memref_slice %arg8[%dma_start3A_204, %dma_start3A_209] : memref<3x80xi32, #tpu.memory_space<vmem>> -> memref<1x80xi32, #tpu.memory_space<vmem>>
        %dma_start3A_211 = tpu.memref_squeeze %dma_start3A_210 : memref<1x80xi32, #tpu.memory_space<vmem>> -> memref<80xi32, #tpu.memory_space<vmem>>
        %dma_start3A_212 = tpu.memref_slice %arg4[%add3A_203] : memref<320000xi32, #tpu.memory_space<hbm>> -> memref<80xi32, #tpu.memory_space<hbm>>
        tpu.enqueue_dma source(%dma_start3A_212 : memref<80xi32, #tpu.memory_space<hbm>>) target(%dma_start3A_211 : memref<80xi32, #tpu.memory_space<vmem>>) target_semaphore(%arg18 : memref<!tpu.dma_semaphore, #tpu.memory_space<semaphore_mem>>)
        %add3A_213 = arith.constant 3 : i32
        %add3A_214 = arith.addi %add3A_173, %add3A_213 : i32
        %mul3A_215 = arith.constant 80 : i32
        %mul3A_216 = arith.muli %add3A_214, %mul3A_215 : i32
        %dma_start3A_217 = tpu.memref_slice %arg7[%mul3A_216] : memref<10000xi32, #tpu.memory_space<vmem>> -> memref<80xi32, #tpu.memory_space<vmem>>
        %dma_start3A_218 = arith.constant 0 : i32
        %dma_start3A_219 = arith.constant 0 : i32
        %dma_start3A_220 = tpu.memref_slice %arg2[%dma_start3A_218, %dma_start3A_219] : memref<10000x128xf32, #tpu.memory_space<hbm>> -> memref<10000x128xf32, #tpu.memory_space<hbm>>
        tpu.enqueue_indirect_dma source(%dma_start3A_220 : memref<10000x128xf32, #tpu.memory_space<hbm>>) target(%arg12 : memref<80x128xf32, #tpu.memory_space<vmem>>) offsets(%dma_start3A_217 : memref<80xi32, #tpu.memory_space<vmem>>) semaphore(%arg15 : memref<!tpu.dma_semaphore, #tpu.memory_space<semaphore_mem>>)
      } else {
      }
    }
    %scan3A_65 = arith.constant 41 : i32
    %add3A_66 = arith.constant 9840 : i32
    %add3A_67 = arith.addi %mul3A_2, %add3A_66 : i32
    %dma_wait3A = arith.constant 0 : i32
    %dma_wait3A_68 = arith.constant 0 : i32
    %dma_wait3A_69 = tpu.memref_slice %arg8[%dma_wait3A, %dma_wait3A_68] : memref<3x80xi32, #tpu.memory_space<vmem>> -> memref<1x80xi32, #tpu.memory_space<vmem>>
    %dma_wait3A_70 = tpu.memref_squeeze %dma_wait3A_69 : memref<1x80xi32, #tpu.memory_space<vmem>> -> memref<80xi32, #tpu.memory_space<vmem>>
    %dma_wait3A_71 = tpu.memref_slice %arg4[%add3A_67] : memref<320000xi32, #tpu.memory_space<hbm>> -> memref<80xi32, #tpu.memory_space<hbm>>
    %dma_wait3A_72 = arith.constant 0 : i32
    %dma_wait3A_73 = tpu.memref_slice %arg8[%dma_wait3A, %dma_wait3A_72] : memref<3x80xi32, #tpu.memory_space<vmem>> -> memref<1x80xi32, #tpu.memory_space<vmem>>
    %dma_wait3A_74 = tpu.memref_squeeze %dma_wait3A_73 : memref<1x80xi32, #tpu.memory_space<vmem>> -> memref<80xi32, #tpu.memory_space<vmem>>
    %dma_wait3A_75 = tpu.memref_slice %arg4[%add3A_67] : memref<320000xi32, #tpu.memory_space<hbm>> -> memref<80xi32, #tpu.memory_space<hbm>>
    tpu.wait_dma2 semaphore(%arg16 : memref<!tpu.dma_semaphore, #tpu.memory_space<semaphore_mem>>) src(%dma_wait3A_75 : memref<80xi32, #tpu.memory_space<hbm>>) dst(%dma_wait3A_74 : memref<80xi32, #tpu.memory_space<vmem>>)
    %dma_wait3A_76 = arith.constant 0 : i32
    %dma_wait3A_77 = tpu.memref_slice %arg7[%dma_wait3A_76] : memref<10000xi32, #tpu.memory_space<vmem>> -> memref<80xi32, #tpu.memory_space<vmem>>
    %dma_wait3A_78 = arith.constant 0 : i32
    %dma_wait3A_79 = arith.constant 0 : i32
    %dma_wait3A_80 = tpu.memref_slice %arg2[%dma_wait3A_78, %dma_wait3A_79] : memref<10000x128xf32, #tpu.memory_space<hbm>> -> memref<10000x128xf32, #tpu.memory_space<hbm>>
    tpu.wait_indirect_dma semaphore(%arg13 : memref<!tpu.dma_semaphore, #tpu.memory_space<semaphore_mem>>) src(%dma_wait3A_80 : memref<10000x128xf32, #tpu.memory_space<hbm>>) dst(%arg10 : memref<80x128xf32, #tpu.memory_space<vmem>>)
    %run_scoped3A = arith.constant 0 : i32
    "tpu.region"() ({
      %run_scoped3A_108 = tpu.sem_alloc : memref<!tpu.dma_semaphore, #tpu.memory_space<semaphore_mem>>
      %dma_start3A_109 = arith.constant 0 : i32
      %dma_start3A_110 = tpu.memref_slice %arg8[%run_scoped3A, %dma_start3A_109] : memref<3x80xi32, #tpu.memory_space<vmem>> -> memref<1x80xi32, #tpu.memory_space<vmem>>
      %dma_start3A_111 = tpu.memref_squeeze %dma_start3A_110 : memref<1x80xi32, #tpu.memory_space<vmem>> -> memref<80xi32, #tpu.memory_space<vmem>>
      %dma_start3A_112 = arith.constant 0 : i32
      %dma_start3A_113 = arith.constant 0 : i32
      %dma_start3A_114 = tpu.memref_slice %arg6[%dma_start3A_112, %dma_start3A_113] : memref<10000x128xf32, #tpu.memory_space<vmem_shared>> -> memref<10000x128xf32, #tpu.memory_space<vmem_shared>>
      tpu.enqueue_indirect_dma source(%arg10 : memref<80x128xf32, #tpu.memory_space<vmem>>) target(%dma_start3A_114 : memref<10000x128xf32, #tpu.memory_space<vmem_shared>>) offsets(%dma_start3A_111 : memref<80xi32, #tpu.memory_space<vmem>>) semaphore(%run_scoped3A_108 : memref<!tpu.dma_semaphore, #tpu.memory_space<semaphore_mem>>) {add = true}
      %dma_wait3A_115 = arith.constant 0 : i32
      %dma_wait3A_116 = tpu.memref_slice %arg8[%run_scoped3A, %dma_wait3A_115] : memref<3x80xi32, #tpu.memory_space<vmem>> -> memref<1x80xi32, #tpu.memory_space<vmem>>
      %dma_wait3A_117 = tpu.memref_squeeze %dma_wait3A_116 : memref<1x80xi32, #tpu.memory_space<vmem>> -> memref<80xi32, #tpu.memory_space<vmem>>
      %dma_wait3A_118 = arith.constant 0 : i32
      %dma_wait3A_119 = arith.constant 0 : i32
      %dma_wait3A_120 = tpu.memref_slice %arg6[%dma_wait3A_118, %dma_wait3A_119] : memref<10000x128xf32, #tpu.memory_space<vmem_shared>> -> memref<10000x128xf32, #tpu.memory_space<vmem_shared>>
      tpu.wait_indirect_dma semaphore(%run_scoped3A_108 : memref<!tpu.dma_semaphore, #tpu.memory_space<semaphore_mem>>) src(%arg10 : memref<80x128xf32, #tpu.memory_space<vmem>>) dst(%dma_wait3A_120 : memref<10000x128xf32, #tpu.memory_space<vmem_shared>>)
      tpu.yield
    }) : () -> ()
    %add3A_81 = arith.constant 9920 : i32
    %add3A_82 = arith.addi %mul3A_2, %add3A_81 : i32
    %dma_wait3A_83 = arith.constant 1 : i32
    %dma_wait3A_84 = arith.constant 0 : i32
    %dma_wait3A_85 = tpu.memref_slice %arg8[%dma_wait3A_83, %dma_wait3A_84] : memref<3x80xi32, #tpu.memory_space<vmem>> -> memref<1x80xi32, #tpu.memory_space<vmem>>
    %dma_wait3A_86 = tpu.memref_squeeze %dma_wait3A_85 : memref<1x80xi32, #tpu.memory_space<vmem>> -> memref<80xi32, #tpu.memory_space<vmem>>
    %dma_wait3A_87 = tpu.memref_slice %arg4[%add3A_82] : memref<320000xi32, #tpu.memory_space<hbm>> -> memref<80xi32, #tpu.memory_space<hbm>>
    %dma_wait3A_88 = arith.constant 0 : i32
    %dma_wait3A_89 = tpu.memref_slice %arg8[%dma_wait3A_83, %dma_wait3A_88] : memref<3x80xi32, #tpu.memory_space<vmem>> -> memref<1x80xi32, #tpu.memory_space<vmem>>
    %dma_wait3A_90 = tpu.memref_squeeze %dma_wait3A_89 : memref<1x80xi32, #tpu.memory_space<vmem>> -> memref<80xi32, #tpu.memory_space<vmem>>
    %dma_wait3A_91 = tpu.memref_slice %arg4[%add3A_82] : memref<320000xi32, #tpu.memory_space<hbm>> -> memref<80xi32, #tpu.memory_space<hbm>>
    tpu.wait_dma2 semaphore(%arg17 : memref<!tpu.dma_semaphore, #tpu.memory_space<semaphore_mem>>) src(%dma_wait3A_91 : memref<80xi32, #tpu.memory_space<hbm>>) dst(%dma_wait3A_90 : memref<80xi32, #tpu.memory_space<vmem>>)
    %dma_wait3A_92 = arith.constant 80 : i32
    %dma_wait3A_93 = tpu.memref_slice %arg7[%dma_wait3A_92] : memref<10000xi32, #tpu.memory_space<vmem>> -> memref<80xi32, #tpu.memory_space<vmem>>
    %dma_wait3A_94 = arith.constant 0 : i32
    %dma_wait3A_95 = arith.constant 0 : i32
    %dma_wait3A_96 = tpu.memref_slice %arg2[%dma_wait3A_94, %dma_wait3A_95] : memref<10000x128xf32, #tpu.memory_space<hbm>> -> memref<10000x128xf32, #tpu.memory_space<hbm>>
    tpu.wait_indirect_dma semaphore(%arg14 : memref<!tpu.dma_semaphore, #tpu.memory_space<semaphore_mem>>) src(%dma_wait3A_96 : memref<10000x128xf32, #tpu.memory_space<hbm>>) dst(%arg11 : memref<80x128xf32, #tpu.memory_space<vmem>>)
    %run_scoped3A_97 = arith.constant 1 : i32
    "tpu.region"() ({
      %run_scoped3A_108 = tpu.sem_alloc : memref<!tpu.dma_semaphore, #tpu.memory_space<semaphore_mem>>
      %dma_start3A_109 = arith.constant 0 : i32
      %dma_start3A_110 = tpu.memref_slice %arg8[%run_scoped3A_97, %dma_start3A_109] : memref<3x80xi32, #tpu.memory_space<vmem>> -> memref<1x80xi32, #tpu.memory_space<vmem>>
      %dma_start3A_111 = tpu.memref_squeeze %dma_start3A_110 : memref<1x80xi32, #tpu.memory_space<vmem>> -> memref<80xi32, #tpu.memory_space<vmem>>
      %dma_start3A_112 = arith.constant 0 : i32
      %dma_start3A_113 = arith.constant 0 : i32
      %dma_start3A_114 = tpu.memref_slice %arg6[%dma_start3A_112, %dma_start3A_113] : memref<10000x128xf32, #tpu.memory_space<vmem_shared>> -> memref<10000x128xf32, #tpu.memory_space<vmem_shared>>
      tpu.enqueue_indirect_dma source(%arg11 : memref<80x128xf32, #tpu.memory_space<vmem>>) target(%dma_start3A_114 : memref<10000x128xf32, #tpu.memory_space<vmem_shared>>) offsets(%dma_start3A_111 : memref<80xi32, #tpu.memory_space<vmem>>) semaphore(%run_scoped3A_108 : memref<!tpu.dma_semaphore, #tpu.memory_space<semaphore_mem>>) {add = true}
      %dma_wait3A_115 = arith.constant 0 : i32
      %dma_wait3A_116 = tpu.memref_slice %arg8[%run_scoped3A_97, %dma_wait3A_115] : memref<3x80xi32, #tpu.memory_space<vmem>> -> memref<1x80xi32, #tpu.memory_space<vmem>>
      %dma_wait3A_117 = tpu.memref_squeeze %dma_wait3A_116 : memref<1x80xi32, #tpu.memory_space<vmem>> -> memref<80xi32, #tpu.memory_space<vmem>>
      %dma_wait3A_118 = arith.constant 0 : i32
      %dma_wait3A_119 = arith.constant 0 : i32
      %dma_wait3A_120 = tpu.memref_slice %arg6[%dma_wait3A_118, %dma_wait3A_119] : memref<10000x128xf32, #tpu.memory_space<vmem_shared>> -> memref<10000x128xf32, #tpu.memory_space<vmem_shared>>
      tpu.wait_indirect_dma semaphore(%run_scoped3A_108 : memref<!tpu.dma_semaphore, #tpu.memory_space<semaphore_mem>>) src(%arg11 : memref<80x128xf32, #tpu.memory_space<vmem>>) dst(%dma_wait3A_120 : memref<10000x128xf32, #tpu.memory_space<vmem_shared>>)
      tpu.yield
    }) : () -> ()
    %barrier3A_98 = arith.constant 0 : index
    tpu.barrier barrier_id(%barrier3A_98)
    %mul3A_99 = arith.constant 624 : i32
    %mul3A_100 = arith.muli %arg1, %mul3A_99 : i32
    %mul3A_101 = arith.constant 624 : i32
    %mul3A_102 = arith.muli %arg1, %mul3A_101 : i32
    "tpu.region"() ({
      %run_scoped3A_108 = tpu.sem_alloc : memref<!tpu.dma_semaphore, #tpu.memory_space<semaphore_mem>>
      %dma_start3A_109 = arith.constant 0 : i32
      %dma_start3A_110 = tpu.memref_slice %arg5[%arg0, %mul3A_102, %dma_start3A_109] : memref<2x10000x128xf32, #tpu.memory_space<hbm>> -> memref<1x624x128xf32, #tpu.memory_space<hbm>>
      %dma_start3A_111 = tpu.memref_squeeze %dma_start3A_110 : memref<1x624x128xf32, #tpu.memory_space<hbm>> -> memref<624x128xf32, #tpu.memory_space<hbm>>
      %dma_start3A_112 = arith.constant 0 : i32
      %dma_start3A_113 = tpu.memref_slice %arg6[%mul3A_100, %dma_start3A_112] : memref<10000x128xf32, #tpu.memory_space<vmem_shared>> -> memref<624x128xf32, #tpu.memory_space<vmem_shared>>
      tpu.enqueue_dma source(%dma_start3A_113 : memref<624x128xf32, #tpu.memory_space<vmem_shared>>) target(%dma_start3A_111 : memref<624x128xf32, #tpu.memory_space<hbm>>) target_semaphore(%run_scoped3A_108 : memref<!tpu.dma_semaphore, #tpu.memory_space<semaphore_mem>>)
      %dma_wait3A_114 = arith.constant 0 : i32
      %dma_wait3A_115 = tpu.memref_slice %arg5[%arg0, %mul3A_102, %dma_wait3A_114] : memref<2x10000x128xf32, #tpu.memory_space<hbm>> -> memref<1x624x128xf32, #tpu.memory_space<hbm>>
      %dma_wait3A_116 = tpu.memref_squeeze %dma_wait3A_115 : memref<1x624x128xf32, #tpu.memory_space<hbm>> -> memref<624x128xf32, #tpu.memory_space<hbm>>
      %dma_wait3A_117 = arith.constant 0 : i32
      %dma_wait3A_118 = tpu.memref_slice %arg6[%mul3A_100, %dma_wait3A_117] : memref<10000x128xf32, #tpu.memory_space<vmem_shared>> -> memref<624x128xf32, #tpu.memory_space<vmem_shared>>
      tpu.wait_dma2 semaphore(%run_scoped3A_108 : memref<!tpu.dma_semaphore, #tpu.memory_space<semaphore_mem>>) src(%dma_wait3A_118 : memref<624x128xf32, #tpu.memory_space<vmem_shared>>) dst(%dma_wait3A_116 : memref<624x128xf32, #tpu.memory_space<hbm>>)
      tpu.yield
    }) : () -> ()
    %eq3A_103 = arith.constant 15 : i32
    %eq3A_104 = arith.cmpi eq, %arg1, %eq3A_103 : i32
    %convert_element_type3A_105 = arith.extui %eq3A_104 : i1 to i32
    %cond3A_106 = arith.constant 0 : i32
    %cond3A_107 = arith.cmpi ne, %convert_element_type3A_105, %cond3A_106 : i32
    scf.if %cond3A_107 {
      "tpu.region"() ({
        %run_scoped3A_108 = tpu.sem_alloc : memref<!tpu.dma_semaphore, #tpu.memory_space<semaphore_mem>>
        %dma_start3A_109 = arith.constant 9984 : i32
        %dma_start3A_110 = arith.constant 0 : i32
        %dma_start3A_111 = tpu.memref_slice %arg5[%arg0, %dma_start3A_109, %dma_start3A_110] : memref<2x10000x128xf32, #tpu.memory_space<hbm>> -> memref<1x16x128xf32, #tpu.memory_space<hbm>>
        %dma_start3A_112 = tpu.memref_squeeze %dma_start3A_111 : memref<1x16x128xf32, #tpu.memory_space<hbm>> -> memref<16x128xf32, #tpu.memory_space<hbm>>
        %dma_start3A_113 = arith.constant 9984 : i32
        %dma_start3A_114 = arith.constant 0 : i32
        %dma_start3A_115 = tpu.memref_slice %arg6[%dma_start3A_113, %dma_start3A_114] : memref<10000x128xf32, #tpu.memory_space<vmem_shared>> -> memref<16x128xf32, #tpu.memory_space<vmem_shared>>
        tpu.enqueue_dma source(%dma_start3A_115 : memref<16x128xf32, #tpu.memory_space<vmem_shared>>) target(%dma_start3A_112 : memref<16x128xf32, #tpu.memory_space<hbm>>) target_semaphore(%run_scoped3A_108 : memref<!tpu.dma_semaphore, #tpu.memory_space<semaphore_mem>>)
        %dma_wait3A_116 = arith.constant 9984 : i32
        %dma_wait3A_117 = arith.constant 0 : i32
        %dma_wait3A_118 = tpu.memref_slice %arg5[%arg0, %dma_wait3A_116, %dma_wait3A_117] : memref<2x10000x128xf32, #tpu.memory_space<hbm>> -> memref<1x16x128xf32, #tpu.memory_space<hbm>>
        %dma_wait3A_119 = tpu.memref_squeeze %dma_wait3A_118 : memref<1x16x128xf32, #tpu.memory_space<hbm>> -> memref<16x128xf32, #tpu.memory_space<hbm>>
        %dma_wait3A_120 = arith.constant 9984 : i32
        %dma_wait3A_121 = arith.constant 0 : i32
        %dma_wait3A_122 = tpu.memref_slice %arg6[%dma_wait3A_120, %dma_wait3A_121] : memref<10000x128xf32, #tpu.memory_space<vmem_shared>> -> memref<16x128xf32, #tpu.memory_space<vmem_shared>>
        tpu.wait_dma2 semaphore(%run_scoped3A_108 : memref<!tpu.dma_semaphore, #tpu.memory_space<semaphore_mem>>) src(%dma_wait3A_122 : memref<16x128xf32, #tpu.memory_space<vmem_shared>>) dst(%dma_wait3A_119 : memref<16x128xf32, #tpu.memory_space<hbm>>)
        tpu.yield
      }) : () -> ()
    } else {
    }
    return
  }
}

#map = affine_map<(d0, d1) -> (0, 0)>
#map1 = affine_map<(d0, d1) -> (0)>
#map2 = affine_map<(d0, d1) -> (0, 0, 0)>
module attributes {stable_mosaic.version = 14 : i64} {
  func.func @_sc_edge_agg(%arg0: i32, %arg1: i32, %arg2: memref<10000x128xf32, #tpu.memory_space<hbm>>, %arg3: memref<320000xi32, #tpu.memory_space<hbm>>, %arg4: memref<320000xi32, #tpu.memory_space<hbm>>, %arg5: memref<2x10000x128xf32, #tpu.memory_space<hbm>>, %arg6: memref<10000x128xf32, #tpu.memory_space<vmem_shared>>, %arg7: memref<10000xi32, #tpu.memory_space<vmem>>, %arg8: memref<3x80xi32, #tpu.memory_space<vmem>>, %arg9: memref<16x128xf32, #tpu.memory_space<vmem>>, %arg10: memref<80x128xf32, #tpu.memory_space<vmem>>, %arg11: memref<80x128xf32, #tpu.memory_space<vmem>>, %arg12: memref<80x128xf32, #tpu.memory_space<vmem>>, %arg13: memref<!tpu.dma_semaphore, #tpu.memory_space<semaphore_mem>>, %arg14: memref<!tpu.dma_semaphore, #tpu.memory_space<semaphore_mem>>, %arg15: memref<!tpu.dma_semaphore, #tpu.memory_space<semaphore_mem>>, %arg16: memref<!tpu.dma_semaphore, #tpu.memory_space<semaphore_mem>>, %arg17: memref<!tpu.dma_semaphore, #tpu.memory_space<semaphore_mem>>, %arg18: memref<!tpu.dma_semaphore, #tpu.memory_space<semaphore_mem>>) attributes {dimension_semantics = [#tpu.dimension_semantics<core_parallel>, #tpu.dimension_semantics<subcore_parallel>], iteration_bounds = array<i64: 2, 16>, scalar_prefetch = 0 : i64, scratch_operands = 13 : i64, tpu.core_type = #tpu.core_type<sc_vector_subcore>, window_params = [{transform_indices = #map}, {transform_indices = #map1}, {transform_indices = #map1}, {transform_indices = #map2}]} {
    %mul3A = arith.constant 16 : i32
    %mul3A_0 = arith.muli %arg0, %mul3A : i32
    %add3A = arith.addi %mul3A_0, %arg1 : i32
    %mul3A_1 = arith.constant 10000 : i32
    %mul3A_2 = arith.muli %add3A, %mul3A_1 : i32
    "tpu.region"() ({
      %run_scoped3A_108 = tpu.sem_alloc : memref<!tpu.dma_semaphore, #tpu.memory_space<semaphore_mem>>
      %dma_start3A_109 = tpu.memref_slice %arg3[%mul3A_2] : memref<320000xi32, #tpu.memory_space<hbm>> -> memref<10000xi32, #tpu.memory_space<hbm>>
      %dma_start3A_110 = tpu.memref_slice %arg3[%mul3A_2] : memref<320000xi32, #tpu.memory_space<hbm>> -> memref<10000xi32, #tpu.memory_space<hbm>>
      tpu.enqueue_dma source(%dma_start3A_110 : memref<10000xi32, #tpu.memory_space<hbm>>) target(%arg7 : memref<10000xi32, #tpu.memory_space<vmem>>) target_semaphore(%run_scoped3A_108 : memref<!tpu.dma_semaphore, #tpu.memory_space<semaphore_mem>>)
      %dma_wait3A_111 = tpu.memref_slice %arg3[%mul3A_2] : memref<320000xi32, #tpu.memory_space<hbm>> -> memref<10000xi32, #tpu.memory_space<hbm>>
      %dma_wait3A_112 = tpu.memref_slice %arg3[%mul3A_2] : memref<320000xi32, #tpu.memory_space<hbm>> -> memref<10000xi32, #tpu.memory_space<hbm>>
      tpu.wait_dma2 semaphore(%run_scoped3A_108 : memref<!tpu.dma_semaphore, #tpu.memory_space<semaphore_mem>>) src(%dma_wait3A_112 : memref<10000xi32, #tpu.memory_space<hbm>>) dst(%arg7 : memref<10000xi32, #tpu.memory_space<vmem>>)
      tpu.yield
    }) : () -> ()
    %add3A_3 = arith.constant 0 : i32
    %add3A_4 = arith.addi %mul3A_2, %add3A_3 : i32
    %dma_start3A = arith.constant 0 : i32
    %dma_start3A_5 = arith.constant 0 : i32
    %dma_start3A_6 = tpu.memref_slice %arg8[%dma_start3A, %dma_start3A_5] : memref<3x80xi32, #tpu.memory_space<vmem>> -> memref<1x80xi32, #tpu.memory_space<vmem>>
    %dma_start3A_7 = tpu.memref_squeeze %dma_start3A_6 : memref<1x80xi32, #tpu.memory_space<vmem>> -> memref<80xi32, #tpu.memory_space<vmem>>
    %dma_start3A_8 = tpu.memref_slice %arg4[%add3A_4] : memref<320000xi32, #tpu.memory_space<hbm>> -> memref<80xi32, #tpu.memory_space<hbm>>
    %dma_start3A_9 = arith.constant 0 : i32
    %dma_start3A_10 = tpu.memref_slice %arg8[%dma_start3A, %dma_start3A_9] : memref<3x80xi32, #tpu.memory_space<vmem>> -> memref<1x80xi32, #tpu.memory_space<vmem>>
    %dma_start3A_11 = tpu.memref_squeeze %dma_start3A_10 : memref<1x80xi32, #tpu.memory_space<vmem>> -> memref<80xi32, #tpu.memory_space<vmem>>
    %dma_start3A_12 = tpu.memref_slice %arg4[%add3A_4] : memref<320000xi32, #tpu.memory_space<hbm>> -> memref<80xi32, #tpu.memory_space<hbm>>
    tpu.enqueue_dma source(%dma_start3A_12 : memref<80xi32, #tpu.memory_space<hbm>>) target(%dma_start3A_11 : memref<80xi32, #tpu.memory_space<vmem>>) target_semaphore(%arg16 : memref<!tpu.dma_semaphore, #tpu.memory_space<semaphore_mem>>)
    %dma_start3A_13 = arith.constant 0 : i32
    %dma_start3A_14 = tpu.memref_slice %arg7[%dma_start3A_13] : memref<10000xi32, #tpu.memory_space<vmem>> -> memref<80xi32, #tpu.memory_space<vmem>>
    %dma_start3A_15 = arith.constant 0 : i32
    %dma_start3A_16 = arith.constant 0 : i32
    %dma_start3A_17 = tpu.memref_slice %arg2[%dma_start3A_15, %dma_start3A_16] : memref<10000x128xf32, #tpu.memory_space<hbm>> -> memref<10000x128xf32, #tpu.memory_space<hbm>>
    tpu.enqueue_indirect_dma source(%dma_start3A_17 : memref<10000x128xf32, #tpu.memory_space<hbm>>) target(%arg10 : memref<80x128xf32, #tpu.memory_space<vmem>>) offsets(%dma_start3A_14 : memref<80xi32, #tpu.memory_space<vmem>>) semaphore(%arg13 : memref<!tpu.dma_semaphore, #tpu.memory_space<semaphore_mem>>)
    %add3A_18 = arith.constant 80 : i32
    %add3A_19 = arith.addi %mul3A_2, %add3A_18 : i32
    %dma_start3A_20 = arith.constant 1 : i32
    %dma_start3A_21 = arith.constant 0 : i32
    %dma_start3A_22 = tpu.memref_slice %arg8[%dma_start3A_20, %dma_start3A_21] : memref<3x80xi32, #tpu.memory_space<vmem>> -> memref<1x80xi32, #tpu.memory_space<vmem>>
    %dma_start3A_23 = tpu.memref_squeeze %dma_start3A_22 : memref<1x80xi32, #tpu.memory_space<vmem>> -> memref<80xi32, #tpu.memory_space<vmem>>
    %dma_start3A_24 = tpu.memref_slice %arg4[%add3A_19] : memref<320000xi32, #tpu.memory_space<hbm>> -> memref<80xi32, #tpu.memory_space<hbm>>
    %dma_start3A_25 = arith.constant 0 : i32
    %dma_start3A_26 = tpu.memref_slice %arg8[%dma_start3A_20, %dma_start3A_25] : memref<3x80xi32, #tpu.memory_space<vmem>> -> memref<1x80xi32, #tpu.memory_space<vmem>>
    %dma_start3A_27 = tpu.memref_squeeze %dma_start3A_26 : memref<1x80xi32, #tpu.memory_space<vmem>> -> memref<80xi32, #tpu.memory_space<vmem>>
    %dma_start3A_28 = tpu.memref_slice %arg4[%add3A_19] : memref<320000xi32, #tpu.memory_space<hbm>> -> memref<80xi32, #tpu.memory_space<hbm>>
    tpu.enqueue_dma source(%dma_start3A_28 : memref<80xi32, #tpu.memory_space<hbm>>) target(%dma_start3A_27 : memref<80xi32, #tpu.memory_space<vmem>>) target_semaphore(%arg17 : memref<!tpu.dma_semaphore, #tpu.memory_space<semaphore_mem>>)
    %dma_start3A_29 = arith.constant 80 : i32
    %dma_start3A_30 = tpu.memref_slice %arg7[%dma_start3A_29] : memref<10000xi32, #tpu.memory_space<vmem>> -> memref<80xi32, #tpu.memory_space<vmem>>
    %dma_start3A_31 = arith.constant 0 : i32
    %dma_start3A_32 = arith.constant 0 : i32
    %dma_start3A_33 = tpu.memref_slice %arg2[%dma_start3A_31, %dma_start3A_32] : memref<10000x128xf32, #tpu.memory_space<hbm>> -> memref<10000x128xf32, #tpu.memory_space<hbm>>
    tpu.enqueue_indirect_dma source(%dma_start3A_33 : memref<10000x128xf32, #tpu.memory_space<hbm>>) target(%arg11 : memref<80x128xf32, #tpu.memory_space<vmem>>) offsets(%dma_start3A_30 : memref<80xi32, #tpu.memory_space<vmem>>) semaphore(%arg14 : memref<!tpu.dma_semaphore, #tpu.memory_space<semaphore_mem>>)
    %add3A_34 = arith.constant 160 : i32
    %add3A_35 = arith.addi %mul3A_2, %add3A_34 : i32
    %dma_start3A_36 = arith.constant 2 : i32
    %dma_start3A_37 = arith.constant 0 : i32
    %dma_start3A_38 = tpu.memref_slice %arg8[%dma_start3A_36, %dma_start3A_37] : memref<3x80xi32, #tpu.memory_space<vmem>> -> memref<1x80xi32, #tpu.memory_space<vmem>>
    %dma_start3A_39 = tpu.memref_squeeze %dma_start3A_38 : memref<1x80xi32, #tpu.memory_space<vmem>> -> memref<80xi32, #tpu.memory_space<vmem>>
    %dma_start3A_40 = tpu.memref_slice %arg4[%add3A_35] : memref<320000xi32, #tpu.memory_space<hbm>> -> memref<80xi32, #tpu.memory_space<hbm>>
    %dma_start3A_41 = arith.constant 0 : i32
    %dma_start3A_42 = tpu.memref_slice %arg8[%dma_start3A_36, %dma_start3A_41] : memref<3x80xi32, #tpu.memory_space<vmem>> -> memref<1x80xi32, #tpu.memory_space<vmem>>
    %dma_start3A_43 = tpu.memref_squeeze %dma_start3A_42 : memref<1x80xi32, #tpu.memory_space<vmem>> -> memref<80xi32, #tpu.memory_space<vmem>>
    %dma_start3A_44 = tpu.memref_slice %arg4[%add3A_35] : memref<320000xi32, #tpu.memory_space<hbm>> -> memref<80xi32, #tpu.memory_space<hbm>>
    tpu.enqueue_dma source(%dma_start3A_44 : memref<80xi32, #tpu.memory_space<hbm>>) target(%dma_start3A_43 : memref<80xi32, #tpu.memory_space<vmem>>) target_semaphore(%arg18 : memref<!tpu.dma_semaphore, #tpu.memory_space<semaphore_mem>>)
    %dma_start3A_45 = arith.constant 160 : i32
    %dma_start3A_46 = tpu.memref_slice %arg7[%dma_start3A_45] : memref<10000xi32, #tpu.memory_space<vmem>> -> memref<80xi32, #tpu.memory_space<vmem>>
    %dma_start3A_47 = arith.constant 0 : i32
    %dma_start3A_48 = arith.constant 0 : i32
    %dma_start3A_49 = tpu.memref_slice %arg2[%dma_start3A_47, %dma_start3A_48] : memref<10000x128xf32, #tpu.memory_space<hbm>> -> memref<10000x128xf32, #tpu.memory_space<hbm>>
    tpu.enqueue_indirect_dma source(%dma_start3A_49 : memref<10000x128xf32, #tpu.memory_space<hbm>>) target(%arg12 : memref<80x128xf32, #tpu.memory_space<vmem>>) offsets(%dma_start3A_46 : memref<80xi32, #tpu.memory_space<vmem>>) semaphore(%arg15 : memref<!tpu.dma_semaphore, #tpu.memory_space<semaphore_mem>>)
    %scan3A = arith.constant 0 : i32
    %scan3A_50 = arith.constant 8 : i32
    %scan3A_51 = arith.addi %scan3A, %scan3A_50 : i32
    %scan3A_52 = arith.constant 1 : i32
    scf.for %scan3A_108 = %scan3A to %scan3A_51 step %scan3A_52  : i32 {
      %mul3A_109 = arith.constant 1 : i32
      %mul3A_110 = arith.muli %scan3A_108, %mul3A_109 : i32
      %add3A_111 = arith.constant 0 : i32
      %add3A_112 = arith.addi %add3A_111, %mul3A_110 : i32
      %scan3A_113 = arith.constant 0 : i32
      %scan3A_114 = arith.constant 16 : i32
      %scan3A_115 = arith.addi %scan3A_113, %scan3A_114 : i32
      %scan3A_116 = arith.constant 1 : i32
      scf.for %scan3A_118 = %scan3A_113 to %scan3A_115 step %scan3A_116  : i32 {
        %mul3A_119 = arith.constant 1 : i32
        %mul3A_120 = arith.muli %scan3A_118, %mul3A_119 : i32
        %add3A_121 = arith.constant 0 : i32
        %add3A_122 = arith.addi %add3A_121, %mul3A_120 : i32
        %broadcast_in_dim3A = arith.constant 0.000000e+00 : f32
        %broadcast_in_dim3A_123 = vector.broadcast %broadcast_in_dim3A : f32 to vector<16xf32>
        %mul3A_124 = arith.constant 16 : i32
        %mul3A_125 = arith.muli %add3A_112, %mul3A_124 : i32
        %swap3A = arith.index_cast %add3A_122 : i32 to index
        %swap3A_126 = arith.index_cast %mul3A_125 : i32 to index
        %swap3A_127 = tpu.vector_load %arg9[%swap3A, %swap3A_126] {strides = array<i32>} : memref<16x128xf32, #tpu.memory_space<vmem>>, vector<1x16xf32>,
        %swap3A_128 = vector.shape_cast %swap3A_127 : vector<1x16xf32> to vector<16xf32>
        %swap3A_129 = vector.shape_cast %broadcast_in_dim3A_123 : vector<16xf32> to vector<1x16xf32>
        tpu.vector_store %arg9[%swap3A, %swap3A_126], %swap3A_129 {strides = array<i32>} : memref<16x128xf32, #tpu.memory_space<vmem>>, vector<1x16xf32>,
      }
      %scan3A_117 = arith.constant 16 : i32
    }
    %scan3A_53 = arith.constant 8 : i32
    %scan3A_54 = arith.constant 0 : i32
    %scan3A_55 = arith.constant 39 : i32
    %scan3A_56 = arith.addi %scan3A_54, %scan3A_55 : i32
    %scan3A_57 = arith.constant 1 : i32
    scf.for %scan3A_108 = %scan3A_54 to %scan3A_56 step %scan3A_57  : i32 {
      %mul3A_109 = arith.constant 1 : i32
      %mul3A_110 = arith.muli %scan3A_108, %mul3A_109 : i32
      %add3A_111 = arith.constant 0 : i32
      %add3A_112 = arith.addi %add3A_111, %mul3A_110 : i32
      %mul3A_113 = arith.constant 624 : i32
      %mul3A_114 = arith.muli %arg1, %mul3A_113 : i32
      %mul3A_115 = arith.constant 16 : i32
      %mul3A_116 = arith.muli %add3A_112, %mul3A_115 : i32
      %add3A_117 = arith.addi %mul3A_114, %mul3A_116 : i32
      "tpu.region"() ({
        %run_scoped3A_118 = tpu.sem_alloc : memref<!tpu.dma_semaphore, #tpu.memory_space<semaphore_mem>>
        %dma_start3A_119 = arith.constant 0 : i32
        %dma_start3A_120 = tpu.memref_slice %arg6[%add3A_117, %dma_start3A_119] : memref<10000x128xf32, #tpu.memory_space<vmem_shared>> -> memref<16x128xf32, #tpu.memory_space<vmem_shared>>
        %dma_start3A_121 = arith.constant 0 : i32
        %dma_start3A_122 = tpu.memref_slice %arg6[%add3A_117, %dma_start3A_121] : memref<10000x128xf32, #tpu.memory_space<vmem_shared>> -> memref<16x128xf32, #tpu.memory_space<vmem_shared>>
        tpu.enqueue_dma source(%arg9 : memref<16x128xf32, #tpu.memory_space<vmem>>) target(%dma_start3A_122 : memref<16x128xf32, #tpu.memory_space<vmem_shared>>) target_semaphore(%run_scoped3A_118 : memref<!tpu.dma_semaphore, #tpu.memory_space<semaphore_mem>>)
        %dma_wait3A_123 = arith.constant 0 : i32
        %dma_wait3A_124 = tpu.memref_slice %arg6[%add3A_117, %dma_wait3A_123] : memref<10000x128xf32, #tpu.memory_space<vmem_shared>> -> memref<16x128xf32, #tpu.memory_space<vmem_shared>>
        %dma_wait3A_125 = arith.constant 0 : i32
        %dma_wait3A_126 = tpu.memref_slice %arg6[%add3A_117, %dma_wait3A_125] : memref<10000x128xf32, #tpu.memory_space<vmem_shared>> -> memref<16x128xf32, #tpu.memory_space<vmem_shared>>
        tpu.wait_dma2 semaphore(%run_scoped3A_118 : memref<!tpu.dma_semaphore, #tpu.memory_space<semaphore_mem>>) src(%arg9 : memref<16x128xf32, #tpu.memory_space<vmem>>) dst(%dma_wait3A_126 : memref<16x128xf32, #tpu.memory_space<vmem_shared>>)
        tpu.yield
      }) : () -> ()
    }
    %scan3A_58 = arith.constant 39 : i32
    %eq3A = arith.constant 15 : i32
    %eq3A_59 = arith.cmpi eq, %arg1, %eq3A : i32
    %convert_element_type3A = arith.extui %eq3A_59 : i1 to i32
    %cond3A = arith.constant 0 : i32
    %cond3A_60 = arith.cmpi ne, %convert_element_type3A, %cond3A : i32
    scf.if %cond3A_60 {
      "tpu.region"() ({
        %run_scoped3A_108 = tpu.sem_alloc : memref<!tpu.dma_semaphore, #tpu.memory_space<semaphore_mem>>
        %dma_start3A_109 = arith.constant 0 : i32
        %dma_start3A_110 = arith.constant 0 : i32
        %dma_start3A_111 = tpu.memref_slice %arg9[%dma_start3A_109, %dma_start3A_110] : memref<16x128xf32, #tpu.memory_space<vmem>> -> memref<16x128xf32, #tpu.memory_space<vmem>>
        %dma_start3A_112 = arith.constant 9984 : i32
        %dma_start3A_113 = arith.constant 0 : i32
        %dma_start3A_114 = tpu.memref_slice %arg6[%dma_start3A_112, %dma_start3A_113] : memref<10000x128xf32, #tpu.memory_space<vmem_shared>> -> memref<16x128xf32, #tpu.memory_space<vmem_shared>>
        %dma_start3A_115 = arith.constant 9984 : i32
        %dma_start3A_116 = arith.constant 0 : i32
        %dma_start3A_117 = tpu.memref_slice %arg6[%dma_start3A_115, %dma_start3A_116] : memref<10000x128xf32, #tpu.memory_space<vmem_shared>> -> memref<16x128xf32, #tpu.memory_space<vmem_shared>>
        %dma_start3A_118 = arith.constant 0 : i32
        %dma_start3A_119 = arith.constant 0 : i32
        %dma_start3A_120 = tpu.memref_slice %arg9[%dma_start3A_118, %dma_start3A_119] : memref<16x128xf32, #tpu.memory_space<vmem>> -> memref<16x128xf32, #tpu.memory_space<vmem>>
        tpu.enqueue_dma source(%dma_start3A_120 : memref<16x128xf32, #tpu.memory_space<vmem>>) target(%dma_start3A_117 : memref<16x128xf32, #tpu.memory_space<vmem_shared>>) target_semaphore(%run_scoped3A_108 : memref<!tpu.dma_semaphore, #tpu.memory_space<semaphore_mem>>)
        %dma_wait3A_121 = arith.constant 0 : i32
        %dma_wait3A_122 = arith.constant 0 : i32
        %dma_wait3A_123 = tpu.memref_slice %arg9[%dma_wait3A_121, %dma_wait3A_122] : memref<16x128xf32, #tpu.memory_space<vmem>> -> memref<16x128xf32, #tpu.memory_space<vmem>>
        %dma_wait3A_124 = arith.constant 9984 : i32
        %dma_wait3A_125 = arith.constant 0 : i32
        %dma_wait3A_126 = tpu.memref_slice %arg6[%dma_wait3A_124, %dma_wait3A_125] : memref<10000x128xf32, #tpu.memory_space<vmem_shared>> -> memref<16x128xf32, #tpu.memory_space<vmem_shared>>
        %dma_wait3A_127 = arith.constant 9984 : i32
        %dma_wait3A_128 = arith.constant 0 : i32
        %dma_wait3A_129 = tpu.memref_slice %arg6[%dma_wait3A_127, %dma_wait3A_128] : memref<10000x128xf32, #tpu.memory_space<vmem_shared>> -> memref<16x128xf32, #tpu.memory_space<vmem_shared>>
        %dma_wait3A_130 = arith.constant 0 : i32
        %dma_wait3A_131 = arith.constant 0 : i32
        %dma_wait3A_132 = tpu.memref_slice %arg9[%dma_wait3A_130, %dma_wait3A_131] : memref<16x128xf32, #tpu.memory_space<vmem>> -> memref<16x128xf32, #tpu.memory_space<vmem>>
        tpu.wait_dma2 semaphore(%run_scoped3A_108 : memref<!tpu.dma_semaphore, #tpu.memory_space<semaphore_mem>>) src(%dma_wait3A_132 : memref<16x128xf32, #tpu.memory_space<vmem>>) dst(%dma_wait3A_129 : memref<16x128xf32, #tpu.memory_space<vmem_shared>>)
        tpu.yield
      }) : () -> ()
    } else {
    }
    %barrier3A = arith.constant 0 : index
    tpu.barrier barrier_id(%barrier3A)
    %scan3A_61 = arith.constant 0 : i32
    %scan3A_62 = arith.constant 41 : i32
    %scan3A_63 = arith.addi %scan3A_61, %scan3A_62 : i32
    %scan3A_64 = arith.constant 1 : i32
    scf.for %scan3A_108 = %scan3A_61 to %scan3A_63 step %scan3A_64  : i32 {
      %mul3A_109 = arith.constant 1 : i32
      %mul3A_110 = arith.muli %scan3A_108, %mul3A_109 : i32
      %add3A_111 = arith.constant 0 : i32
      %add3A_112 = arith.addi %add3A_111, %mul3A_110 : i32
      %mul3A_113 = arith.constant 3 : i32
      %mul3A_114 = arith.muli %add3A_112, %mul3A_113 : i32
      %add3A_115 = arith.constant 0 : i32
      %add3A_116 = arith.addi %mul3A_114, %add3A_115 : i32
      %mul3A_117 = arith.constant 80 : i32
      %mul3A_118 = arith.muli %add3A_116, %mul3A_117 : i32
      %add3A_119 = arith.addi %mul3A_2, %mul3A_118 : i32
      %dma_wait3A_120 = arith.constant 0 : i32
      %dma_wait3A_121 = arith.constant 0 : i32
      %dma_wait3A_122 = tpu.memref_slice %arg8[%dma_wait3A_120, %dma_wait3A_121] : memref<3x80xi32, #tpu.memory_space<vmem>> -> memref<1x80xi32, #tpu.memory_space<vmem>>
      %dma_wait3A_123 = tpu.memref_squeeze %dma_wait3A_122 : memref<1x80xi32, #tpu.memory_space<vmem>> -> memref<80xi32, #tpu.memory_space<vmem>>
      %dma_wait3A_124 = tpu.memref_slice %arg4[%add3A_119] : memref<320000xi32, #tpu.memory_space<hbm>> -> memref<80xi32, #tpu.memory_space<hbm>>
      %dma_wait3A_125 = arith.constant 0 : i32
      %dma_wait3A_126 = tpu.memref_slice %arg8[%dma_wait3A_120, %dma_wait3A_125] : memref<3x80xi32, #tpu.memory_space<vmem>> -> memref<1x80xi32, #tpu.memory_space<vmem>>
      %dma_wait3A_127 = tpu.memref_squeeze %dma_wait3A_126 : memref<1x80xi32, #tpu.memory_space<vmem>> -> memref<80xi32, #tpu.memory_space<vmem>>
      %dma_wait3A_128 = tpu.memref_slice %arg4[%add3A_119] : memref<320000xi32, #tpu.memory_space<hbm>> -> memref<80xi32, #tpu.memory_space<hbm>>
      tpu.wait_dma2 semaphore(%arg16 : memref<!tpu.dma_semaphore, #tpu.memory_space<semaphore_mem>>) src(%dma_wait3A_128 : memref<80xi32, #tpu.memory_space<hbm>>) dst(%dma_wait3A_127 : memref<80xi32, #tpu.memory_space<vmem>>)
      %dma_wait3A_129 = arith.constant 0 : i32
      %dma_wait3A_130 = tpu.memref_slice %arg7[%dma_wait3A_129] : memref<10000xi32, #tpu.memory_space<vmem>> -> memref<80xi32, #tpu.memory_space<vmem>>
      %dma_wait3A_131 = arith.constant 0 : i32
      %dma_wait3A_132 = arith.constant 0 : i32
      %dma_wait3A_133 = tpu.memref_slice %arg2[%dma_wait3A_131, %dma_wait3A_132] : memref<10000x128xf32, #tpu.memory_space<hbm>> -> memref<10000x128xf32, #tpu.memory_space<hbm>>
      tpu.wait_indirect_dma semaphore(%arg13 : memref<!tpu.dma_semaphore, #tpu.memory_space<semaphore_mem>>) src(%dma_wait3A_133 : memref<10000x128xf32, #tpu.memory_space<hbm>>) dst(%arg10 : memref<80x128xf32, #tpu.memory_space<vmem>>)
      %run_scoped3A_134 = arith.constant 0 : i32
      "tpu.region"() ({
        %run_scoped3A_199 = tpu.sem_alloc : memref<!tpu.dma_semaphore, #tpu.memory_space<semaphore_mem>>
        %dma_start3A_200 = arith.constant 0 : i32
        %dma_start3A_201 = tpu.memref_slice %arg8[%run_scoped3A_134, %dma_start3A_200] : memref<3x80xi32, #tpu.memory_space<vmem>> -> memref<1x80xi32, #tpu.memory_space<vmem>>
        %dma_start3A_202 = tpu.memref_squeeze %dma_start3A_201 : memref<1x80xi32, #tpu.memory_space<vmem>> -> memref<80xi32, #tpu.memory_space<vmem>>
        %dma_start3A_203 = arith.constant 0 : i32
        %dma_start3A_204 = arith.constant 0 : i32
        %dma_start3A_205 = tpu.memref_slice %arg6[%dma_start3A_203, %dma_start3A_204] : memref<10000x128xf32, #tpu.memory_space<vmem_shared>> -> memref<10000x128xf32, #tpu.memory_space<vmem_shared>>
        tpu.enqueue_indirect_dma source(%arg10 : memref<80x128xf32, #tpu.memory_space<vmem>>) target(%dma_start3A_205 : memref<10000x128xf32, #tpu.memory_space<vmem_shared>>) offsets(%dma_start3A_202 : memref<80xi32, #tpu.memory_space<vmem>>) semaphore(%run_scoped3A_199 : memref<!tpu.dma_semaphore, #tpu.memory_space<semaphore_mem>>) {add = true}
        %dma_wait3A_206 = arith.constant 0 : i32
        %dma_wait3A_207 = tpu.memref_slice %arg8[%run_scoped3A_134, %dma_wait3A_206] : memref<3x80xi32, #tpu.memory_space<vmem>> -> memref<1x80xi32, #tpu.memory_space<vmem>>
        %dma_wait3A_208 = tpu.memref_squeeze %dma_wait3A_207 : memref<1x80xi32, #tpu.memory_space<vmem>> -> memref<80xi32, #tpu.memory_space<vmem>>
        %dma_wait3A_209 = arith.constant 0 : i32
        %dma_wait3A_210 = arith.constant 0 : i32
        %dma_wait3A_211 = tpu.memref_slice %arg6[%dma_wait3A_209, %dma_wait3A_210] : memref<10000x128xf32, #tpu.memory_space<vmem_shared>> -> memref<10000x128xf32, #tpu.memory_space<vmem_shared>>
        tpu.wait_indirect_dma semaphore(%run_scoped3A_199 : memref<!tpu.dma_semaphore, #tpu.memory_space<semaphore_mem>>) src(%arg10 : memref<80x128xf32, #tpu.memory_space<vmem>>) dst(%dma_wait3A_211 : memref<10000x128xf32, #tpu.memory_space<vmem_shared>>)
        tpu.yield
      }) : () -> ()
      %add3A_135 = arith.constant 3 : i32
      %add3A_136 = arith.addi %add3A_116, %add3A_135 : i32
      %lt3A = arith.constant 125 : i32
      %lt3A_137 = arith.cmpi slt, %add3A_136, %lt3A : i32
      %convert_element_type3A_138 = arith.extui %lt3A_137 : i1 to i32
      %cond3A_139 = arith.constant 0 : i32
      %cond3A_140 = arith.cmpi ne, %convert_element_type3A_138, %cond3A_139 : i32
      scf.if %cond3A_140 {
        %add3A_199 = arith.constant 3 : i32
        %add3A_200 = arith.addi %add3A_116, %add3A_199 : i32
        %mul3A_201 = arith.constant 80 : i32
        %mul3A_202 = arith.muli %add3A_200, %mul3A_201 : i32
        %add3A_203 = arith.addi %mul3A_2, %mul3A_202 : i32
        %dma_start3A_204 = arith.constant 0 : i32
        %dma_start3A_205 = arith.constant 0 : i32
        %dma_start3A_206 = tpu.memref_slice %arg8[%dma_start3A_204, %dma_start3A_205] : memref<3x80xi32, #tpu.memory_space<vmem>> -> memref<1x80xi32, #tpu.memory_space<vmem>>
        %dma_start3A_207 = tpu.memref_squeeze %dma_start3A_206 : memref<1x80xi32, #tpu.memory_space<vmem>> -> memref<80xi32, #tpu.memory_space<vmem>>
        %dma_start3A_208 = tpu.memref_slice %arg4[%add3A_203] : memref<320000xi32, #tpu.memory_space<hbm>> -> memref<80xi32, #tpu.memory_space<hbm>>
        %dma_start3A_209 = arith.constant 0 : i32
        %dma_start3A_210 = tpu.memref_slice %arg8[%dma_start3A_204, %dma_start3A_209] : memref<3x80xi32, #tpu.memory_space<vmem>> -> memref<1x80xi32, #tpu.memory_space<vmem>>
        %dma_start3A_211 = tpu.memref_squeeze %dma_start3A_210 : memref<1x80xi32, #tpu.memory_space<vmem>> -> memref<80xi32, #tpu.memory_space<vmem>>
        %dma_start3A_212 = tpu.memref_slice %arg4[%add3A_203] : memref<320000xi32, #tpu.memory_space<hbm>> -> memref<80xi32, #tpu.memory_space<hbm>>
        tpu.enqueue_dma source(%dma_start3A_212 : memref<80xi32, #tpu.memory_space<hbm>>) target(%dma_start3A_211 : memref<80xi32, #tpu.memory_space<vmem>>) target_semaphore(%arg16 : memref<!tpu.dma_semaphore, #tpu.memory_space<semaphore_mem>>)
        %add3A_213 = arith.constant 3 : i32
        %add3A_214 = arith.addi %add3A_116, %add3A_213 : i32
        %mul3A_215 = arith.constant 80 : i32
        %mul3A_216 = arith.muli %add3A_214, %mul3A_215 : i32
        %dma_start3A_217 = tpu.memref_slice %arg7[%mul3A_216] : memref<10000xi32, #tpu.memory_space<vmem>> -> memref<80xi32, #tpu.memory_space<vmem>>
        %dma_start3A_218 = arith.constant 0 : i32
        %dma_start3A_219 = arith.constant 0 : i32
        %dma_start3A_220 = tpu.memref_slice %arg2[%dma_start3A_218, %dma_start3A_219] : memref<10000x128xf32, #tpu.memory_space<hbm>> -> memref<10000x128xf32, #tpu.memory_space<hbm>>
        tpu.enqueue_indirect_dma source(%dma_start3A_220 : memref<10000x128xf32, #tpu.memory_space<hbm>>) target(%arg10 : memref<80x128xf32, #tpu.memory_space<vmem>>) offsets(%dma_start3A_217 : memref<80xi32, #tpu.memory_space<vmem>>) semaphore(%arg13 : memref<!tpu.dma_semaphore, #tpu.memory_space<semaphore_mem>>)
      } else {
      }
      %mul3A_141 = arith.constant 3 : i32
      %mul3A_142 = arith.muli %add3A_112, %mul3A_141 : i32
      %add3A_143 = arith.constant 1 : i32
      %add3A_144 = arith.addi %mul3A_142, %add3A_143 : i32
      %mul3A_145 = arith.constant 80 : i32
      %mul3A_146 = arith.muli %add3A_144, %mul3A_145 : i32
      %add3A_147 = arith.addi %mul3A_2, %mul3A_146 : i32
      %dma_wait3A_148 = arith.constant 1 : i32
      %dma_wait3A_149 = arith.constant 0 : i32
      %dma_wait3A_150 = tpu.memref_slice %arg8[%dma_wait3A_148, %dma_wait3A_149] : memref<3x80xi32, #tpu.memory_space<vmem>> -> memref<1x80xi32, #tpu.memory_space<vmem>>
      %dma_wait3A_151 = tpu.memref_squeeze %dma_wait3A_150 : memref<1x80xi32, #tpu.memory_space<vmem>> -> memref<80xi32, #tpu.memory_space<vmem>>
      %dma_wait3A_152 = tpu.memref_slice %arg4[%add3A_147] : memref<320000xi32, #tpu.memory_space<hbm>> -> memref<80xi32, #tpu.memory_space<hbm>>
      %dma_wait3A_153 = arith.constant 0 : i32
      %dma_wait3A_154 = tpu.memref_slice %arg8[%dma_wait3A_148, %dma_wait3A_153] : memref<3x80xi32, #tpu.memory_space<vmem>> -> memref<1x80xi32, #tpu.memory_space<vmem>>
      %dma_wait3A_155 = tpu.memref_squeeze %dma_wait3A_154 : memref<1x80xi32, #tpu.memory_space<vmem>> -> memref<80xi32, #tpu.memory_space<vmem>>
      %dma_wait3A_156 = tpu.memref_slice %arg4[%add3A_147] : memref<320000xi32, #tpu.memory_space<hbm>> -> memref<80xi32, #tpu.memory_space<hbm>>
      tpu.wait_dma2 semaphore(%arg17 : memref<!tpu.dma_semaphore, #tpu.memory_space<semaphore_mem>>) src(%dma_wait3A_156 : memref<80xi32, #tpu.memory_space<hbm>>) dst(%dma_wait3A_155 : memref<80xi32, #tpu.memory_space<vmem>>)
      %dma_wait3A_157 = arith.constant 80 : i32
      %dma_wait3A_158 = tpu.memref_slice %arg7[%dma_wait3A_157] : memref<10000xi32, #tpu.memory_space<vmem>> -> memref<80xi32, #tpu.memory_space<vmem>>
      %dma_wait3A_159 = arith.constant 0 : i32
      %dma_wait3A_160 = arith.constant 0 : i32
      %dma_wait3A_161 = tpu.memref_slice %arg2[%dma_wait3A_159, %dma_wait3A_160] : memref<10000x128xf32, #tpu.memory_space<hbm>> -> memref<10000x128xf32, #tpu.memory_space<hbm>>
      tpu.wait_indirect_dma semaphore(%arg14 : memref<!tpu.dma_semaphore, #tpu.memory_space<semaphore_mem>>) src(%dma_wait3A_161 : memref<10000x128xf32, #tpu.memory_space<hbm>>) dst(%arg11 : memref<80x128xf32, #tpu.memory_space<vmem>>)
      %run_scoped3A_162 = arith.constant 1 : i32
      "tpu.region"() ({
        %run_scoped3A_199 = tpu.sem_alloc : memref<!tpu.dma_semaphore, #tpu.memory_space<semaphore_mem>>
        %dma_start3A_200 = arith.constant 0 : i32
        %dma_start3A_201 = tpu.memref_slice %arg8[%run_scoped3A_162, %dma_start3A_200] : memref<3x80xi32, #tpu.memory_space<vmem>> -> memref<1x80xi32, #tpu.memory_space<vmem>>
        %dma_start3A_202 = tpu.memref_squeeze %dma_start3A_201 : memref<1x80xi32, #tpu.memory_space<vmem>> -> memref<80xi32, #tpu.memory_space<vmem>>
        %dma_start3A_203 = arith.constant 0 : i32
        %dma_start3A_204 = arith.constant 0 : i32
        %dma_start3A_205 = tpu.memref_slice %arg6[%dma_start3A_203, %dma_start3A_204] : memref<10000x128xf32, #tpu.memory_space<vmem_shared>> -> memref<10000x128xf32, #tpu.memory_space<vmem_shared>>
        tpu.enqueue_indirect_dma source(%arg11 : memref<80x128xf32, #tpu.memory_space<vmem>>) target(%dma_start3A_205 : memref<10000x128xf32, #tpu.memory_space<vmem_shared>>) offsets(%dma_start3A_202 : memref<80xi32, #tpu.memory_space<vmem>>) semaphore(%run_scoped3A_199 : memref<!tpu.dma_semaphore, #tpu.memory_space<semaphore_mem>>) {add = true}
        %dma_wait3A_206 = arith.constant 0 : i32
        %dma_wait3A_207 = tpu.memref_slice %arg8[%run_scoped3A_162, %dma_wait3A_206] : memref<3x80xi32, #tpu.memory_space<vmem>> -> memref<1x80xi32, #tpu.memory_space<vmem>>
        %dma_wait3A_208 = tpu.memref_squeeze %dma_wait3A_207 : memref<1x80xi32, #tpu.memory_space<vmem>> -> memref<80xi32, #tpu.memory_space<vmem>>
        %dma_wait3A_209 = arith.constant 0 : i32
        %dma_wait3A_210 = arith.constant 0 : i32
        %dma_wait3A_211 = tpu.memref_slice %arg6[%dma_wait3A_209, %dma_wait3A_210] : memref<10000x128xf32, #tpu.memory_space<vmem_shared>> -> memref<10000x128xf32, #tpu.memory_space<vmem_shared>>
        tpu.wait_indirect_dma semaphore(%run_scoped3A_199 : memref<!tpu.dma_semaphore, #tpu.memory_space<semaphore_mem>>) src(%arg11 : memref<80x128xf32, #tpu.memory_space<vmem>>) dst(%dma_wait3A_211 : memref<10000x128xf32, #tpu.memory_space<vmem_shared>>)
        tpu.yield
      }) : () -> ()
      %add3A_163 = arith.constant 3 : i32
      %add3A_164 = arith.addi %add3A_144, %add3A_163 : i32
      %lt3A_165 = arith.constant 125 : i32
      %lt3A_166 = arith.cmpi slt, %add3A_164, %lt3A_165 : i32
      %convert_element_type3A_167 = arith.extui %lt3A_166 : i1 to i32
      %cond3A_168 = arith.constant 0 : i32
      %cond3A_169 = arith.cmpi ne, %convert_element_type3A_167, %cond3A_168 : i32
      scf.if %cond3A_169 {
        %add3A_199 = arith.constant 3 : i32
        %add3A_200 = arith.addi %add3A_144, %add3A_199 : i32
        %mul3A_201 = arith.constant 80 : i32
        %mul3A_202 = arith.muli %add3A_200, %mul3A_201 : i32
        %add3A_203 = arith.addi %mul3A_2, %mul3A_202 : i32
        %dma_start3A_204 = arith.constant 1 : i32
        %dma_start3A_205 = arith.constant 0 : i32
        %dma_start3A_206 = tpu.memref_slice %arg8[%dma_start3A_204, %dma_start3A_205] : memref<3x80xi32, #tpu.memory_space<vmem>> -> memref<1x80xi32, #tpu.memory_space<vmem>>
        %dma_start3A_207 = tpu.memref_squeeze %dma_start3A_206 : memref<1x80xi32, #tpu.memory_space<vmem>> -> memref<80xi32, #tpu.memory_space<vmem>>
        %dma_start3A_208 = tpu.memref_slice %arg4[%add3A_203] : memref<320000xi32, #tpu.memory_space<hbm>> -> memref<80xi32, #tpu.memory_space<hbm>>
        %dma_start3A_209 = arith.constant 0 : i32
        %dma_start3A_210 = tpu.memref_slice %arg8[%dma_start3A_204, %dma_start3A_209] : memref<3x80xi32, #tpu.memory_space<vmem>> -> memref<1x80xi32, #tpu.memory_space<vmem>>
        %dma_start3A_211 = tpu.memref_squeeze %dma_start3A_210 : memref<1x80xi32, #tpu.memory_space<vmem>> -> memref<80xi32, #tpu.memory_space<vmem>>
        %dma_start3A_212 = tpu.memref_slice %arg4[%add3A_203] : memref<320000xi32, #tpu.memory_space<hbm>> -> memref<80xi32, #tpu.memory_space<hbm>>
        tpu.enqueue_dma source(%dma_start3A_212 : memref<80xi32, #tpu.memory_space<hbm>>) target(%dma_start3A_211 : memref<80xi32, #tpu.memory_space<vmem>>) target_semaphore(%arg17 : memref<!tpu.dma_semaphore, #tpu.memory_space<semaphore_mem>>)
        %add3A_213 = arith.constant 3 : i32
        %add3A_214 = arith.addi %add3A_144, %add3A_213 : i32
        %mul3A_215 = arith.constant 80 : i32
        %mul3A_216 = arith.muli %add3A_214, %mul3A_215 : i32
        %dma_start3A_217 = tpu.memref_slice %arg7[%mul3A_216] : memref<10000xi32, #tpu.memory_space<vmem>> -> memref<80xi32, #tpu.memory_space<vmem>>
        %dma_start3A_218 = arith.constant 0 : i32
        %dma_start3A_219 = arith.constant 0 : i32
        %dma_start3A_220 = tpu.memref_slice %arg2[%dma_start3A_218, %dma_start3A_219] : memref<10000x128xf32, #tpu.memory_space<hbm>> -> memref<10000x128xf32, #tpu.memory_space<hbm>>
        tpu.enqueue_indirect_dma source(%dma_start3A_220 : memref<10000x128xf32, #tpu.memory_space<hbm>>) target(%arg11 : memref<80x128xf32, #tpu.memory_space<vmem>>) offsets(%dma_start3A_217 : memref<80xi32, #tpu.memory_space<vmem>>) semaphore(%arg14 : memref<!tpu.dma_semaphore, #tpu.memory_space<semaphore_mem>>)
      } else {
      }
      %mul3A_170 = arith.constant 3 : i32
      %mul3A_171 = arith.muli %add3A_112, %mul3A_170 : i32
      %add3A_172 = arith.constant 2 : i32
      %add3A_173 = arith.addi %mul3A_171, %add3A_172 : i32
      %mul3A_174 = arith.constant 80 : i32
      %mul3A_175 = arith.muli %add3A_173, %mul3A_174 : i32
      %add3A_176 = arith.addi %mul3A_2, %mul3A_175 : i32
      %dma_wait3A_177 = arith.constant 2 : i32
      %dma_wait3A_178 = arith.constant 0 : i32
      %dma_wait3A_179 = tpu.memref_slice %arg8[%dma_wait3A_177, %dma_wait3A_178] : memref<3x80xi32, #tpu.memory_space<vmem>> -> memref<1x80xi32, #tpu.memory_space<vmem>>
      %dma_wait3A_180 = tpu.memref_squeeze %dma_wait3A_179 : memref<1x80xi32, #tpu.memory_space<vmem>> -> memref<80xi32, #tpu.memory_space<vmem>>
      %dma_wait3A_181 = tpu.memref_slice %arg4[%add3A_176] : memref<320000xi32, #tpu.memory_space<hbm>> -> memref<80xi32, #tpu.memory_space<hbm>>
      %dma_wait3A_182 = arith.constant 0 : i32
      %dma_wait3A_183 = tpu.memref_slice %arg8[%dma_wait3A_177, %dma_wait3A_182] : memref<3x80xi32, #tpu.memory_space<vmem>> -> memref<1x80xi32, #tpu.memory_space<vmem>>
      %dma_wait3A_184 = tpu.memref_squeeze %dma_wait3A_183 : memref<1x80xi32, #tpu.memory_space<vmem>> -> memref<80xi32, #tpu.memory_space<vmem>>
      %dma_wait3A_185 = tpu.memref_slice %arg4[%add3A_176] : memref<320000xi32, #tpu.memory_space<hbm>> -> memref<80xi32, #tpu.memory_space<hbm>>
      tpu.wait_dma2 semaphore(%arg18 : memref<!tpu.dma_semaphore, #tpu.memory_space<semaphore_mem>>) src(%dma_wait3A_185 : memref<80xi32, #tpu.memory_space<hbm>>) dst(%dma_wait3A_184 : memref<80xi32, #tpu.memory_space<vmem>>)
      %dma_wait3A_186 = arith.constant 160 : i32
      %dma_wait3A_187 = tpu.memref_slice %arg7[%dma_wait3A_186] : memref<10000xi32, #tpu.memory_space<vmem>> -> memref<80xi32, #tpu.memory_space<vmem>>
      %dma_wait3A_188 = arith.constant 0 : i32
      %dma_wait3A_189 = arith.constant 0 : i32
      %dma_wait3A_190 = tpu.memref_slice %arg2[%dma_wait3A_188, %dma_wait3A_189] : memref<10000x128xf32, #tpu.memory_space<hbm>> -> memref<10000x128xf32, #tpu.memory_space<hbm>>
      tpu.wait_indirect_dma semaphore(%arg15 : memref<!tpu.dma_semaphore, #tpu.memory_space<semaphore_mem>>) src(%dma_wait3A_190 : memref<10000x128xf32, #tpu.memory_space<hbm>>) dst(%arg12 : memref<80x128xf32, #tpu.memory_space<vmem>>)
      %run_scoped3A_191 = arith.constant 2 : i32
      "tpu.region"() ({
        %run_scoped3A_199 = tpu.sem_alloc : memref<!tpu.dma_semaphore, #tpu.memory_space<semaphore_mem>>
        %dma_start3A_200 = arith.constant 0 : i32
        %dma_start3A_201 = tpu.memref_slice %arg8[%run_scoped3A_191, %dma_start3A_200] : memref<3x80xi32, #tpu.memory_space<vmem>> -> memref<1x80xi32, #tpu.memory_space<vmem>>
        %dma_start3A_202 = tpu.memref_squeeze %dma_start3A_201 : memref<1x80xi32, #tpu.memory_space<vmem>> -> memref<80xi32, #tpu.memory_space<vmem>>
        %dma_start3A_203 = arith.constant 0 : i32
        %dma_start3A_204 = arith.constant 0 : i32
        %dma_start3A_205 = tpu.memref_slice %arg6[%dma_start3A_203, %dma_start3A_204] : memref<10000x128xf32, #tpu.memory_space<vmem_shared>> -> memref<10000x128xf32, #tpu.memory_space<vmem_shared>>
        tpu.enqueue_indirect_dma source(%arg12 : memref<80x128xf32, #tpu.memory_space<vmem>>) target(%dma_start3A_205 : memref<10000x128xf32, #tpu.memory_space<vmem_shared>>) offsets(%dma_start3A_202 : memref<80xi32, #tpu.memory_space<vmem>>) semaphore(%run_scoped3A_199 : memref<!tpu.dma_semaphore, #tpu.memory_space<semaphore_mem>>) {add = true}
        %dma_wait3A_206 = arith.constant 0 : i32
        %dma_wait3A_207 = tpu.memref_slice %arg8[%run_scoped3A_191, %dma_wait3A_206] : memref<3x80xi32, #tpu.memory_space<vmem>> -> memref<1x80xi32, #tpu.memory_space<vmem>>
        %dma_wait3A_208 = tpu.memref_squeeze %dma_wait3A_207 : memref<1x80xi32, #tpu.memory_space<vmem>> -> memref<80xi32, #tpu.memory_space<vmem>>
        %dma_wait3A_209 = arith.constant 0 : i32
        %dma_wait3A_210 = arith.constant 0 : i32
        %dma_wait3A_211 = tpu.memref_slice %arg6[%dma_wait3A_209, %dma_wait3A_210] : memref<10000x128xf32, #tpu.memory_space<vmem_shared>> -> memref<10000x128xf32, #tpu.memory_space<vmem_shared>>
        tpu.wait_indirect_dma semaphore(%run_scoped3A_199 : memref<!tpu.dma_semaphore, #tpu.memory_space<semaphore_mem>>) src(%arg12 : memref<80x128xf32, #tpu.memory_space<vmem>>) dst(%dma_wait3A_211 : memref<10000x128xf32, #tpu.memory_space<vmem_shared>>)
        tpu.yield
      }) : () -> ()
      %add3A_192 = arith.constant 3 : i32
      %add3A_193 = arith.addi %add3A_173, %add3A_192 : i32
      %lt3A_194 = arith.constant 125 : i32
      %lt3A_195 = arith.cmpi slt, %add3A_193, %lt3A_194 : i32
      %convert_element_type3A_196 = arith.extui %lt3A_195 : i1 to i32
      %cond3A_197 = arith.constant 0 : i32
      %cond3A_198 = arith.cmpi ne, %convert_element_type3A_196, %cond3A_197 : i32
      scf.if %cond3A_198 {
        %add3A_199 = arith.constant 3 : i32
        %add3A_200 = arith.addi %add3A_173, %add3A_199 : i32
        %mul3A_201 = arith.constant 80 : i32
        %mul3A_202 = arith.muli %add3A_200, %mul3A_201 : i32
        %add3A_203 = arith.addi %mul3A_2, %mul3A_202 : i32
        %dma_start3A_204 = arith.constant 2 : i32
        %dma_start3A_205 = arith.constant 0 : i32
        %dma_start3A_206 = tpu.memref_slice %arg8[%dma_start3A_204, %dma_start3A_205] : memref<3x80xi32, #tpu.memory_space<vmem>> -> memref<1x80xi32, #tpu.memory_space<vmem>>
        %dma_start3A_207 = tpu.memref_squeeze %dma_start3A_206 : memref<1x80xi32, #tpu.memory_space<vmem>> -> memref<80xi32, #tpu.memory_space<vmem>>
        %dma_start3A_208 = tpu.memref_slice %arg4[%add3A_203] : memref<320000xi32, #tpu.memory_space<hbm>> -> memref<80xi32, #tpu.memory_space<hbm>>
        %dma_start3A_209 = arith.constant 0 : i32
        %dma_start3A_210 = tpu.memref_slice %arg8[%dma_start3A_204, %dma_start3A_209] : memref<3x80xi32, #tpu.memory_space<vmem>> -> memref<1x80xi32, #tpu.memory_space<vmem>>
        %dma_start3A_211 = tpu.memref_squeeze %dma_start3A_210 : memref<1x80xi32, #tpu.memory_space<vmem>> -> memref<80xi32, #tpu.memory_space<vmem>>
        %dma_start3A_212 = tpu.memref_slice %arg4[%add3A_203] : memref<320000xi32, #tpu.memory_space<hbm>> -> memref<80xi32, #tpu.memory_space<hbm>>
        tpu.enqueue_dma source(%dma_start3A_212 : memref<80xi32, #tpu.memory_space<hbm>>) target(%dma_start3A_211 : memref<80xi32, #tpu.memory_space<vmem>>) target_semaphore(%arg18 : memref<!tpu.dma_semaphore, #tpu.memory_space<semaphore_mem>>)
        %add3A_213 = arith.constant 3 : i32
        %add3A_214 = arith.addi %add3A_173, %add3A_213 : i32
        %mul3A_215 = arith.constant 80 : i32
        %mul3A_216 = arith.muli %add3A_214, %mul3A_215 : i32
        %dma_start3A_217 = tpu.memref_slice %arg7[%mul3A_216] : memref<10000xi32, #tpu.memory_space<vmem>> -> memref<80xi32, #tpu.memory_space<vmem>>
        %dma_start3A_218 = arith.constant 0 : i32
        %dma_start3A_219 = arith.constant 0 : i32
        %dma_start3A_220 = tpu.memref_slice %arg2[%dma_start3A_218, %dma_start3A_219] : memref<10000x128xf32, #tpu.memory_space<hbm>> -> memref<10000x128xf32, #tpu.memory_space<hbm>>
        tpu.enqueue_indirect_dma source(%dma_start3A_220 : memref<10000x128xf32, #tpu.memory_space<hbm>>) target(%arg12 : memref<80x128xf32, #tpu.memory_space<vmem>>) offsets(%dma_start3A_217 : memref<80xi32, #tpu.memory_space<vmem>>) semaphore(%arg15 : memref<!tpu.dma_semaphore, #tpu.memory_space<semaphore_mem>>)
      } else {
      }
    }
    %scan3A_65 = arith.constant 41 : i32
    %add3A_66 = arith.constant 9840 : i32
    %add3A_67 = arith.addi %mul3A_2, %add3A_66 : i32
    %dma_wait3A = arith.constant 0 : i32
    %dma_wait3A_68 = arith.constant 0 : i32
    %dma_wait3A_69 = tpu.memref_slice %arg8[%dma_wait3A, %dma_wait3A_68] : memref<3x80xi32, #tpu.memory_space<vmem>> -> memref<1x80xi32, #tpu.memory_space<vmem>>
    %dma_wait3A_70 = tpu.memref_squeeze %dma_wait3A_69 : memref<1x80xi32, #tpu.memory_space<vmem>> -> memref<80xi32, #tpu.memory_space<vmem>>
    %dma_wait3A_71 = tpu.memref_slice %arg4[%add3A_67] : memref<320000xi32, #tpu.memory_space<hbm>> -> memref<80xi32, #tpu.memory_space<hbm>>
    %dma_wait3A_72 = arith.constant 0 : i32
    %dma_wait3A_73 = tpu.memref_slice %arg8[%dma_wait3A, %dma_wait3A_72] : memref<3x80xi32, #tpu.memory_space<vmem>> -> memref<1x80xi32, #tpu.memory_space<vmem>>
    %dma_wait3A_74 = tpu.memref_squeeze %dma_wait3A_73 : memref<1x80xi32, #tpu.memory_space<vmem>> -> memref<80xi32, #tpu.memory_space<vmem>>
    %dma_wait3A_75 = tpu.memref_slice %arg4[%add3A_67] : memref<320000xi32, #tpu.memory_space<hbm>> -> memref<80xi32, #tpu.memory_space<hbm>>
    tpu.wait_dma2 semaphore(%arg16 : memref<!tpu.dma_semaphore, #tpu.memory_space<semaphore_mem>>) src(%dma_wait3A_75 : memref<80xi32, #tpu.memory_space<hbm>>) dst(%dma_wait3A_74 : memref<80xi32, #tpu.memory_space<vmem>>)
    %dma_wait3A_76 = arith.constant 0 : i32
    %dma_wait3A_77 = tpu.memref_slice %arg7[%dma_wait3A_76] : memref<10000xi32, #tpu.memory_space<vmem>> -> memref<80xi32, #tpu.memory_space<vmem>>
    %dma_wait3A_78 = arith.constant 0 : i32
    %dma_wait3A_79 = arith.constant 0 : i32
    %dma_wait3A_80 = tpu.memref_slice %arg2[%dma_wait3A_78, %dma_wait3A_79] : memref<10000x128xf32, #tpu.memory_space<hbm>> -> memref<10000x128xf32, #tpu.memory_space<hbm>>
    tpu.wait_indirect_dma semaphore(%arg13 : memref<!tpu.dma_semaphore, #tpu.memory_space<semaphore_mem>>) src(%dma_wait3A_80 : memref<10000x128xf32, #tpu.memory_space<hbm>>) dst(%arg10 : memref<80x128xf32, #tpu.memory_space<vmem>>)
    %run_scoped3A = arith.constant 0 : i32
    "tpu.region"() ({
      %run_scoped3A_108 = tpu.sem_alloc : memref<!tpu.dma_semaphore, #tpu.memory_space<semaphore_mem>>
      %dma_start3A_109 = arith.constant 0 : i32
      %dma_start3A_110 = tpu.memref_slice %arg8[%run_scoped3A, %dma_start3A_109] : memref<3x80xi32, #tpu.memory_space<vmem>> -> memref<1x80xi32, #tpu.memory_space<vmem>>
      %dma_start3A_111 = tpu.memref_squeeze %dma_start3A_110 : memref<1x80xi32, #tpu.memory_space<vmem>> -> memref<80xi32, #tpu.memory_space<vmem>>
      %dma_start3A_112 = arith.constant 0 : i32
      %dma_start3A_113 = arith.constant 0 : i32
      %dma_start3A_114 = tpu.memref_slice %arg6[%dma_start3A_112, %dma_start3A_113] : memref<10000x128xf32, #tpu.memory_space<vmem_shared>> -> memref<10000x128xf32, #tpu.memory_space<vmem_shared>>
      tpu.enqueue_indirect_dma source(%arg10 : memref<80x128xf32, #tpu.memory_space<vmem>>) target(%dma_start3A_114 : memref<10000x128xf32, #tpu.memory_space<vmem_shared>>) offsets(%dma_start3A_111 : memref<80xi32, #tpu.memory_space<vmem>>) semaphore(%run_scoped3A_108 : memref<!tpu.dma_semaphore, #tpu.memory_space<semaphore_mem>>) {add = true}
      %dma_wait3A_115 = arith.constant 0 : i32
      %dma_wait3A_116 = tpu.memref_slice %arg8[%run_scoped3A, %dma_wait3A_115] : memref<3x80xi32, #tpu.memory_space<vmem>> -> memref<1x80xi32, #tpu.memory_space<vmem>>
      %dma_wait3A_117 = tpu.memref_squeeze %dma_wait3A_116 : memref<1x80xi32, #tpu.memory_space<vmem>> -> memref<80xi32, #tpu.memory_space<vmem>>
      %dma_wait3A_118 = arith.constant 0 : i32
      %dma_wait3A_119 = arith.constant 0 : i32
      %dma_wait3A_120 = tpu.memref_slice %arg6[%dma_wait3A_118, %dma_wait3A_119] : memref<10000x128xf32, #tpu.memory_space<vmem_shared>> -> memref<10000x128xf32, #tpu.memory_space<vmem_shared>>
      tpu.wait_indirect_dma semaphore(%run_scoped3A_108 : memref<!tpu.dma_semaphore, #tpu.memory_space<semaphore_mem>>) src(%arg10 : memref<80x128xf32, #tpu.memory_space<vmem>>) dst(%dma_wait3A_120 : memref<10000x128xf32, #tpu.memory_space<vmem_shared>>)
      tpu.yield
    }) : () -> ()
    %add3A_81 = arith.constant 9920 : i32
    %add3A_82 = arith.addi %mul3A_2, %add3A_81 : i32
    %dma_wait3A_83 = arith.constant 1 : i32
    %dma_wait3A_84 = arith.constant 0 : i32
    %dma_wait3A_85 = tpu.memref_slice %arg8[%dma_wait3A_83, %dma_wait3A_84] : memref<3x80xi32, #tpu.memory_space<vmem>> -> memref<1x80xi32, #tpu.memory_space<vmem>>
    %dma_wait3A_86 = tpu.memref_squeeze %dma_wait3A_85 : memref<1x80xi32, #tpu.memory_space<vmem>> -> memref<80xi32, #tpu.memory_space<vmem>>
    %dma_wait3A_87 = tpu.memref_slice %arg4[%add3A_82] : memref<320000xi32, #tpu.memory_space<hbm>> -> memref<80xi32, #tpu.memory_space<hbm>>
    %dma_wait3A_88 = arith.constant 0 : i32
    %dma_wait3A_89 = tpu.memref_slice %arg8[%dma_wait3A_83, %dma_wait3A_88] : memref<3x80xi32, #tpu.memory_space<vmem>> -> memref<1x80xi32, #tpu.memory_space<vmem>>
    %dma_wait3A_90 = tpu.memref_squeeze %dma_wait3A_89 : memref<1x80xi32, #tpu.memory_space<vmem>> -> memref<80xi32, #tpu.memory_space<vmem>>
    %dma_wait3A_91 = tpu.memref_slice %arg4[%add3A_82] : memref<320000xi32, #tpu.memory_space<hbm>> -> memref<80xi32, #tpu.memory_space<hbm>>
    tpu.wait_dma2 semaphore(%arg17 : memref<!tpu.dma_semaphore, #tpu.memory_space<semaphore_mem>>) src(%dma_wait3A_91 : memref<80xi32, #tpu.memory_space<hbm>>) dst(%dma_wait3A_90 : memref<80xi32, #tpu.memory_space<vmem>>)
    %dma_wait3A_92 = arith.constant 80 : i32
    %dma_wait3A_93 = tpu.memref_slice %arg7[%dma_wait3A_92] : memref<10000xi32, #tpu.memory_space<vmem>> -> memref<80xi32, #tpu.memory_space<vmem>>
    %dma_wait3A_94 = arith.constant 0 : i32
    %dma_wait3A_95 = arith.constant 0 : i32
    %dma_wait3A_96 = tpu.memref_slice %arg2[%dma_wait3A_94, %dma_wait3A_95] : memref<10000x128xf32, #tpu.memory_space<hbm>> -> memref<10000x128xf32, #tpu.memory_space<hbm>>
    tpu.wait_indirect_dma semaphore(%arg14 : memref<!tpu.dma_semaphore, #tpu.memory_space<semaphore_mem>>) src(%dma_wait3A_96 : memref<10000x128xf32, #tpu.memory_space<hbm>>) dst(%arg11 : memref<80x128xf32, #tpu.memory_space<vmem>>)
    %run_scoped3A_97 = arith.constant 1 : i32
    "tpu.region"() ({
      %run_scoped3A_108 = tpu.sem_alloc : memref<!tpu.dma_semaphore, #tpu.memory_space<semaphore_mem>>
      %dma_start3A_109 = arith.constant 0 : i32
      %dma_start3A_110 = tpu.memref_slice %arg8[%run_scoped3A_97, %dma_start3A_109] : memref<3x80xi32, #tpu.memory_space<vmem>> -> memref<1x80xi32, #tpu.memory_space<vmem>>
      %dma_start3A_111 = tpu.memref_squeeze %dma_start3A_110 : memref<1x80xi32, #tpu.memory_space<vmem>> -> memref<80xi32, #tpu.memory_space<vmem>>
      %dma_start3A_112 = arith.constant 0 : i32
      %dma_start3A_113 = arith.constant 0 : i32
      %dma_start3A_114 = tpu.memref_slice %arg6[%dma_start3A_112, %dma_start3A_113] : memref<10000x128xf32, #tpu.memory_space<vmem_shared>> -> memref<10000x128xf32, #tpu.memory_space<vmem_shared>>
      tpu.enqueue_indirect_dma source(%arg11 : memref<80x128xf32, #tpu.memory_space<vmem>>) target(%dma_start3A_114 : memref<10000x128xf32, #tpu.memory_space<vmem_shared>>) offsets(%dma_start3A_111 : memref<80xi32, #tpu.memory_space<vmem>>) semaphore(%run_scoped3A_108 : memref<!tpu.dma_semaphore, #tpu.memory_space<semaphore_mem>>) {add = true}
      %dma_wait3A_115 = arith.constant 0 : i32
      %dma_wait3A_116 = tpu.memref_slice %arg8[%run_scoped3A_97, %dma_wait3A_115] : memref<3x80xi32, #tpu.memory_space<vmem>> -> memref<1x80xi32, #tpu.memory_space<vmem>>
      %dma_wait3A_117 = tpu.memref_squeeze %dma_wait3A_116 : memref<1x80xi32, #tpu.memory_space<vmem>> -> memref<80xi32, #tpu.memory_space<vmem>>
      %dma_wait3A_118 = arith.constant 0 : i32
      %dma_wait3A_119 = arith.constant 0 : i32
      %dma_wait3A_120 = tpu.memref_slice %arg6[%dma_wait3A_118, %dma_wait3A_119] : memref<10000x128xf32, #tpu.memory_space<vmem_shared>> -> memref<10000x128xf32, #tpu.memory_space<vmem_shared>>
      tpu.wait_indirect_dma semaphore(%run_scoped3A_108 : memref<!tpu.dma_semaphore, #tpu.memory_space<semaphore_mem>>) src(%arg11 : memref<80x128xf32, #tpu.memory_space<vmem>>) dst(%dma_wait3A_120 : memref<10000x128xf32, #tpu.memory_space<vmem_shared>>)
      tpu.yield
    }) : () -> ()
    %barrier3A_98 = arith.constant 0 : index
    tpu.barrier barrier_id(%barrier3A_98)
    %mul3A_99 = arith.constant 624 : i32
    %mul3A_100 = arith.muli %arg1, %mul3A_99 : i32
    %mul3A_101 = arith.constant 624 : i32
    %mul3A_102 = arith.muli %arg1, %mul3A_101 : i32
    "tpu.region"() ({
      %run_scoped3A_108 = tpu.sem_alloc : memref<!tpu.dma_semaphore, #tpu.memory_space<semaphore_mem>>
      %dma_start3A_109 = arith.constant 0 : i32
      %dma_start3A_110 = tpu.memref_slice %arg5[%arg0, %mul3A_102, %dma_start3A_109] : memref<2x10000x128xf32, #tpu.memory_space<hbm>> -> memref<1x624x128xf32, #tpu.memory_space<hbm>>
      %dma_start3A_111 = tpu.memref_squeeze %dma_start3A_110 : memref<1x624x128xf32, #tpu.memory_space<hbm>> -> memref<624x128xf32, #tpu.memory_space<hbm>>
      %dma_start3A_112 = arith.constant 0 : i32
      %dma_start3A_113 = tpu.memref_slice %arg6[%mul3A_100, %dma_start3A_112] : memref<10000x128xf32, #tpu.memory_space<vmem_shared>> -> memref<624x128xf32, #tpu.memory_space<vmem_shared>>
      tpu.enqueue_dma source(%dma_start3A_113 : memref<624x128xf32, #tpu.memory_space<vmem_shared>>) target(%dma_start3A_111 : memref<624x128xf32, #tpu.memory_space<hbm>>) target_semaphore(%run_scoped3A_108 : memref<!tpu.dma_semaphore, #tpu.memory_space<semaphore_mem>>)
      %dma_wait3A_114 = arith.constant 0 : i32
      %dma_wait3A_115 = tpu.memref_slice %arg5[%arg0, %mul3A_102, %dma_wait3A_114] : memref<2x10000x128xf32, #tpu.memory_space<hbm>> -> memref<1x624x128xf32, #tpu.memory_space<hbm>>
      %dma_wait3A_116 = tpu.memref_squeeze %dma_wait3A_115 : memref<1x624x128xf32, #tpu.memory_space<hbm>> -> memref<624x128xf32, #tpu.memory_space<hbm>>
      %dma_wait3A_117 = arith.constant 0 : i32
      %dma_wait3A_118 = tpu.memref_slice %arg6[%mul3A_100, %dma_wait3A_117] : memref<10000x128xf32, #tpu.memory_space<vmem_shared>> -> memref<624x128xf32, #tpu.memory_space<vmem_shared>>
      tpu.wait_dma2 semaphore(%run_scoped3A_108 : memref<!tpu.dma_semaphore, #tpu.memory_space<semaphore_mem>>) src(%dma_wait3A_118 : memref<624x128xf32, #tpu.memory_space<vmem_shared>>) dst(%dma_wait3A_116 : memref<624x128xf32, #tpu.memory_space<hbm>>)
      tpu.yield
    }) : () -> ()
    %eq3A_103 = arith.constant 15 : i32
    %eq3A_104 = arith.cmpi eq, %arg1, %eq3A_103 : i32
    %convert_element_type3A_105 = arith.extui %eq3A_104 : i1 to i32
    %cond3A_106 = arith.constant 0 : i32
    %cond3A_107 = arith.cmpi ne, %convert_element_type3A_105, %cond3A_106 : i32
    scf.if %cond3A_107 {
      "tpu.region"() ({
        %run_scoped3A_108 = tpu.sem_alloc : memref<!tpu.dma_semaphore, #tpu.memory_space<semaphore_mem>>
        %dma_start3A_109 = arith.constant 9984 : i32
        %dma_start3A_110 = arith.constant 0 : i32
        %dma_start3A_111 = tpu.memref_slice %arg5[%arg0, %dma_start3A_109, %dma_start3A_110] : memref<2x10000x128xf32, #tpu.memory_space<hbm>> -> memref<1x16x128xf32, #tpu.memory_space<hbm>>
        %dma_start3A_112 = tpu.memref_squeeze %dma_start3A_111 : memref<1x16x128xf32, #tpu.memory_space<hbm>> -> memref<16x128xf32, #tpu.memory_space<hbm>>
        %dma_start3A_113 = arith.constant 9984 : i32
        %dma_start3A_114 = arith.constant 0 : i32
        %dma_start3A_115 = tpu.memref_slice %arg6[%dma_start3A_113, %dma_start3A_114] : memref<10000x128xf32, #tpu.memory_space<vmem_shared>> -> memref<16x128xf32, #tpu.memory_space<vmem_shared>>
        tpu.enqueue_dma source(%dma_start3A_115 : memref<16x128xf32, #tpu.memory_space<vmem_shared>>) target(%dma_start3A_112 : memref<16x128xf32, #tpu.memory_space<hbm>>) target_semaphore(%run_scoped3A_108 : memref<!tpu.dma_semaphore, #tpu.memory_space<semaphore_mem>>)
        %dma_wait3A_116 = arith.constant 9984 : i32
        %dma_wait3A_117 = arith.constant 0 : i32
        %dma_wait3A_118 = tpu.memref_slice %arg5[%arg0, %dma_wait3A_116, %dma_wait3A_117] : memref<2x10000x128xf32, #tpu.memory_space<hbm>> -> memref<1x16x128xf32, #tpu.memory_space<hbm>>
        %dma_wait3A_119 = tpu.memref_squeeze %dma_wait3A_118 : memref<1x16x128xf32, #tpu.memory_space<hbm>> -> memref<16x128xf32, #tpu.memory_space<hbm>>
        %dma_wait3A_120 = arith.constant 9984 : i32
        %dma_wait3A_121 = arith.constant 0 : i32
        %dma_wait3A_122 = tpu.memref_slice %arg6[%dma_wait3A_120, %dma_wait3A_121] : memref<10000x128xf32, #tpu.memory_space<vmem_shared>> -> memref<16x128xf32, #tpu.memory_space<vmem_shared>>
        tpu.wait_dma2 semaphore(%run_scoped3A_108 : memref<!tpu.dma_semaphore, #tpu.memory_space<semaphore_mem>>) src(%dma_wait3A_122 : memref<16x128xf32, #tpu.memory_space<vmem_shared>>) dst(%dma_wait3A_119 : memref<16x128xf32, #tpu.memory_space<hbm>>)
        tpu.yield
      }) : () -> ()
    } else {
    }
    return
  }
}

module attributes {stable_mosaic.version = 14 : i64} {
  func.func @_root_body(%arg0: i32, %arg1: memref<1000x128xf32, #tpu.memory_space<vmem>>, %arg2: memref<128x128xf32, #tpu.memory_space<vmem>>, %arg3: memref<1000x128xf32, #tpu.memory_space<vmem>>) attributes {dimension_semantics = [#tpu.dimension_semantics<arbitrary>], iteration_bounds = array<i64: 10>, scalar_prefetch = 0 : i64, scratch_operands = 0 : i64, tpu.core_type = #tpu.core_type<tc>, window_params = [{transform_indices = @transform_0, window_bounds = array<i64: 1000, 128>}, {pipeline_mode = #tpu.pipeline_mode<synchronous>, transform_indices = @transform_1, window_bounds = array<i64: 128, 128>}, {transform_indices = @transform_2, window_bounds = array<i64: 1000, 128>}]} {
    %get3A = arith.constant 0 : index
    %get3A_0 = arith.constant 0 : index
    %get3A_1 = vector.load %arg1[%get3A, %get3A_0] : memref<1000x128xf32, #tpu.memory_space<vmem>>, vector<1000x128xf32>
    %get3A_2 = arith.constant 0 : index
    %get3A_3 = arith.constant 0 : index
    %get3A_4 = vector.load %arg2[%get3A_2, %get3A_3] : memref<128x128xf32, #tpu.memory_space<vmem>>, vector<128x128xf32>
    %dot_general3A = arith.constant dense<0.000000e+00> : vector<1000x128xf32>
    %dot_general3A_5 = tpu.matmul %get3A_1, %get3A_4, %dot_general3A {dimension_numbers = #tpu.dot_dimension_numbers<[1], [0], [0], [1], [0, 0, 1, 1], [], []>, transpose_lhs_hint = false} : vector<1000x128xf32>, vector<128x128xf32>, vector<1000x128xf32> -> vector<1000x128xf32>
    %swap3A = arith.constant 0 : index
    %swap3A_6 = arith.constant 0 : index
    %swap3A_7 = vector.load %arg3[%swap3A, %swap3A_6] : memref<1000x128xf32, #tpu.memory_space<vmem>>, vector<1000x128xf32>
    tpu.vector_store %arg3[%swap3A, %swap3A_6], %dot_general3A_5 {strides = array<i32>} : memref<1000x128xf32, #tpu.memory_space<vmem>>, vector<1000x128xf32>,
    return
  }
  func.func @transform_0(%arg0: i32) -> (i32, i32) {
    %c0_i32 = arith.constant 0 : i32
    %c0_i32_0 = arith.constant 0 : i32
    return %arg0, %c0_i32 : i32, i32
  }
  func.func @transform_1(%arg0: i32) -> (i32, i32) {
    %c0_i32 = arith.constant 0 : i32
    %c0_i32_0 = arith.constant 0 : i32
    %c0_i32_1 = arith.constant 0 : i32
    return %c0_i32, %c0_i32_0 : i32, i32
  }
  func.func @transform_2(%arg0: i32) -> (i32, i32) {
    %c0_i32 = arith.constant 0 : i32
    %c0_i32_0 = arith.constant 0 : i32
    return %arg0, %c0_i32 : i32, i32
  }
}

module attributes {stable_mosaic.version = 14 : i64} {
  func.func @_split_body(%arg0: memref<2x320000xi32, #tpu.memory_space<vmem>>, %arg1: memref<320000xi32, #tpu.memory_space<vmem>>, %arg2: memref<320000xi32, #tpu.memory_space<vmem>>) attributes {dimension_semantics = [], scalar_prefetch = 0 : i64, scratch_operands = 0 : i64, tpu.core_type = #tpu.core_type<tc>} {
    %get3A = arith.constant 0 : index
    %get3A_0 = arith.constant 0 : index
    %get3A_1 = vector.load %arg0[%get3A, %get3A_0] : memref<2x320000xi32, #tpu.memory_space<vmem>>, vector<1x320000xi32>
    %get3A_2 = vector.shape_cast %get3A_1 : vector<1x320000xi32> to vector<320000xi32>
    %swap3A = arith.constant 0 : index
    %swap3A_3 = vector.load %arg1[%swap3A] : memref<320000xi32, #tpu.memory_space<vmem>>, vector<320000xi32>
    tpu.vector_store %arg1[%swap3A], %get3A_2 {strides = array<i32>} : memref<320000xi32, #tpu.memory_space<vmem>>, vector<320000xi32>,
    %get3A_4 = arith.constant 1 : index
    %get3A_5 = arith.constant 0 : index
    %get3A_6 = vector.load %arg0[%get3A_4, %get3A_5] : memref<2x320000xi32, #tpu.memory_space<vmem>>, vector<1x320000xi32>
    %get3A_7 = vector.shape_cast %get3A_6 : vector<1x320000xi32> to vector<320000xi32>
    %swap3A_8 = arith.constant 0 : index
    %swap3A_9 = vector.load %arg2[%swap3A_8] : memref<320000xi32, #tpu.memory_space<vmem>>, vector<320000xi32>
    tpu.vector_store %arg2[%swap3A_8], %get3A_7 {strides = array<i32>} : memref<320000xi32, #tpu.memory_space<vmem>>, vector<320000xi32>,
    return
  }
}

module attributes {stable_mosaic.version = 14 : i64} {
  func.func @_combine_body(%arg0: i32, %arg1: memref<2x1000x128xf32, #tpu.memory_space<vmem>>, %arg2: memref<1000x128xf32, #tpu.memory_space<vmem>>, %arg3: memref<128x128xf32, #tpu.memory_space<vmem>>, %arg4: memref<1x128xf32, #tpu.memory_space<vmem>>, %arg5: memref<1000x128xf32, #tpu.memory_space<vmem>>) attributes {dimension_semantics = [#tpu.dimension_semantics<arbitrary>], iteration_bounds = array<i64: 10>, scalar_prefetch = 0 : i64, scratch_operands = 0 : i64, tpu.core_type = #tpu.core_type<tc>, window_params = [{transform_indices = @transform_0, window_bounds = array<i64: 2, 1000, 128>}, {transform_indices = @transform_1, window_bounds = array<i64: 1000, 128>}, {pipeline_mode = #tpu.pipeline_mode<synchronous>, transform_indices = @transform_2, window_bounds = array<i64: 128, 128>}, {pipeline_mode = #tpu.pipeline_mode<synchronous>, transform_indices = @transform_3, window_bounds = array<i64: 1, 128>}, {transform_indices = @transform_4, window_bounds = array<i64: 1000, 128>}]} {
    %get3A = arith.constant 0 : index
    %get3A_0 = arith.constant 0 : index
    %get3A_1 = arith.constant 0 : index
    %get3A_2 = vector.load %arg1[%get3A, %get3A_0, %get3A_1] : memref<2x1000x128xf32, #tpu.memory_space<vmem>>, vector<1x1000x128xf32>
    %get3A_3 = vector.shape_cast %get3A_2 : vector<1x1000x128xf32> to vector<1000x128xf32>
    %get3A_4 = arith.constant 1 : index
    %get3A_5 = arith.constant 0 : index
    %get3A_6 = arith.constant 0 : index
    %get3A_7 = vector.load %arg1[%get3A_4, %get3A_5, %get3A_6] : memref<2x1000x128xf32, #tpu.memory_space<vmem>>, vector<1x1000x128xf32>
    %get3A_8 = vector.shape_cast %get3A_7 : vector<1x1000x128xf32> to vector<1000x128xf32>
    %add3A = arith.addf %get3A_3, %get3A_8 : vector<1000x128xf32>
    %get3A_9 = arith.constant 0 : index
    %get3A_10 = arith.constant 0 : index
    %get3A_11 = vector.load %arg3[%get3A_9, %get3A_10] : memref<128x128xf32, #tpu.memory_space<vmem>>, vector<128x128xf32>
    %dot_general3A = arith.constant dense<0.000000e+00> : vector<1000x128xf32>
    %dot_general3A_12 = tpu.matmul %add3A, %get3A_11, %dot_general3A {dimension_numbers = #tpu.dot_dimension_numbers<[1], [0], [0], [1], [0, 0, 1, 1], [], []>, transpose_lhs_hint = false} : vector<1000x128xf32>, vector<128x128xf32>, vector<1000x128xf32> -> vector<1000x128xf32>
    %get3A_13 = arith.constant 0 : index
    %get3A_14 = arith.constant 0 : index
    %get3A_15 = vector.load %arg2[%get3A_13, %get3A_14] : memref<1000x128xf32, #tpu.memory_space<vmem>>, vector<1000x128xf32>
    %add3A_16 = arith.addf %dot_general3A_12, %get3A_15 : vector<1000x128xf32>
    %get3A_17 = arith.constant 0 : index
    %get3A_18 = arith.constant 0 : index
    %get3A_19 = vector.load %arg4[%get3A_17, %get3A_18] : memref<1x128xf32, #tpu.memory_space<vmem>>, vector<1x128xf32>
    %add3A_20 = vector.broadcast %get3A_19 : vector<1x128xf32> to vector<1000x128xf32>
    %add3A_21 = arith.addf %add3A_16, %add3A_20 : vector<1000x128xf32>
    %max3A = arith.constant 0.000000e+00 : f32
    %max3A_22 = vector.broadcast %max3A : f32 to vector<1000x128xf32>
    %max3A_23 = arith.maximumf %add3A_21, %max3A_22 : vector<1000x128xf32>
    %swap3A = arith.constant 0 : index
    %swap3A_24 = arith.constant 0 : index
    %swap3A_25 = vector.load %arg5[%swap3A, %swap3A_24] : memref<1000x128xf32, #tpu.memory_space<vmem>>, vector<1000x128xf32>
    tpu.vector_store %arg5[%swap3A, %swap3A_24], %max3A_23 {strides = array<i32>} : memref<1000x128xf32, #tpu.memory_space<vmem>>, vector<1000x128xf32>,
    return
  }
  func.func @transform_0(%arg0: i32) -> (i32, i32, i32) {
    %c0_i32 = arith.constant 0 : i32
    %c0_i32_0 = arith.constant 0 : i32
    %c0_i32_1 = arith.constant 0 : i32
    return %c0_i32, %arg0, %c0_i32_0 : i32, i32, i32
  }
  func.func @transform_1(%arg0: i32) -> (i32, i32) {
    %c0_i32 = arith.constant 0 : i32
    %c0_i32_0 = arith.constant 0 : i32
    return %arg0, %c0_i32 : i32, i32
  }
  func.func @transform_2(%arg0: i32) -> (i32, i32) {
    %c0_i32 = arith.constant 0 : i32
    %c0_i32_0 = arith.constant 0 : i32
    %c0_i32_1 = arith.constant 0 : i32
    return %c0_i32, %c0_i32_0 : i32, i32
  }
  func.func @transform_3(%arg0: i32) -> (i32, i32) {
    %c0_i32 = arith.constant 0 : i32
    %c0_i32_0 = arith.constant 0 : i32
    %c0_i32_1 = arith.constant 0 : i32
    return %c0_i32, %c0_i32_0 : i32, i32
  }
  func.func @transform_4(%arg0: i32) -> (i32, i32) {
    %c0_i32 = arith.constant 0 : i32
    %c0_i32_0 = arith.constant 0 : i32
    return %arg0, %c0_i32 : i32, i32
  }
}

module attributes {stable_mosaic.version = 14 : i64} {
  func.func @_final_body(%arg0: i32, %arg1: memref<2x1000x128xf32, #tpu.memory_space<vmem>>, %arg2: memref<1000x128xf32, #tpu.memory_space<vmem>>, %arg3: memref<128x128xf32, #tpu.memory_space<vmem>>, %arg4: memref<1x128xf32, #tpu.memory_space<vmem>>, %arg5: memref<1x128xi32, #tpu.memory_space<vmem>>, %arg6: memref<1x128xi32, #tpu.memory_space<vmem>>, %arg7: memref<128x128xf32, #tpu.memory_space<vmem>>, %arg8: memref<1x128xf32, #tpu.memory_space<vmem>>, %arg9: memref<1x128xf32, #tpu.memory_space<vmem>>, %arg10: memref<1x128xf32, #tpu.memory_space<vmem>>, %arg11: memref<128x128xf32, #tpu.memory_space<vmem>>, %arg12: memref<1x128xf32, #tpu.memory_space<vmem>>, %arg13: memref<8x40xf32, #tpu.memory_space<vmem>>, %arg14: memref<128x128xf32, #tpu.memory_space<vmem>>) attributes {dimension_semantics = [#tpu.dimension_semantics<arbitrary>], iteration_bounds = array<i64: 10>, scalar_prefetch = 0 : i64, scratch_operands = 1 : i64, tpu.core_type = #tpu.core_type<tc>, window_params = [{transform_indices = @transform_0, window_bounds = array<i64: 2, 1000, 128>}, {transform_indices = @transform_1, window_bounds = array<i64: 1000, 128>}, {pipeline_mode = #tpu.pipeline_mode<synchronous>, transform_indices = @transform_2, window_bounds = array<i64: 128, 128>}, {pipeline_mode = #tpu.pipeline_mode<synchronous>, transform_indices = @transform_3, window_bounds = array<i64: 1, 128>}, {pipeline_mode = #tpu.pipeline_mode<synchronous>, transform_indices = @transform_4, window_bounds = array<i64: 1, 128>}, {pipeline_mode = #tpu.pipeline_mode<synchronous>, transform_indices = @transform_5, window_bounds = array<i64: 1, 128>}, {pipeline_mode = #tpu.pipeline_mode<synchronous>, transform_indices = @transform_6, window_bounds = array<i64: 128, 128>}, {pipeline_mode = #tpu.pipeline_mode<synchronous>, transform_indices = @transform_7, window_bounds = array<i64: 1, 128>}, {pipeline_mode = #tpu.pipeline_mode<synchronous>, transform_indices = @transform_8, window_bounds = array<i64: 1, 128>}, {pipeline_mode = #tpu.pipeline_mode<synchronous>, transform_indices = @transform_9, window_bounds = array<i64: 1, 128>}, {pipeline_mode = #tpu.pipeline_mode<synchronous>, transform_indices = @transform_10, window_bounds = array<i64: 128, 128>}, {pipeline_mode = #tpu.pipeline_mode<synchronous>, transform_indices = @transform_11, window_bounds = array<i64: 1, 128>}, {pipeline_mode = #tpu.pipeline_mode<synchronous>, transform_indices = @transform_12, window_bounds = array<i64: 8, 40>}]} {
    %eq3A = arith.constant 0 : i32
    %eq3A_0 = arith.cmpi eq, %arg0, %eq3A : i32
    %convert_element_type3A = arith.extui %eq3A_0 : i1 to i32
    %cond3A = arith.constant 0 : i32
    %cond3A_1 = arith.cmpi ne, %convert_element_type3A, %cond3A : i32
    scf.if %cond3A_1 {
      %broadcast_in_dim3A = arith.constant 0.000000e+00 : f32
      %broadcast_in_dim3A_52 = vector.broadcast %broadcast_in_dim3A : f32 to vector<128x128xf32>
      %swap3A_53 = arith.constant 0 : index
      %swap3A_54 = arith.constant 0 : index
      %swap3A_55 = vector.load %arg14[%swap3A_53, %swap3A_54] : memref<128x128xf32, #tpu.memory_space<vmem>>, vector<128x128xf32>
      tpu.vector_store %arg14[%swap3A_53, %swap3A_54], %broadcast_in_dim3A_52 {strides = array<i32>} : memref<128x128xf32, #tpu.memory_space<vmem>>, vector<128x128xf32>,
    } else {
    }
    %get3A = arith.constant 0 : index
    %get3A_2 = arith.constant 0 : index
    %get3A_3 = arith.constant 0 : index
    %get3A_4 = vector.load %arg1[%get3A, %get3A_2, %get3A_3] : memref<2x1000x128xf32, #tpu.memory_space<vmem>>, vector<1x1000x128xf32>
    %get3A_5 = vector.shape_cast %get3A_4 : vector<1x1000x128xf32> to vector<1000x128xf32>
    %get3A_6 = arith.constant 1 : index
    %get3A_7 = arith.constant 0 : index
    %get3A_8 = arith.constant 0 : index
    %get3A_9 = vector.load %arg1[%get3A_6, %get3A_7, %get3A_8] : memref<2x1000x128xf32, #tpu.memory_space<vmem>>, vector<1x1000x128xf32>
    %get3A_10 = vector.shape_cast %get3A_9 : vector<1x1000x128xf32> to vector<1000x128xf32>
    %add3A = arith.addf %get3A_5, %get3A_10 : vector<1000x128xf32>
    %get3A_11 = arith.constant 0 : index
    %get3A_12 = arith.constant 0 : index
    %get3A_13 = vector.load %arg3[%get3A_11, %get3A_12] : memref<128x128xf32, #tpu.memory_space<vmem>>, vector<128x128xf32>
    %dot_general3A = arith.constant dense<0.000000e+00> : vector<1000x128xf32>
    %dot_general3A_14 = tpu.matmul %add3A, %get3A_13, %dot_general3A {dimension_numbers = #tpu.dot_dimension_numbers<[1], [0], [0], [1], [0, 0, 1, 1], [], []>, transpose_lhs_hint = false} : vector<1000x128xf32>, vector<128x128xf32>, vector<1000x128xf32> -> vector<1000x128xf32>
    %get3A_15 = arith.constant 0 : index
    %get3A_16 = arith.constant 0 : index
    %get3A_17 = vector.load %arg2[%get3A_15, %get3A_16] : memref<1000x128xf32, #tpu.memory_space<vmem>>, vector<1000x128xf32>
    %add3A_18 = arith.addf %dot_general3A_14, %get3A_17 : vector<1000x128xf32>
    %get3A_19 = arith.constant 0 : index
    %get3A_20 = arith.constant 0 : index
    %get3A_21 = vector.load %arg4[%get3A_19, %get3A_20] : memref<1x128xf32, #tpu.memory_space<vmem>>, vector<1x128xf32>
    %add3A_22 = vector.broadcast %get3A_21 : vector<1x128xf32> to vector<1000x128xf32>
    %add3A_23 = arith.addf %add3A_18, %add3A_22 : vector<1000x128xf32>
    %max3A = arith.constant 0.000000e+00 : f32
    %max3A_24 = vector.broadcast %max3A : f32 to vector<1000x128xf32>
    %max3A_25 = arith.maximumf %add3A_23, %max3A_24 : vector<1000x128xf32>
    %iota3A = tpu.iota {dimensions = array<i32: 0>} : vector<1000x128xi32>
    %mul3A = arith.constant 1000 : i32
    %mul3A_26 = arith.muli %arg0, %mul3A : i32
    %add3A_27 = vector.broadcast %mul3A_26 : i32 to vector<1000x128xi32>
    %add3A_28 = arith.addi %iota3A, %add3A_27 : vector<1000x128xi32>
    %get3A_29 = arith.constant 0 : index
    %get3A_30 = arith.constant 0 : index
    %get3A_31 = vector.load %arg5[%get3A_29, %get3A_30] : memref<1x128xi32, #tpu.memory_space<vmem>>, vector<1x128xi32>
    %ge3A = vector.broadcast %get3A_31 : vector<1x128xi32> to vector<1000x128xi32>
    %ge3A_32 = arith.cmpi sge, %add3A_28, %ge3A : vector<1000x128xi32>
    %get3A_33 = arith.constant 0 : index
    %get3A_34 = arith.constant 0 : index
    %get3A_35 = vector.load %arg6[%get3A_33, %get3A_34] : memref<1x128xi32, #tpu.memory_space<vmem>>, vector<1x128xi32>
    %lt3A = vector.broadcast %get3A_35 : vector<1x128xi32> to vector<1000x128xi32>
    %lt3A_36 = arith.cmpi slt, %add3A_28, %lt3A : vector<1000x128xi32>
    %and3A = arith.andi %ge3A_32, %lt3A_36 : vector<1000x128xi1>
    %convert_element_type3A_37 = arith.extui %and3A : vector<1000x128xi1> to vector<1000x128xi32>
    %convert_element_type3A_38 = arith.sitofp %convert_element_type3A_37 : vector<1000x128xi32> to vector<1000x128xf32>
    %get3A_39 = arith.constant 0 : index
    %get3A_40 = arith.constant 0 : index
    %get3A_41 = vector.load %arg14[%get3A_39, %get3A_40] : memref<128x128xf32, #tpu.memory_space<vmem>>, vector<128x128xf32>
    %dot_general3A_42 = arith.constant dense<0.000000e+00> : vector<128x128xf32>
    %dot_general3A_43 = tpu.matmul %convert_element_type3A_38, %max3A_25, %dot_general3A_42 {dimension_numbers = #tpu.dot_dimension_numbers<[0], [0], [1], [1], [0, 1, 1, 1], [], []>, precision = #tpu.contract_precision<fp32>, transpose_lhs_hint = false} : vector<1000x128xf32>, vector<1000x128xf32>, vector<128x128xf32> -> vector<128x128xf32>
    %add3A_44 = arith.addf %get3A_41, %dot_general3A_43 : vector<128x128xf32>
    %swap3A = arith.constant 0 : index
    %swap3A_45 = arith.constant 0 : index
    %swap3A_46 = vector.load %arg14[%swap3A, %swap3A_45] : memref<128x128xf32, #tpu.memory_space<vmem>>, vector<128x128xf32>
    tpu.vector_store %arg14[%swap3A, %swap3A_45], %add3A_44 {strides = array<i32>} : memref<128x128xf32, #tpu.memory_space<vmem>>, vector<128x128xf32>,
    %eq3A_47 = arith.constant 9 : i32
    %eq3A_48 = arith.cmpi eq, %arg0, %eq3A_47 : i32
    %convert_element_type3A_49 = arith.extui %eq3A_48 : i1 to i32
    %cond3A_50 = arith.constant 0 : i32
    %cond3A_51 = arith.cmpi ne, %convert_element_type3A_49, %cond3A_50 : i32
    scf.if %cond3A_51 {
      %get3A_52 = arith.constant 0 : index
      %get3A_53 = arith.constant 0 : index
      %get3A_54 = vector.load %arg14[%get3A_52, %get3A_53] : memref<128x128xf32, #tpu.memory_space<vmem>>, vector<8x128xf32>
      %get3A_55 = arith.constant 0 : index
      %get3A_56 = arith.constant 0 : index
      %get3A_57 = vector.load %arg7[%get3A_55, %get3A_56] : memref<128x128xf32, #tpu.memory_space<vmem>>, vector<128x128xf32>
      %dot_general3A_58 = arith.constant dense<0.000000e+00> : vector<8x128xf32>
      %dot_general3A_59 = tpu.matmul %get3A_54, %get3A_57, %dot_general3A_58 {dimension_numbers = #tpu.dot_dimension_numbers<[1], [0], [0], [1], [0, 0, 1, 1], [], []>, transpose_lhs_hint = false} : vector<8x128xf32>, vector<128x128xf32>, vector<8x128xf32> -> vector<8x128xf32>
      %get3A_60 = arith.constant 0 : index
      %get3A_61 = arith.constant 0 : index
      %get3A_62 = vector.load %arg8[%get3A_60, %get3A_61] : memref<1x128xf32, #tpu.memory_space<vmem>>, vector<1x128xf32>
      %add3A_63 = vector.broadcast %get3A_62 : vector<1x128xf32> to vector<8x128xf32>
      %add3A_64 = arith.addf %dot_general3A_59, %add3A_63 : vector<8x128xf32>
      %reduce_sum3A = arith.constant dense<0.000000e+00> : vector<128xf32>
      %reduce_sum3A_65 = vector.multi_reduction <add>, %add3A_64, %reduce_sum3A [0] : vector<8x128xf32> to vector<128xf32>
      %broadcast_in_dim3A = vector.shape_cast %reduce_sum3A_65 : vector<128xf32> to vector<1x128xf32>
      %div3A = arith.constant 8.000000e+00 : f32
      %div3A_66 = vector.broadcast %div3A : f32 to vector<1x128xf32>
      %div3A_67 = arith.divf %broadcast_in_dim3A, %div3A_66 : vector<1x128xf32>
      %sub3A = vector.broadcast %div3A_67 : vector<1x128xf32> to vector<8x128xf32>
      %sub3A_68 = arith.subf %add3A_64, %sub3A : vector<8x128xf32>
      %integer_pow3A = arith.mulf %sub3A_68, %sub3A_68 : vector<8x128xf32>
      %reduce_sum3A_69 = arith.constant dense<0.000000e+00> : vector<128xf32>
      %reduce_sum3A_70 = vector.multi_reduction <add>, %integer_pow3A, %reduce_sum3A_69 [0] : vector<8x128xf32> to vector<128xf32>
      %broadcast_in_dim3A_71 = vector.shape_cast %reduce_sum3A_70 : vector<128xf32> to vector<1x128xf32>
      %div3A_72 = arith.constant 8.000000e+00 : f32
      %div3A_73 = vector.broadcast %div3A_72 : f32 to vector<1x128xf32>
      %div3A_74 = arith.divf %broadcast_in_dim3A_71, %div3A_73 : vector<1x128xf32>
      %sub3A_75 = vector.broadcast %div3A_67 : vector<1x128xf32> to vector<8x128xf32>
      %sub3A_76 = arith.subf %add3A_64, %sub3A_75 : vector<8x128xf32>
      %add3A_77 = arith.constant 9.99999974E-6 : f32
      %add3A_78 = vector.broadcast %add3A_77 : f32 to vector<1x128xf32>
      %add3A_79 = arith.addf %div3A_74, %add3A_78 : vector<1x128xf32>
      %rsqrt3A = math.rsqrt %add3A_79 : vector<1x128xf32>
      %mul3A_80 = vector.broadcast %rsqrt3A : vector<1x128xf32> to vector<8x128xf32>
      %mul3A_81 = arith.mulf %sub3A_76, %mul3A_80 : vector<8x128xf32>
      %get3A_82 = arith.constant 0 : index
      %get3A_83 = arith.constant 0 : index
      %get3A_84 = vector.load %arg9[%get3A_82, %get3A_83] : memref<1x128xf32, #tpu.memory_space<vmem>>, vector<1x128xf32>
      %mul3A_85 = vector.broadcast %get3A_84 : vector<1x128xf32> to vector<8x128xf32>
      %mul3A_86 = arith.mulf %mul3A_81, %mul3A_85 : vector<8x128xf32>
      %get3A_87 = arith.constant 0 : index
      %get3A_88 = arith.constant 0 : index
      %get3A_89 = vector.load %arg10[%get3A_87, %get3A_88] : memref<1x128xf32, #tpu.memory_space<vmem>>, vector<1x128xf32>
      %add3A_90 = vector.broadcast %get3A_89 : vector<1x128xf32> to vector<8x128xf32>
      %add3A_91 = arith.addf %mul3A_86, %add3A_90 : vector<8x128xf32>
      %max3A_92 = arith.constant 0.000000e+00 : f32
      %max3A_93 = vector.broadcast %max3A_92 : f32 to vector<8x128xf32>
      %max3A_94 = arith.maximumf %add3A_91, %max3A_93 : vector<8x128xf32>
      %get3A_95 = arith.constant 0 : index
      %get3A_96 = arith.constant 0 : index
      %get3A_97 = vector.load %arg11[%get3A_95, %get3A_96] : memref<128x128xf32, #tpu.memory_space<vmem>>, vector<128x128xf32>
      %dot_general3A_98 = arith.constant dense<0.000000e+00> : vector<8x128xf32>
      %dot_general3A_99 = tpu.matmul %max3A_94, %get3A_97, %dot_general3A_98 {dimension_numbers = #tpu.dot_dimension_numbers<[1], [0], [0], [1], [0, 0, 1, 1], [], []>, transpose_lhs_hint = false} : vector<8x128xf32>, vector<128x128xf32>, vector<8x128xf32> -> vector<8x128xf32>
      %get3A_100 = arith.constant 0 : index
      %get3A_101 = arith.constant 0 : index
      %get3A_102 = vector.load %arg12[%get3A_100, %get3A_101] : memref<1x128xf32, #tpu.memory_space<vmem>>, vector<1x128xf32>
      %add3A_103 = vector.broadcast %get3A_102 : vector<1x128xf32> to vector<8x128xf32>
      %add3A_104 = arith.addf %dot_general3A_99, %add3A_103 : vector<8x128xf32>
      %slice3A = vector.extract_strided_slice %add3A_104 {offsets = [0, 0], sizes = [8, 40], strides = [1, 1]} : vector<8x128xf32> to vector<8x40xf32>
      %swap3A_105 = arith.constant 0 : index
      %swap3A_106 = arith.constant 0 : index
      %swap3A_107 = vector.load %arg13[%swap3A_105, %swap3A_106] : memref<8x40xf32, #tpu.memory_space<vmem>>, vector<8x40xf32>
      tpu.vector_store %arg13[%swap3A_105, %swap3A_106], %slice3A {strides = array<i32>} : memref<8x40xf32, #tpu.memory_space<vmem>>, vector<8x40xf32>,
    } else {
    }
    return
  }
  func.func @transform_0(%arg0: i32) -> (i32, i32, i32) {
    %c0_i32 = arith.constant 0 : i32
    %c0_i32_0 = arith.constant 0 : i32
    %c0_i32_1 = arith.constant 0 : i32
    return %c0_i32, %arg0, %c0_i32_0 : i32, i32, i32
  }
  func.func @transform_1(%arg0: i32) -> (i32, i32) {
    %c0_i32 = arith.constant 0 : i32
    %c0_i32_0 = arith.constant 0 : i32
    return %arg0, %c0_i32 : i32, i32
  }
  func.func @transform_2(%arg0: i32) -> (i32, i32) {
    %c0_i32 = arith.constant 0 : i32
    %c0_i32_0 = arith.constant 0 : i32
    %c0_i32_1 = arith.constant 0 : i32
    return %c0_i32, %c0_i32_0 : i32, i32
  }
  func.func @transform_3(%arg0: i32) -> (i32, i32) {
    %c0_i32 = arith.constant 0 : i32
    %c0_i32_0 = arith.constant 0 : i32
    %c0_i32_1 = arith.constant 0 : i32
    return %c0_i32, %c0_i32_0 : i32, i32
  }
  func.func @transform_4(%arg0: i32) -> (i32, i32) {
    %c0_i32 = arith.constant 0 : i32
    %c0_i32_0 = arith.constant 0 : i32
    %c0_i32_1 = arith.constant 0 : i32
    return %c0_i32, %c0_i32_0 : i32, i32
  }
  func.func @transform_5(%arg0: i32) -> (i32, i32) {
    %c0_i32 = arith.constant 0 : i32
    %c0_i32_0 = arith.constant 0 : i32
    %c0_i32_1 = arith.constant 0 : i32
    return %c0_i32, %c0_i32_0 : i32, i32
  }
  func.func @transform_6(%arg0: i32) -> (i32, i32) {
    %c0_i32 = arith.constant 0 : i32
    %c0_i32_0 = arith.constant 0 : i32
    %c0_i32_1 = arith.constant 0 : i32
    return %c0_i32, %c0_i32_0 : i32, i32
  }
  func.func @transform_7(%arg0: i32) -> (i32, i32) {
    %c0_i32 = arith.constant 0 : i32
    %c0_i32_0 = arith.constant 0 : i32
    %c0_i32_1 = arith.constant 0 : i32
    return %c0_i32, %c0_i32_0 : i32, i32
  }
  func.func @transform_8(%arg0: i32) -> (i32, i32) {
    %c0_i32 = arith.constant 0 : i32
    %c0_i32_0 = arith.constant 0 : i32
    %c0_i32_1 = arith.constant 0 : i32
    return %c0_i32, %c0_i32_0 : i32, i32
  }
  func.func @transform_9(%arg0: i32) -> (i32, i32) {
    %c0_i32 = arith.constant 0 : i32
    %c0_i32_0 = arith.constant 0 : i32
    %c0_i32_1 = arith.constant 0 : i32
    return %c0_i32, %c0_i32_0 : i32, i32
  }
  func.func @transform_10(%arg0: i32) -> (i32, i32) {
    %c0_i32 = arith.constant 0 : i32
    %c0_i32_0 = arith.constant 0 : i32
    %c0_i32_1 = arith.constant 0 : i32
    return %c0_i32, %c0_i32_0 : i32, i32
  }
  func.func @transform_11(%arg0: i32) -> (i32, i32) {
    %c0_i32 = arith.constant 0 : i32
    %c0_i32_0 = arith.constant 0 : i32
    %c0_i32_1 = arith.constant 0 : i32
    return %c0_i32, %c0_i32_0 : i32, i32
  }
  func.func @transform_12(%arg0: i32) -> (i32, i32) {
    %c0_i32 = arith.constant 0 : i32
    %c0_i32_0 = arith.constant 0 : i32
    %c0_i32_1 = arith.constant 0 : i32
    return %c0_i32, %c0_i32_0 : i32, i32
  }
}

</mosaic_0001>

<sc_bundles>
// kernel: kernel.12.cloned.1.call-start
scs
__scs_entry_jumppad:
0x0: {  	(pc) =	sbr.rel $0x88, $3  }
0x1: {  	(tag) =	ssettag $0x0;
	lr =	simm.s32 $0x1  }
0x2: {  	[smem:$0x3F92] =	sst lr;
	_ =	strace $0xD0000000  }
0x3: {  	_ = 	snop  }
0x4: {  	_ = 	snop  }
0x5: {  	_ = 	snop  }
0x6: {  	_ = 	snop  }
0x7: {  	_ = 	snop  }
__scs_overlays_trampoline_lowered:
0x8: {  	[smem:$0x3FA1] =	sst s0  }
0x9: {  	[smem:$0x3FA2] =	sst s1  }
0xa: {  	[smem:$0x3FA3] =	sst s2  }
0xb: {  	[smem:$0x3FA4] =	sst s3  }
0xc: {  	[smem:$0x3FA5] =	sst s4  }
0xd: {  	[smem:$0x3FA6] =	sst s5  }
0xe: {  	[smem:$0x3FA7] =	sst s6  }
0xf: {  	[smem:$0x3FA8] =	sst s7  }
0x10: {  	[smem:$0x3FA9] =	sst s8  }
0x11: {  	[smem:$0x3FAA] =	sst s9;
	s0 =	simm.s32 @!p0 $0x0  }
0x12: {  	s1 =	sld [smem:$0x3F90];
	s0 =	simm.s32 @p0 $0x1  }
0x13: {  	[smem:$0x3FAB] =	sst s0;
	s0 =	simm.s32 @!p1 $0x0  }
0x14: {  	s2 =	sld [smem:$0x3F8F];
	s0 =	simm.s32 @p1 $0x1  }
0x15: {  	[smem:$0x3FAC] =	sst s0;
	s0 =	simm.s32 @!p2 $0x0  }
0x16: {  	s3 =	sld [smem:$0x3FDB];
	s0 =	simm.s32 @p2 $0x1  }
0x17: {  	s4 =	simm.s32 $0x1BF5;
	[smem:$0x3FAE] =	sst s0  }
0x18: {  	s0 =	sld [smem:$0x3F91];
	_ =	swait.ge [sflag:s4], $0x0  }
0x19: {  	s7 =	sld [smem:$0x3F92]  }
0x1a: {  	s8 =	sadd.s32 $0xFFFFE003, lr  }
0x1b: {  	s9 =	sadd.s32 $0xFFFFFEF7, lr;
	s5 =	simm.s32 $0xFFFFFFFF;
	p2 =	slt.u32 s8, $0xFFFFF086  }
0x1c: {  	p1 =	slt.u32 s9, $0xF7A;
	s5 =	simm.s32 @!p2 $0x0  }
0x1d: {  	s5 =	simm.s32 @p1 $0x1;
	p0 =	seq.s32 s7, s2  }
0x1e: {  	s7 =	smul.u32 @!p0 $0xF7A, s2;
	p2 =	seq.s32 @!p0 s5, $0x0  }
0x1f: {  	s9 =	smul.u32 $0xF7A, s1;
	s8 =	simm.s32 @!p0 $0x1BF5;
	p2 =	por !p2, p0  }
0x20: {  	[sflag:s8] =	ssyncset.s32 @!p0 $0xFFFFF086;
	s6 =	sadd.s32 @!p0 s3, s7;
	s7 =	simm.s32 @!p0 $0x108  }
0x21: {  	s3 =	sadd.s32 s3, s9;
	s6 =	sadd.s32 @!p0 $0x88, s6;
	s7 =	simm.s32 @p2 $0x1082  }
0x22: {  	[simem:s7], [sflag:s8] =	dma.local @!p0 [hbm:s6], $0xF7A  }
0x23: {  	s9 =	sor.u32 $0xD0000000, s2;
	s6 =	simm.s32 $0x108;
	_ =	swait.ge @!p0 [sflag:s8], $0x0  }
0x24: {  	s3 =	sadd.s32 $0x88, s3;
	s6 =	simm.s32 @!p1 $0x1082;
	[sflag:s4] =	ssyncset.s32 $0xFFFFF086  }
0x25: {  	[simem:s6], [sflag:s4] =	dma.local [hbm:s3], $0xF7A  }
0x26: {  	[smem:$0x3F92] =	sst s1;
	(tag) =	ssettag s2;
	_ =	strace s9  }
0x27: {  	s1 =	sld [smem:$0x3FA2]  }
0x28: {  	s2 =	sld [smem:$0x3FA3]  }
0x29: {  	s4 =	sld [smem:$0x3FA5]  }
0x2a: {  	p0 =	seq.s32 s5, $0x0;
	s5 =	sld [smem:$0x3FA6]  }
0x2b: {  	s6 =	sld [smem:$0x3FA7]  }
0x2c: {  	s7 =	sld [smem:$0x3FA8]  }
0x2d: {  	s3 =	simm.s32 $0x108;
	s8 =	sld [smem:$0x3FA9]  }
0x2e: {  	s3 =	simm.s32 @!p0 $0x1082;
	s9 =	sld [smem:$0x3FAA]  }
0x2f: {  	lr =	sadd.s32 s0, s3;
	s0 =	sld [smem:$0x3FA1]  }
0x30: {  	s3 =	sld [smem:$0x3FA4]  }
0x31: {  	[smem:$0x3FAD] =	sst s10  }
0x32: {  	s10 =	sld [smem:$0x3FAB];
	_ =	sdelay $0x3  }
0x33: {  	p0 =	seq.s32 s10, $0x1;
	s10 =	sld [smem:$0x3FAD];
	_ =	sdelay $0x3  }
0x34: {  	[smem:$0x3FAD] =	sst s10  }
0x35: {  	s10 =	sld [smem:$0x3FAC];
	_ =	sdelay $0x3  }
0x36: {  	p1 =	seq.s32 s10, $0x1;
	s10 =	sld [smem:$0x3FAD];
	_ =	sdelay $0x3  }
0x37: {  	[smem:$0x3FAD] =	sst s10  }
0x38: {  	s10 =	sld [smem:$0x3FAE]  }
0x39: {  	_ = 	snop;
	(pc) =	sbr.ind lr, $3  }
0x3a: {  	_ = 	snop  }
0x3b: {  	_ = 	snop  }
0x3c: {  	p2 =	seq.s32 s10, $0x1;
	s10 =	sld [smem:$0x3FAD]  }
0x3d: {  	_ =	shalt  }
0x3e: {  	_ =	shalt  }
0x3f: {  	_ =	shalt  }
0x40: {  	_ =	shalt  }
0x41: {  	_ =	shalt  }
0x42: {  	_ =	shalt  }
0x43: {  	_ =	shalt  }
0x44: {  	_ =	shalt  }
0x45: {  	_ =	shalt  }
0x46: {  	_ =	shalt  }
0x47: {  	_ =	shalt  }
0x48: {  	_ =	shalt  }
0x49: {  	_ =	shalt  }
0x4a: {  	_ =	shalt  }
0x4b: {  	_ =	shalt  }
0x4c: {  	_ =	shalt  }
0x4d: {  	_ =	shalt  }
0x4e: {  	_ =	shalt  }
0x4f: {  	_ =	shalt  }
0x50: {  	_ =	shalt  }
0x51: {  	_ =	shalt  }
0x52: {  	_ =	shalt  }
0x53: {  	_ =	shalt  }
0x54: {  	_ =	shalt  }
0x55: {  	_ =	shalt  }
0x56: {  	_ =	shalt  }
0x57: {  	_ =	shalt  }
0x58: {  	_ =	shalt  }
0x59: {  	_ =	shalt  }
0x5a: {  	_ =	shalt  }
0x5b: {  	_ =	shalt  }
0x5c: {  	_ =	shalt  }
0x5d: {  	_ =	shalt  }
0x5e: {  	_ =	shalt  }
0x5f: {  	_ =	shalt  }
0x60: {  	_ =	shalt  }
0x61: {  	_ =	shalt  }
0x62: {  	_ =	shalt  }
0x63: {  	_ =	shalt  }
0x64: {  	_ =	shalt  }
0x65: {  	_ =	shalt  }
0x66: {  	_ =	shalt  }
0x67: {  	_ =	shalt  }
0x68: {  	_ =	shalt  }
0x69: {  	_ =	shalt  }
0x6a: {  	_ =	shalt  }
0x6b: {  	_ =	shalt  }
0x6c: {  	_ =	shalt  }
0x6d: {  	_ =	shalt  }
0x6e: {  	_ =	shalt  }
0x6f: {  	_ =	shalt  }
0x70: {  	_ =	shalt  }
0x71: {  	_ =	shalt  }
0x72: {  	_ =	shalt  }
0x73: {  	_ =	shalt  }
0x74: {  	_ =	shalt  }
0x75: {  	_ =	shalt  }
0x76: {  	_ =	shalt  }
0x77: {  	_ =	shalt  }
0x78: {  	_ =	shalt  }
0x79: {  	_ =	shalt  }
0x7a: {  	_ =	shalt  }
0x7b: {  	_ =	shalt  }
0x7c: {  	_ =	shalt  }
0x7d: {  	_ =	shalt  }
0x7e: {  	_ =	shalt  }
0x7f: {  	_ =	shalt  }
0x80: {  	_ =	shalt  }
0x81: {  	_ =	shalt  }
0x82: {  	_ =	shalt  }
0x83: {  	_ =	shalt  }
0x84: {  	_ =	shalt  }
0x85: {  	_ =	shalt  }
0x86: {  	_ =	shalt  }
0x87: {  	_ =	shalt  }
.Lfunc_end0:
.L_simem_size_0:
called_computation.1_lowered:
.L_overlay_start_0:
0x88: {  	s2 =	sld [smem:$0x3FD9]  }
0x89: {  	s3 =	sld [smem:$0x3FFE];
	_ =	sdelay $0x1  }
0x8a: {  	s1 =	srdreg.scid  }
0x8b: {  	s0 =	sand.u32 $0x1, s1  }
0x8c: {  	s16 =	sshll.u32 s0, $0xA;
	s2 =	sadd.s32 s3, s2  }
0x8d: {  	s2 =	sadd.s32 s2, s16  }
0x8e: {  	[smem:$0x3FB9] =	sst s2  }
0x8f: {  	_ = 	snop  }
0x90: {  	(tm) =	ssettm $0x1  }
0x91: {  	s17 =	sld [smem:$0x3FFB];
	_ =	sdelay $0x3  }
0x92: {  	_ =	strace s17  }
0x93: {  	s2 =	sld [smem:$0x3FFC];
	_ =	sdelay $0x3  }
0x94: {  	_ =	strace s2  }
0x95: {  	s2 =	sld [smem:$0x3FFD];
	_ =	sdelay $0x3  }
0x96: {  	_ =	strace s2  }
0x97: {  	_ =	strace $0x8FFFFFFF  }
0x98: {  	s18 =	sld [smem:$0x3FDB];
	_ =	sdelay $0x1  }
0x99: {  	s19 =	simm.s32 $_scs_section_size  }
0x9a: {  	s4 =	simm.s32 $_size__tile_overlayer_lowered;
	s5 =	simm.s32 $_tile_overlayer_lowered  }
0x9b: {  	s22 =	simm.s32 $0x1BFF;
	s21 =	sshll.u32 s5, $0x1;
	s2 =	sadd.s32 s19, s18  }
0x9c: {  	s6 =	simm.s32 $0x0;
	s20 =	sshll.u32 s4, $0x1;
	s4 =	sadd.s32 s21, s2  }
0x9d: {  	[timem:s6], [sflag:s22] =	dma.local [hbm:s4], s20  }
0x9e: {  	_ =	swait.ge [sflag:s22], s20  }
0x9f: {  	s3 =	ssub.s32 $0x0, s20;
	[sflag:s22] =	ssyncset.done $0x0  }
0xa0: {  	[sflag:s22] =	ssyncadd.s32 s3;
	_ =	sdelay $0x1  }
0xa1: {  	s23 =	simm.s32 $0x1B8B  }
0xa2: {  	_ =	swait.ge [sflag:s23], $0x1  }
0xa3: {  	[sflag:s23] =	ssyncset.done $0x0  }
0xa4: {  	s25 =	simm.s32 $0x1B8E;
	s24 =	sld [smem:$0x3FFE];
	[sflag:s23] =	ssyncadd.s32 $0xFFFFFFFF  }
0xa5: {  	s26 =	simm.s32 $execute0_lowered;
	[smem:$0x3FD2] =	sst s25  }
0xa6: {  	s4 =	sshll.u32 s26, $0x1;
	_ =	strace $0x80000049;
	[dreg:$0x1] =	wrdreg $0xFFFFFFFF  }
0xa7: {  	s28 =	simm.s32 $_size_execute0_lowered;
	s2 =	sadd.s32 s2, s4;
	[dreg:$0x0] =	wrdreg $0x0  }
0xa8: {  	s4 =	sshll.u32 s28, $0x1;
	[dreg:$0x2] =	wrdreg s2  }
0xa9: {  	[dreg:$0x3] =	wrdreg s4  }
0xaa: {  	[dreg:$0x4] =	wrdreg $0xC0  }
0xab: {  	_ =	task [dreg:s6], $0x5FFFF  }
0xac: {  	[dreg:$0x1] =	wrdreg $0xFFFFFFFF  }
0xad: {  	[dreg:$0x0] =	wrdreg $0x60  }
0xae: {  	[dreg:$0x2] =	wrdreg s24  }
0xaf: {  	[dreg:$0x3] =	wrdreg $0x0  }
0xb0: {  	[dreg:$0x4] =	wrdreg $0x9  }
0xb1: {  	_ =	task.clear_ibuf [dreg:s6], $0x5FFFF;
	_ =	strace $0x90000049  }
0xb2: {  	s29 =	simm.s32 $0x9;
	_ =	strace $0x8000004B  }
0xb3: {  	_ =	swait.ge [sflag:s29], $0x1  }
0xb4: {  	[sflag:s29] =	ssyncadd.s32 $0xFFFFFFFF  }
0xb5: {  	_ =	strace $0x9000004B  }
0xb6: {  	_ =	sfence  }
0xb7: {  	s30 =	sld [smem:$0x0];
	_ =	sdelay $0x2  }
0xb8: {  	s31 =	sshll.u32 s1, $0xD;
	s1 =	sshrl.u32 s1, $0x2  }
0xb9: {  	s3 =	sand.u32 $0x4000, s31;
	s1 =	sadd.s32 s1, s30  }
0xba: {  	s0 =	sor.u32 s3, s0;
	s1 =	sshll.u32 s1, $0x11  }
0xbb: {  	s0 =	sor.u32 s1, s0  }
0xbc: {  	s0 =	sadd.s32 $0x8F2B, s0  }
0xbd: {  	[sflag:s0] =	ssyncadd.remote.s32 $0x1  }
0xbe: {  	_ =	sfence.sel $0xFFFF  }
0xbf: {  	[dreg:$0x0] =	wrdreg $0xFFFFFFFF;
	(pc) =	sbr.abs _section_cstart, $3  }
0xc0: {  	[dreg:$0x1] =	wrdreg $0xFFFFFFFF  }
0xc1: {  	_ =	task.clear_ibuf [dreg:s6], $0x2FFFF;
	_ =	strace $0x9FFFFFFF  }
0xc2: {  	(tm) =	ssettm $0x7FFFFFFF  }
0xc3: {  	_ =	shalt  }
tec
execute0_lowered:
.L_overlay_start_1:
0x0: {  	(tag) =	ssettag $0x1  }
0x1: {  	s0 =	srdreg.scid  }
0x2: {  	s1 =	rddreg [dreg:$0x0];
	s13 =	stileid.u32  }
0x3: {  	s2 =	rddreg [dreg:$0x1];
	s10 =	smul.u32 $0x4E000, s13  }
0x4: {  	s28 =	simm.s32 $0x19200;
	s29 =	simm.s32 $0x16100;
	s21 =	smul.u32 $0x13800, s13  }
0x5: {  	s31 =	simm.s32 $0x1BA00;
	s0 =	sand.u32 $0x1, s0;
	s12 =	smul.u32 $0x2710, s13  }
0x6: {  	s30 =	simm.s32 $0x1;
	p0 =	sne.s32 s13, $0xF;
	s19 =	smul.u32 $0x138800, s0  }
0x7: {  	s3 =	sshll.u32 s0, $0x4;
	s8 =	ssub.s32 $0x2, s0;
	s0 =	smul.u32 $0x27100, s0  }
0x8: {  	s4 =	sor.u32 s13, s3;
	s3 =	simm.s32 $0x0;
	s9 =	sshrl.u32 s8, $0x1  }
0x9: {  	s10 =	sshrl.u32 s10, $0x2;
	s5 =	smul.u32 $0x2710, s4;
	[smem:$0x7FF] =	sst s3  }
0xa: {  	s4 =	sadd.s32 $0x17200, s1;
	s8 =	ssub.s32 s8, s9;
	s10 =	sadd.s32 s10, s2  }
0xb: {  	s9 =	sshrl.u32 s19, $0x3;
	s0 =	sadd.s32 s12, s0;
	s12 =	simm.s32 $0x0  }
0xc: {  	_ =	strace $0x8000004A;
	s22 =	smax.u32 s8, $0x1;
	s23 =	sadd.s32 $0x190, s0  }
0xd: {  	s25 =	sadd.s32 $0x140, s0;
	s8 =	simm.s32 $0x6;
	s6 =	sshrl.u32 s5, $0x3  }
0xe: {  	s5 =	sadd.s32 $0xD400, s1;
	[dreg:$0x9] =	wrdreg s22;
	s26 =	sshrl.u32 s25, $0x3  }
0xf: {  	s22 =	simm.s32 $0x16000;
	s7 =	sadd.s32 s6, s1;
	s6 =	sadd.s32 s5, s6  }
0x10: {  	s25 =	simm.s32 $0x16080;
	s7 =	sadd.s32 $0x3600, s7;
	[dreg:$0x3] =	wrdreg s6  }
0x11: {  	s1 =	sadd.s32 $0x3E400, s1;
	s20 =	sadd.s32 $0xA, s6;
	[dreg:$0x4] =	wrdreg s7  }
0x12: {  	s18 =	sadd.s32 s26, s5;
	s11 =	sadd.s32 $0x14, s6;
	[dreg:$0x5] =	wrdreg s20  }
0x13: {  	s26 =	simm.s32 $0x4;
	s24 =	sadd.s32 $0x4CE, s6;
	[dreg:$0x6] =	wrdreg s11  }
0x14: {  	s6 =	sadd.s32 $0x4D8, s6;
	s7 =	sadd.s32 s21, s19;
	[dreg:$0xa] =	wrdreg s24  }
0x15: {  	s11 =	sadd.s32 $0x138000, s2;
	[dreg:$0xb] =	wrdreg s6;
	s19 =	sadd.s32 $0xF0, s0  }
0x16: {  	s21 =	simm.s32 $0x7;
	s24 =	simm.s32 $0x16A00;
	s7 =	sshrl.u32 s7, $0x3  }
0x17: {  	s0 =	simm.s32 $0x5;
	s7 =	sadd.s32 s1, s7;
	s1 =	sadd.s32 s1, s9  }
0x18: {  	s9 =	simm.s32 $0x3;
	[dreg:$0x7] =	wrdreg s7;
	s1 =	sadd.s32 $0x27000, s1  }
0x19: {  	s7 =	simm.s32 $0x2;
	[dreg:$0x8] =	wrdreg s1;
	s1 =	sshrl.u32 s23, $0x3  }
0x1a: {  	v0 =	vimm.f32 $0.0e+00;
	s23 =	simm.s32 $0x50;
	s17 =	sadd.s32 s1, s5;
	s1 =	simm.s32 $0x16200  }
.LBB2_1:
0x1b: {  	s6 =	rddreg [dreg:$0x4];
	s13 =	simm.s32 $0x13880  }
0x1c: {  	[tilespmem:s13], [sflag:$0x7] =	stream.linear.gather [hbm4b:s6+s3], $0x2710, $0x38;
	[tilespmem:$0x1E200] =	vst v63  }
0x1d: {  	_ =	swait.ge [sflag:s21], $0x2710  }
0x1e: {  	[sflag:s21] =	ssyncset.done $0x0  }
0x1f: {  	s20 =	rddreg [dreg:$0x3];
	[sflag:s21] =	ssyncadd.s32 $0xFFFFD8F0  }
0x20: {  	[tilespmem:s22], [sflag:$0x4] =	stream.linear.gather [hbm4b:s20+s3], $0x50, $0x38;
	[tilespmem:$0x1E200] =	vst v63  }
0x21: {  	_ = 	snop  }
0x22: {  	[tilespmem:s24], [sflag:$0x1] =	stream.indirect.gather [hbm4b:s4+s23], $0x80, s13, s23, $0xb8;
	[tilespmem:$0x1E200] =	vst v63  }
0x23: {  	s13 =	rddreg [dreg:$0x5]  }
0x24: {  	[tilespmem:s25], [sflag:$0x5] =	stream.linear.gather [hbm4b:s13+s3], $0x50, $0x38;
	[tilespmem:$0x1E200] =	vst v63  }
0x25: {  	s14 =	simm.s32 $0x138D0  }
0x26: {  	[tilespmem:s28], [sflag:$0x2] =	stream.indirect.gather [hbm4b:s4+s23], $0x80, s14, s23, $0xb8;
	[tilespmem:$0x1E200] =	vst v63  }
0x27: {  	s15 =	rddreg [dreg:$0x6]  }
0x28: {  	[tilespmem:s29], [sflag:$0x6] =	stream.linear.gather [hbm4b:s15+s3], $0x50, $0x38;
	[tilespmem:$0x1E200] =	vst v63  }
0x29: {  	s16 =	simm.s32 $0x13920  }
0x2a: {  	[tilespmem:s31], [sflag:$0x3] =	stream.indirect.gather [hbm4b:s4+s23], $0x80, s16, s23, $0xb8;
	[tilespmem:$0x1E200] =	vst v63  }
0x2b: {  	[tilespmem:$0x16200] =	vst v0  }
0x2c: {  	[tilespmem:$0x16280] =	vst v0  }
0x2d: {  	[tilespmem:$0x16300] =	vst v0  }
0x2e: {  	[tilespmem:$0x16380] =	vst v0  }
0x2f: {  	[tilespmem:$0x16400] =	vst v0  }
0x30: {  	[tilespmem:$0x16480] =	vst v0  }
0x31: {  	[tilespmem:$0x16500] =	vst v0  }
0x32: {  	[tilespmem:$0x16580] =	vst v0  }
0x33: {  	[tilespmem:$0x16600] =	vst v0  }
0x34: {  	[tilespmem:$0x16680] =	vst v0  }
0x35: {  	[tilespmem:$0x16700] =	vst v0  }
0x36: {  	[tilespmem:$0x16780] =	vst v0  }
0x37: {  	[tilespmem:$0x16800] =	vst v0  }
0x38: {  	[tilespmem:$0x16880] =	vst v0  }
0x39: {  	[tilespmem:$0x16900] =	vst v0  }
0x3a: {  	[tilespmem:$0x16980] =	vst v0  }
0x3b: {  	[tilespmem:$0x16210] =	vst v0  }
0x3c: {  	[tilespmem:$0x16290] =	vst v0  }
0x3d: {  	[tilespmem:$0x16310] =	vst v0  }
0x3e: {  	[tilespmem:$0x16390] =	vst v0  }
0x3f: {  	[tilespmem:$0x16410] =	vst v0  }
0x40: {  	[tilespmem:$0x16490] =	vst v0  }
0x41: {  	[tilespmem:$0x16510] =	vst v0  }
0x42: {  	[tilespmem:$0x16590] =	vst v0  }
0x43: {  	[tilespmem:$0x16610] =	vst v0  }
0x44: {  	[tilespmem:$0x16690] =	vst v0  }
0x45: {  	[tilespmem:$0x16710] =	vst v0  }
0x46: {  	[tilespmem:$0x16790] =	vst v0  }
0x47: {  	[tilespmem:$0x16810] =	vst v0  }
0x48: {  	[tilespmem:$0x16890] =	vst v0  }
0x49: {  	[tilespmem:$0x16910] =	vst v0  }
0x4a: {  	[tilespmem:$0x16990] =	vst v0  }
0x4b: {  	[tilespmem:$0x16220] =	vst v0  }
0x4c: {  	[tilespmem:$0x162A0] =	vst v0  }
0x4d: {  	[tilespmem:$0x16320] =	vst v0  }
0x4e: {  	[tilespmem:$0x163A0] =	vst v0  }
0x4f: {  	[tilespmem:$0x16420] =	vst v0  }
0x50: {  	[tilespmem:$0x164A0] =	vst v0  }
0x51: {  	[tilespmem:$0x16520] =	vst v0  }
0x52: {  	[tilespmem:$0x165A0] =	vst v0  }
0x53: {  	[tilespmem:$0x16620] =	vst v0  }
0x54: {  	[tilespmem:$0x166A0] =	vst v0  }
0x55: {  	[tilespmem:$0x16720] =	vst v0  }
0x56: {  	[tilespmem:$0x167A0] =	vst v0  }
0x57: {  	[tilespmem:$0x16820] =	vst v0  }
0x58: {  	[tilespmem:$0x168A0] =	vst v0  }
0x59: {  	[tilespmem:$0x16920] =	vst v0  }
0x5a: {  	[tilespmem:$0x169A0] =	vst v0  }
0x5b: {  	[tilespmem:$0x16230] =	vst v0  }
0x5c: {  	[tilespmem:$0x162B0] =	vst v0  }
0x5d: {  	[tilespmem:$0x16330] =	vst v0  }
0x5e: {  	[tilespmem:$0x163B0] =	vst v0  }
0x5f: {  	[tilespmem:$0x16430] =	vst v0  }
0x60: {  	[tilespmem:$0x164B0] =	vst v0  }
0x61: {  	[tilespmem:$0x16530] =	vst v0  }
0x62: {  	[tilespmem:$0x165B0] =	vst v0  }
0x63: {  	[tilespmem:$0x16630] =	vst v0  }
0x64: {  	[tilespmem:$0x166B0] =	vst v0  }
0x65: {  	[tilespmem:$0x16730] =	vst v0  }
0x66: {  	[tilespmem:$0x167B0] =	vst v0  }
0x67: {  	[tilespmem:$0x16830] =	vst v0  }
0x68: {  	[tilespmem:$0x168B0] =	vst v0  }
0x69: {  	[tilespmem:$0x16930] =	vst v0  }
0x6a: {  	[tilespmem:$0x169B0] =	vst v0  }
0x6b: {  	[tilespmem:$0x16240] =	vst v0  }
0x6c: {  	[tilespmem:$0x162C0] =	vst v0  }
0x6d: {  	[tilespmem:$0x16340] =	vst v0  }
0x6e: {  	[tilespmem:$0x163C0] =	vst v0  }
0x6f: {  	[tilespmem:$0x16440] =	vst v0  }
0x70: {  	[tilespmem:$0x164C0] =	vst v0  }
0x71: {  	[tilespmem:$0x16540] =	vst v0  }
0x72: {  	[tilespmem:$0x165C0] =	vst v0  }
0x73: {  	[tilespmem:$0x16640] =	vst v0  }
0x74: {  	[tilespmem:$0x166C0] =	vst v0  }
0x75: {  	[tilespmem:$0x16740] =	vst v0  }
0x76: {  	[tilespmem:$0x167C0] =	vst v0  }
0x77: {  	[tilespmem:$0x16840] =	vst v0  }
0x78: {  	[tilespmem:$0x168C0] =	vst v0  }
0x79: {  	[tilespmem:$0x16940] =	vst v0  }
0x7a: {  	[tilespmem:$0x169C0] =	vst v0  }
0x7b: {  	[tilespmem:$0x16250] =	vst v0  }
0x7c: {  	[tilespmem:$0x162D0] =	vst v0  }
0x7d: {  	[tilespmem:$0x16350] =	vst v0  }
0x7e: {  	[tilespmem:$0x163D0] =	vst v0  }
0x7f: {  	[tilespmem:$0x16450] =	vst v0  }
0x80: {  	[tilespmem:$0x164D0] =	vst v0  }
0x81: {  	[tilespmem:$0x16550] =	vst v0  }
0x82: {  	[tilespmem:$0x165D0] =	vst v0  }
0x83: {  	[tilespmem:$0x16650] =	vst v0  }
0x84: {  	[tilespmem:$0x166D0] =	vst v0  }
0x85: {  	[tilespmem:$0x16750] =	vst v0  }
0x86: {  	[tilespmem:$0x167D0] =	vst v0  }
0x87: {  	[tilespmem:$0x16850] =	vst v0  }
0x88: {  	[tilespmem:$0x168D0] =	vst v0  }
0x89: {  	[tilespmem:$0x16950] =	vst v0  }
0x8a: {  	[tilespmem:$0x169D0] =	vst v0  }
0x8b: {  	[tilespmem:$0x16260] =	vst v0  }
0x8c: {  	[tilespmem:$0x162E0] =	vst v0  }
0x8d: {  	[tilespmem:$0x16360] =	vst v0  }
0x8e: {  	[tilespmem:$0x163E0] =	vst v0  }
0x8f: {  	[tilespmem:$0x16460] =	vst v0  }
0x90: {  	[tilespmem:$0x164E0] =	vst v0  }
0x91: {  	[tilespmem:$0x16560] =	vst v0  }
0x92: {  	[tilespmem:$0x165E0] =	vst v0  }
0x93: {  	[tilespmem:$0x16660] =	vst v0  }
0x94: {  	[tilespmem:$0x166E0] =	vst v0  }
0x95: {  	[tilespmem:$0x16760] =	vst v0  }
0x96: {  	[tilespmem:$0x167E0] =	vst v0  }
0x97: {  	[tilespmem:$0x16860] =	vst v0  }
0x98: {  	[tilespmem:$0x168E0] =	vst v0  }
0x99: {  	[tilespmem:$0x16960] =	vst v0  }
0x9a: {  	[tilespmem:$0x169E0] =	vst v0  }
0x9b: {  	[tilespmem:$0x16270] =	vst v0  }
0x9c: {  	[tilespmem:$0x162F0] =	vst v0  }
0x9d: {  	[tilespmem:$0x16370] =	vst v0  }
0x9e: {  	[tilespmem:$0x163F0] =	vst v0  }
0x9f: {  	[tilespmem:$0x16470] =	vst v0  }
0xa0: {  	[tilespmem:$0x164F0] =	vst v0  }
0xa1: {  	[tilespmem:$0x16570] =	vst v0  }
0xa2: {  	[tilespmem:$0x165F0] =	vst v0  }
0xa3: {  	[tilespmem:$0x16670] =	vst v0  }
0xa4: {  	[tilespmem:$0x166F0] =	vst v0  }
0xa5: {  	[tilespmem:$0x16770] =	vst v0  }
0xa6: {  	[tilespmem:$0x167F0] =	vst v0  }
0xa7: {  	[tilespmem:$0x16870] =	vst v0  }
0xa8: {  	[tilespmem:$0x168F0] =	vst v0  }
0xa9: {  	[tilespmem:$0x16970] =	vst v0  }
0xaa: {  	s20 =	sadd.s32 $0x0, s10;
	[tilespmem:$0x169F0] =	vst v0  }
0xab: {  	[spmem:s20] =	stream.linear.scatter [tilespmem:s1], [sflag:$0x7], $0x800, $0x38;
	[tilespmem:$0x1E200] =	vst v63  }
0xac: {  	s13 =	simm.s32 $0x2000;
	_ =	swait.ge [sflag:s21], $0x800  }
.LBB2_2:
0xad: {  	s14 =	sshra.s32 s13, $0x2;
	[sflag:s21] =	ssyncset.done $0x0;
	p1 =	sne.s32 s13, $0x4C000  }
.Ltmp0:
0xae: {  	s14 =	sadd.s32 s14, s10;
	[sflag:s21] =	ssyncadd.s32 $0xFFFFF800;
	(pc) =	sbr.rel @p1 .LBB2_2-.Ltmp0, $3  }
0xaf: {  	[spmem:s14] =	stream.linear.scatter [tilespmem:s1], [sflag:$0x7], $0x800, $0x38;
	[tilespmem:$0x1E200] =	vst v63  }
0xb0: {  	s13 =	sadd.s32 $0x2000, s13;
	_ =	sdelay $0x1  }
0xb1: {  	_ =	swait.ge [sflag:s21], $0x800  }
0xb2: {  	[sflag:s21] =	ssyncset.done $0x0  }
0xb3: {  	s13 =	simm.s32 @!p0 $0x16200;
	[sflag:s21] =	ssyncadd.s32 $0xFFFFF800  }
0xb4: {  	[spmem:s11] =	stream.linear.scatter @!p0 [tilespmem:s13], [sflag:$0x7], $0x800, $0x38;
	[tilespmem:$0x1E200] =	vst v63  }
0xb5: {  	s13 =	simm.s32 @!p0 $0x7  }
0xb6: {  	_ =	swait.ge @!p0 [sflag:s13], $0x800  }
0xb7: {  	[sflag:s13] =	ssyncset.done @!p0 $0x0  }
0xb8: {  	[sflag:s13] =	ssyncadd.s32 @!p0 $0xFFFFF800  }
0xb9: {  	[bflag:$0x0] =	sbarrier.arrive $0xFFFF  }
0xba: {  	_ =	swait.ge [sflag:s26], $0x50  }
0xbb: {  	[sflag:s26] =	ssyncset.done $0x0  }
0xbc: {  	[sflag:s26] =	ssyncadd.s32 $0xFFFFFFB0  }
0xbd: {  	_ =	swait.ge [sflag:s30], $0x2800  }
0xbe: {  	[sflag:s30] =	ssyncset.done $0x0  }
0xbf: {  	[sflag:s30] =	ssyncadd.s32 $0xFFFFD800  }
0xc0: {  	[spmem:s2] =	stream.indirect.scatter.add.f32 [tilespmem:s24], [sflag:$0x7], $0x80, s22, s23, $0xb8;
	[tilespmem:$0x1E200] =	vst v63  }
0xc1: {  	_ =	swait.ge [sflag:s21], $0x2800  }
0xc2: {  	s15 =	sshrl.u32 s19, $0x3;
	[sflag:s21] =	ssyncset.done $0x0  }
0xc3: {  	s13 =	sadd.s32 s5, s15;
	[sflag:s21] =	ssyncadd.s32 $0xFFFFD800  }
0xc4: {  	[tilespmem:s22], [sflag:$0x4] =	stream.linear.gather [hbm4b:s13+s3], $0x50, $0x38;
	[tilespmem:$0x1E200] =	vst v63  }
0xc5: {  	s16 =	simm.s32 $0x13970  }
0xc6: {  	[tilespmem:s24], [sflag:$0x1] =	stream.indirect.gather [hbm4b:s4+s23], $0x80, s16, s23, $0xb8;
	[tilespmem:$0x1E200] =	vst v63  }
0xc7: {  	_ =	swait.ge [sflag:s0], $0x50  }
0xc8: {  	[sflag:s0] =	ssyncset.done $0x0  }
0xc9: {  	[sflag:s0] =	ssyncadd.s32 $0xFFFFFFB0  }
0xca: {  	_ =	swait.ge [sflag:s7], $0x2800  }
0xcb: {  	[sflag:s7] =	ssyncset.done $0x0  }
0xcc: {  	[sflag:s7] =	ssyncadd.s32 $0xFFFFD800  }
0xcd: {  	[spmem:s2] =	stream.indirect.scatter.add.f32 [tilespmem:s28], [sflag:$0x7], $0x80, s25, s23, $0xb8;
	[tilespmem:$0x1E200] =	vst v63  }
0xce: {  	_ =	swait.ge [sflag:s21], $0x2800  }
0xcf: {  	[sflag:s21] =	ssyncset.done $0x0  }
0xd0: {  	[sflag:s21] =	ssyncadd.s32 $0xFFFFD800  }
0xd1: {  	[tilespmem:s25], [sflag:$0x5] =	stream.linear.gather [hbm4b:s18+s3], $0x50, $0x38;
	[tilespmem:$0x1E200] =	vst v63  }
0xd2: {  	s20 =	simm.s32 $0x139C0  }
0xd3: {  	[tilespmem:s28], [sflag:$0x2] =	stream.indirect.gather [hbm4b:s4+s23], $0x80, s20, s23, $0xb8;
	[tilespmem:$0x1E200] =	vst v63  }
0xd4: {  	_ =	swait.ge [sflag:s8], $0x50  }
0xd5: {  	[sflag:s8] =	ssyncset.done $0x0  }
0xd6: {  	[sflag:s8] =	ssyncadd.s32 $0xFFFFFFB0  }
0xd7: {  	_ =	swait.ge [sflag:s9], $0x2800  }
0xd8: {  	[sflag:s9] =	ssyncset.done $0x0  }
0xd9: {  	[sflag:s9] =	ssyncadd.s32 $0xFFFFD800  }
0xda: {  	[spmem:s2] =	stream.indirect.scatter.add.f32 [tilespmem:s31], [sflag:$0x7], $0x80, s29, s23, $0xb8;
	[tilespmem:$0x1E200] =	vst v63  }
0xdb: {  	s14 =	sadd.s32 $0xF0, s19;
	_ =	swait.ge [sflag:s21], $0x2800  }
0xdc: {  	s15 =	sadd.s32 $0x1E, s17;
	s13 =	simm.s32 $0x3C0;
	[sflag:s21] =	ssyncset.done $0x0  }
0xdd: {  	s16 =	simm.s32 $0x13A10;
	s20 =	sadd.s32 $0x1E, s18;
	[sflag:s21] =	ssyncadd.s32 $0xFFFFD800  }
0xde: {  	[tilespmem:s29], [sflag:$0x6] =	stream.linear.gather [hbm4b:s17+s3], $0x50, $0x38;
	[tilespmem:$0x1E200] =	vst v63  }
.LBB2_4:
0xdf: {  	[tilespmem:s31], [sflag:$0x3] =	stream.indirect.gather [hbm4b:s4+s23], $0x80, s16, s23, $0xb8;
	[tilespmem:$0x1E200] =	vst v63  }
0xe0: {  	s16 =	smov.u32 s13  }
0xe1: {  	p1 =	sne.s32 s13, $0x9240;
	s13 =	sadd.s32 $0x3C0, s13;
	_ =	swait.ge [sflag:s26], $0x50  }
0xe2: {  	[sflag:s26] =	ssyncset.done $0x0  }
0xe3: {  	[sflag:s26] =	ssyncadd.s32 $0xFFFFFFB0  }
0xe4: {  	_ =	swait.ge [sflag:s30], $0x2800  }
0xe5: {  	[sflag:s30] =	ssyncset.done $0x0  }
0xe6: {  	[sflag:s30] =	ssyncadd.s32 $0xFFFFD800  }
0xe7: {  	[spmem:s2] =	stream.indirect.scatter.add.f32 [tilespmem:s24], [sflag:$0x7], $0x80, s22, s23, $0xb8;
	[tilespmem:$0x1E200] =	vst v63  }
0xe8: {  	_ =	swait.ge [sflag:s21], $0x2800  }
0xe9: {  	s6 =	sshrl.u32 s14, $0x3;
	[sflag:s21] =	ssyncset.done $0x0  }
0xea: {  	s6 =	sadd.s32 s5, s6;
	s16 =	sshra.s32 s16, $0x2;
	[sflag:s21] =	ssyncadd.s32 $0xFFFFD800  }
0xeb: {  	[tilespmem:s22], [sflag:$0x4] =	stream.linear.gather [hbm4b:s6+s3], $0x50, $0x38;
	[tilespmem:$0x1E200] =	vst v63  }
0xec: {  	s6 =	sadd.s32 $0x13970, s16  }
0xed: {  	[tilespmem:s24], [sflag:$0x1] =	stream.indirect.gather [hbm4b:s4+s23], $0x80, s6, s23, $0xb8;
	[tilespmem:$0x1E200] =	vst v63  }
0xee: {  	_ =	swait.ge [sflag:s0], $0x50  }
0xef: {  	[sflag:s0] =	ssyncset.done $0x0  }
0xf0: {  	[sflag:s0] =	ssyncadd.s32 $0xFFFFFFB0  }
0xf1: {  	_ =	swait.ge [sflag:s7], $0x2800  }
0xf2: {  	[sflag:s7] =	ssyncset.done $0x0  }
0xf3: {  	[sflag:s7] =	ssyncadd.s32 $0xFFFFD800  }
0xf4: {  	[spmem:s2] =	stream.indirect.scatter.add.f32 [tilespmem:s28], [sflag:$0x7], $0x80, s25, s23, $0xb8;
	[tilespmem:$0x1E200] =	vst v63  }
0xf5: {  	_ =	swait.ge [sflag:s21], $0x2800  }
0xf6: {  	[sflag:s21] =	ssyncset.done $0x0  }
0xf7: {  	[sflag:s21] =	ssyncadd.s32 $0xFFFFD800  }
0xf8: {  	[tilespmem:s25], [sflag:$0x5] =	stream.linear.gather [hbm4b:s20+s3], $0x50, $0x38;
	[tilespmem:$0x1E200] =	vst v63  }
0xf9: {  	s6 =	sadd.s32 $0x139C0, s16  }
0xfa: {  	[tilespmem:s28], [sflag:$0x2] =	stream.indirect.gather [hbm4b:s4+s23], $0x80, s6, s23, $0xb8;
	[tilespmem:$0x1E200] =	vst v63  }
0xfb: {  	_ =	swait.ge [sflag:s8], $0x50  }
0xfc: {  	[sflag:s8] =	ssyncset.done $0x0  }
0xfd: {  	[sflag:s8] =	ssyncadd.s32 $0xFFFFFFB0  }
0xfe: {  	_ =	swait.ge [sflag:s9], $0x2800  }
0xff: {  	[sflag:s9] =	ssyncset.done $0x0  }
0x100: {  	[sflag:s9] =	ssyncadd.s32 $0xFFFFD800  }
0x101: {  	[spmem:s2] =	stream.indirect.scatter.add.f32 [tilespmem:s31], [sflag:$0x7], $0x80, s29, s23, $0xb8;
	[tilespmem:$0x1E200] =	vst v63  }
.Ltmp1:
0x102: {  	_ =	swait.ge [sflag:s21], $0x2800;
	(pc) =	sbr.rel @p1 .LBB2_4-.Ltmp1, $4  }
0x103: {  	[sflag:s21] =	ssyncset.done $0x0  }
0x104: {  	s14 =	sadd.s32 $0xF0, s14;
	[sflag:s21] =	ssyncadd.s32 $0xFFFFD800  }
0x105: {  	[tilespmem:s29], [sflag:$0x6] =	stream.linear.gather [hbm4b:s15+s3], $0x50, $0x38;
	[tilespmem:$0x1E200] =	vst v63  }
0x106: {  	s16 =	sadd.s32 $0x13A10, s16;
	s20 =	sadd.s32 $0x1E, s20;
	s15 =	sadd.s32 $0x1E, s15  }
0x107: {  	[tilespmem:s31], [sflag:$0x3] =	stream.indirect.gather [hbm4b:s4+s23], $0x80, s16, s23, $0xb8;
	[tilespmem:$0x1E200] =	vst v63  }
0x108: {  	_ =	swait.ge [sflag:s26], $0x50  }
0x109: {  	[sflag:s26] =	ssyncset.done $0x0  }
0x10a: {  	[sflag:s26] =	ssyncadd.s32 $0xFFFFFFB0  }
0x10b: {  	_ =	swait.ge [sflag:s30], $0x2800  }
0x10c: {  	[sflag:s30] =	ssyncset.done $0x0  }
0x10d: {  	[sflag:s30] =	ssyncadd.s32 $0xFFFFD800  }
0x10e: {  	[spmem:s2] =	stream.indirect.scatter.add.f32 [tilespmem:s24], [sflag:$0x7], $0x80, s22, s23, $0xb8;
	[tilespmem:$0x1E200] =	vst v63  }
0x10f: {  	_ =	swait.ge [sflag:s21], $0x2800  }
0x110: {  	[sflag:s21] =	ssyncset.done $0x0  }
0x111: {  	s6 =	rddreg [dreg:$0xa];
	[sflag:s21] =	ssyncadd.s32 $0xFFFFD800  }
0x112: {  	[tilespmem:s22], [sflag:$0x4] =	stream.linear.gather [hbm4b:s6+s3], $0x50, $0x38;
	[tilespmem:$0x1E200] =	vst v63  }
0x113: {  	s13 =	simm.s32 $0x15EF0  }
0x114: {  	[tilespmem:s24], [sflag:$0x1] =	stream.indirect.gather [hbm4b:s4+s23], $0x80, s13, s23, $0xb8;
	[tilespmem:$0x1E200] =	vst v63  }
0x115: {  	_ =	swait.ge [sflag:s0], $0x50  }
0x116: {  	[sflag:s0] =	ssyncset.done $0x0  }
0x117: {  	[sflag:s0] =	ssyncadd.s32 $0xFFFFFFB0  }
0x118: {  	_ =	swait.ge [sflag:s7], $0x2800  }
0x119: {  	[sflag:s7] =	ssyncset.done $0x0  }
0x11a: {  	[sflag:s7] =	ssyncadd.s32 $0xFFFFD800  }
0x11b: {  	[spmem:s2] =	stream.indirect.scatter.add.f32 [tilespmem:s28], [sflag:$0x7], $0x80, s25, s23, $0xb8;
	[tilespmem:$0x1E200] =	vst v63  }
0x11c: {  	_ =	swait.ge [sflag:s21], $0x2800  }
0x11d: {  	[sflag:s21] =	ssyncset.done $0x0  }
0x11e: {  	s14 =	rddreg [dreg:$0xb];
	[sflag:s21] =	ssyncadd.s32 $0xFFFFD800  }
0x11f: {  	[tilespmem:s25], [sflag:$0x5] =	stream.linear.gather [hbm4b:s14+s3], $0x50, $0x38;
	[tilespmem:$0x1E200] =	vst v63  }
0x120: {  	s15 =	simm.s32 $0x15F40  }
0x121: {  	[tilespmem:s28], [sflag:$0x2] =	stream.indirect.gather [hbm4b:s4+s23], $0x80, s15, s23, $0xb8;
	[tilespmem:$0x1E200] =	vst v63  }
0x122: {  	_ =	swait.ge [sflag:s8], $0x50  }
0x123: {  	[sflag:s8] =	ssyncset.done $0x0  }
0x124: {  	[sflag:s8] =	ssyncadd.s32 $0xFFFFFFB0  }
0x125: {  	_ =	swait.ge [sflag:s9], $0x2800  }
0x126: {  	[sflag:s9] =	ssyncset.done $0x0  }
0x127: {  	[sflag:s9] =	ssyncadd.s32 $0xFFFFD800  }
0x128: {  	[spmem:s2] =	stream.indirect.scatter.add.f32 [tilespmem:s31], [sflag:$0x7], $0x80, s29, s23, $0xb8;
	[tilespmem:$0x1E200] =	vst v63  }
0x129: {  	_ =	swait.ge [sflag:s21], $0x2800  }
0x12a: {  	[sflag:s21] =	ssyncset.done $0x0  }
0x12b: {  	[sflag:s21] =	ssyncadd.s32 $0xFFFFD800  }
0x12c: {  	_ =	swait.ge [sflag:s26], $0x50  }
0x12d: {  	[sflag:s26] =	ssyncset.done $0x0  }
0x12e: {  	[sflag:s26] =	ssyncadd.s32 $0xFFFFFFB0  }
0x12f: {  	_ =	swait.ge [sflag:s30], $0x2800  }
0x130: {  	[sflag:s30] =	ssyncset.done $0x0  }
0x131: {  	[sflag:s30] =	ssyncadd.s32 $0xFFFFD800  }
0x132: {  	[spmem:s2] =	stream.indirect.scatter.add.f32 [tilespmem:s24], [sflag:$0x7], $0x80, s22, s23, $0xb8;
	[tilespmem:$0x1E200] =	vst v63  }
0x133: {  	_ =	swait.ge [sflag:s21], $0x2800  }
0x134: {  	[sflag:s21] =	ssyncset.done $0x0  }
0x135: {  	[sflag:s21] =	ssyncadd.s32 $0xFFFFD800  }
0x136: {  	_ =	swait.ge [sflag:s0], $0x50  }
0x137: {  	[sflag:s0] =	ssyncset.done $0x0  }
0x138: {  	[sflag:s0] =	ssyncadd.s32 $0xFFFFFFB0  }
0x139: {  	_ =	swait.ge [sflag:s7], $0x2800  }
0x13a: {  	[sflag:s7] =	ssyncset.done $0x0  }
0x13b: {  	[sflag:s7] =	ssyncadd.s32 $0xFFFFD800  }
0x13c: {  	[spmem:s2] =	stream.indirect.scatter.add.f32 [tilespmem:s28], [sflag:$0x7], $0x80, s25, s23, $0xb8;
	[tilespmem:$0x1E200] =	vst v63  }
0x13d: {  	_ =	swait.ge [sflag:s21], $0x2800  }
0x13e: {  	[sflag:s21] =	ssyncset.done $0x0  }
0x13f: {  	s16 =	stileid.u32;
	[sflag:s21] =	ssyncadd.s32 $0xFFFFD800  }
0x140: {  	s6 =	sshll.u32 s16, $0x6;
	[bflag:$0x0] =	sbarrier.arrive $0xFFFF  }
0x141: {  	s6 =	sor.u32 $0x1C07, s6;
	s13 =	sshrl.u32 s10, $0x3;
	s14 =	rddreg [dreg:$0x7]  }
0x142: {  	[hbm:s14], [sflag:s6] =	dma.local [spmem:s13], $0x2700  }
0x143: {  	_ =	swait.ge [sflag:s21], $0x2700  }
0x144: {  	[sflag:s21] =	ssyncset.done $0x0  }
0x145: {  	s13 =	sshrl.u32 @!p0 s11, $0x3;
	s14 =	rddreg [dreg:$0x8];
	[sflag:s21] =	ssyncadd.s32 $0xFFFFD900  }
0x146: {  	[hbm:s14], [sflag:s6] =	dma.local @!p0 [spmem:s13], $0x100  }
0x147: {  	s6 =	simm.s32 @!p0 $0x7  }
0x148: {  	_ =	swait.ge @!p0 [sflag:s6], $0x100  }
0x149: {  	s12 =	sadd.s32 $0x1, s12;
	s20 =	rddreg [dreg:$0x9]  }
0x14a: {  	p1 =	sne.s32 s12, s20  }
.Ltmp2:
0x14b: {  	_ = 	snop;
	(pc) =	sbr.rel @p1 .LBB2_1-.Ltmp2, $3  }
0x14c: {  	_ =	sdelay $0x1  }
0x14d: {  	[sflag:s6] =	ssyncset.done @!p0 $0x0  }
0x14e: {  	[sflag:s6] =	ssyncadd.s32 @!p0 $0xFFFFFF00  }
0x14f: {  	_ =	sfence.sel $0x180000  }
0x150: {  	[bflag:$0x0] =	sbarrier.arrive $0xFFFF  }
0x151: {  	_ =	strace $0x9000004A  }
0x152: {  	s0 =	stileid.u32;
	[bflag:$0x2] =	sbarrier.arrive $0xFFFF  }
0x153: {  	p0 =	sne.s32 s0, $0x0;
	s0 =	rddreg [dreg:$0x2]  }
0x154: {  	s0 =	sadd.s32 @!p0 $0x100000, s0  }
0x155: {  	[sflag:s0] =	ssyncadd.tile.s32 @!p0 $0x1;
	_ =	shalt  }
.Lfunc_end2:
_tile_overlayer_lowered:
.L_overlay_start_2:
0x156: {  	(tag) =	ssettag $0x2  }
0x157: {  	s0 =	rddreg [dreg:$0x0];
	s2 =	stileid.u32  }
0x158: {  	s1 =	rddreg [dreg:$0x1];
	p0 =	sne.s32 s2, $0x0  }
0x159: {  	s3 =	rddreg [dreg:$0x2];
	[bflag:$0x3] =	sbarrier.arrive $0xFFFF;
	s2 =	simm.s32 @!p0 $0x1C07  }
0x15a: {  	[timem:s3], [sflag:s2] =	dma.local @!p0 [hbm:s0], s1  }
0x15b: {  	s0 =	simm.s32 @!p0 $0x7  }
0x15c: {  	_ =	swait.ge @!p0 [sflag:s0], s1  }
0x15d: {  	s1 =	ssub.s32 @!p0 $0x0, s1;
	[sflag:s0] =	ssyncset.done @!p0 $0x0  }
0x15e: {  	[sflag:s0] =	ssyncadd.s32 @!p0 s1  }
0x15f: {  	[bflag:$0x3] =	sbarrier.arrive $0xFFFF  }
0x160: {  	_ =	shalt  }

// kernel: kernel.9.cloned.1.call-start
scs
__scs_entry_jumppad:
0x0: {  	(pc) =	sbr.rel $0x88, $3  }
0x1: {  	(tag) =	ssettag $0x0;
	lr =	simm.s32 $0x1  }
0x2: {  	[smem:$0x3F92] =	sst lr;
	_ =	strace $0xD0000000  }
0x3: {  	_ = 	snop  }
0x4: {  	_ = 	snop  }
0x5: {  	_ = 	snop  }
0x6: {  	_ = 	snop  }
0x7: {  	_ = 	snop  }
__scs_overlays_trampoline_lowered:
0x8: {  	[smem:$0x3FA1] =	sst s0  }
0x9: {  	[smem:$0x3FA2] =	sst s1  }
0xa: {  	[smem:$0x3FA3] =	sst s2  }
0xb: {  	[smem:$0x3FA4] =	sst s3  }
0xc: {  	[smem:$0x3FA5] =	sst s4  }
0xd: {  	[smem:$0x3FA6] =	sst s5  }
0xe: {  	[smem:$0x3FA7] =	sst s6  }
0xf: {  	[smem:$0x3FA8] =	sst s7  }
0x10: {  	[smem:$0x3FA9] =	sst s8  }
0x11: {  	[smem:$0x3FAA] =	sst s9;
	s0 =	simm.s32 @!p0 $0x0  }
0x12: {  	s1 =	sld [smem:$0x3F90];
	s0 =	simm.s32 @p0 $0x1  }
0x13: {  	[smem:$0x3FAB] =	sst s0;
	s0 =	simm.s32 @!p1 $0x0  }
0x14: {  	s2 =	sld [smem:$0x3F8F];
	s0 =	simm.s32 @p1 $0x1  }
0x15: {  	[smem:$0x3FAC] =	sst s0;
	s0 =	simm.s32 @!p2 $0x0  }
0x16: {  	s3 =	sld [smem:$0x3FDB];
	s0 =	simm.s32 @p2 $0x1  }
0x17: {  	s4 =	simm.s32 $0x1BF5;
	[smem:$0x3FAE] =	sst s0  }
0x18: {  	s0 =	sld [smem:$0x3F91];
	_ =	swait.ge [sflag:s4], $0x0  }
0x19: {  	s7 =	sld [smem:$0x3F92]  }
0x1a: {  	s8 =	sadd.s32 $0xFFFFE003, lr  }
0x1b: {  	s9 =	sadd.s32 $0xFFFFFEF7, lr;
	s5 =	simm.s32 $0xFFFFFFFF;
	p2 =	slt.u32 s8, $0xFFFFF086  }
0x1c: {  	p1 =	slt.u32 s9, $0xF7A;
	s5 =	simm.s32 @!p2 $0x0  }
0x1d: {  	s5 =	simm.s32 @p1 $0x1;
	p0 =	seq.s32 s7, s2  }
0x1e: {  	s7 =	smul.u32 @!p0 $0xF7A, s2;
	p2 =	seq.s32 @!p0 s5, $0x0  }
0x1f: {  	s9 =	smul.u32 $0xF7A, s1;
	s8 =	simm.s32 @!p0 $0x1BF5;
	p2 =	por !p2, p0  }
0x20: {  	[sflag:s8] =	ssyncset.s32 @!p0 $0xFFFFF086;
	s6 =	sadd.s32 @!p0 s3, s7;
	s7 =	simm.s32 @!p0 $0x108  }
0x21: {  	s3 =	sadd.s32 s3, s9;
	s6 =	sadd.s32 @!p0 $0x88, s6;
	s7 =	simm.s32 @p2 $0x1082  }
0x22: {  	[simem:s7], [sflag:s8] =	dma.local @!p0 [hbm:s6], $0xF7A  }
0x23: {  	s9 =	sor.u32 $0xD0000000, s2;
	s6 =	simm.s32 $0x108;
	_ =	swait.ge @!p0 [sflag:s8], $0x0  }
0x24: {  	s3 =	sadd.s32 $0x88, s3;
	s6 =	simm.s32 @!p1 $0x1082;
	[sflag:s4] =	ssyncset.s32 $0xFFFFF086  }
0x25: {  	[simem:s6], [sflag:s4] =	dma.local [hbm:s3], $0xF7A  }
0x26: {  	[smem:$0x3F92] =	sst s1;
	(tag) =	ssettag s2;
	_ =	strace s9  }
0x27: {  	s1 =	sld [smem:$0x3FA2]  }
0x28: {  	s2 =	sld [smem:$0x3FA3]  }
0x29: {  	s4 =	sld [smem:$0x3FA5]  }
0x2a: {  	p0 =	seq.s32 s5, $0x0;
	s5 =	sld [smem:$0x3FA6]  }
0x2b: {  	s6 =	sld [smem:$0x3FA7]  }
0x2c: {  	s7 =	sld [smem:$0x3FA8]  }
0x2d: {  	s3 =	simm.s32 $0x108;
	s8 =	sld [smem:$0x3FA9]  }
0x2e: {  	s3 =	simm.s32 @!p0 $0x1082;
	s9 =	sld [smem:$0x3FAA]  }
0x2f: {  	lr =	sadd.s32 s0, s3;
	s0 =	sld [smem:$0x3FA1]  }
0x30: {  	s3 =	sld [smem:$0x3FA4]  }
0x31: {  	[smem:$0x3FAD] =	sst s10  }
0x32: {  	s10 =	sld [smem:$0x3FAB];
	_ =	sdelay $0x3  }
0x33: {  	p0 =	seq.s32 s10, $0x1;
	s10 =	sld [smem:$0x3FAD];
	_ =	sdelay $0x3  }
0x34: {  	[smem:$0x3FAD] =	sst s10  }
0x35: {  	s10 =	sld [smem:$0x3FAC];
	_ =	sdelay $0x3  }
0x36: {  	p1 =	seq.s32 s10, $0x1;
	s10 =	sld [smem:$0x3FAD];
	_ =	sdelay $0x3  }
0x37: {  	[smem:$0x3FAD] =	sst s10  }
0x38: {  	s10 =	sld [smem:$0x3FAE]  }
0x39: {  	_ = 	snop;
	(pc) =	sbr.ind lr, $3  }
0x3a: {  	_ = 	snop  }
0x3b: {  	_ = 	snop  }
0x3c: {  	p2 =	seq.s32 s10, $0x1;
	s10 =	sld [smem:$0x3FAD]  }
0x3d: {  	_ =	shalt  }
0x3e: {  	_ =	shalt  }
0x3f: {  	_ =	shalt  }
0x40: {  	_ =	shalt  }
0x41: {  	_ =	shalt  }
0x42: {  	_ =	shalt  }
0x43: {  	_ =	shalt  }
0x44: {  	_ =	shalt  }
0x45: {  	_ =	shalt  }
0x46: {  	_ =	shalt  }
0x47: {  	_ =	shalt  }
0x48: {  	_ =	shalt  }
0x49: {  	_ =	shalt  }
0x4a: {  	_ =	shalt  }
0x4b: {  	_ =	shalt  }
0x4c: {  	_ =	shalt  }
0x4d: {  	_ =	shalt  }
0x4e: {  	_ =	shalt  }
0x4f: {  	_ =	shalt  }
0x50: {  	_ =	shalt  }
0x51: {  	_ =	shalt  }
0x52: {  	_ =	shalt  }
0x53: {  	_ =	shalt  }
0x54: {  	_ =	shalt  }
0x55: {  	_ =	shalt  }
0x56: {  	_ =	shalt  }
0x57: {  	_ =	shalt  }
0x58: {  	_ =	shalt  }
0x59: {  	_ =	shalt  }
0x5a: {  	_ =	shalt  }
0x5b: {  	_ =	shalt  }
0x5c: {  	_ =	shalt  }
0x5d: {  	_ =	shalt  }
0x5e: {  	_ =	shalt  }
0x5f: {  	_ =	shalt  }
0x60: {  	_ =	shalt  }
0x61: {  	_ =	shalt  }
0x62: {  	_ =	shalt  }
0x63: {  	_ =	shalt  }
0x64: {  	_ =	shalt  }
0x65: {  	_ =	shalt  }
0x66: {  	_ =	shalt  }
0x67: {  	_ =	shalt  }
0x68: {  	_ =	shalt  }
0x69: {  	_ =	shalt  }
0x6a: {  	_ =	shalt  }
0x6b: {  	_ =	shalt  }
0x6c: {  	_ =	shalt  }
0x6d: {  	_ =	shalt  }
0x6e: {  	_ =	shalt  }
0x6f: {  	_ =	shalt  }
0x70: {  	_ =	shalt  }
0x71: {  	_ =	shalt  }
0x72: {  	_ =	shalt  }
0x73: {  	_ =	shalt  }
0x74: {  	_ =	shalt  }
0x75: {  	_ =	shalt  }
0x76: {  	_ =	shalt  }
0x77: {  	_ =	shalt  }
0x78: {  	_ =	shalt  }
0x79: {  	_ =	shalt  }
0x7a: {  	_ =	shalt  }
0x7b: {  	_ =	shalt  }
0x7c: {  	_ =	shalt  }
0x7d: {  	_ =	shalt  }
0x7e: {  	_ =	shalt  }
0x7f: {  	_ =	shalt  }
0x80: {  	_ =	shalt  }
0x81: {  	_ =	shalt  }
0x82: {  	_ =	shalt  }
0x83: {  	_ =	shalt  }
0x84: {  	_ =	shalt  }
0x85: {  	_ =	shalt  }
0x86: {  	_ =	shalt  }
0x87: {  	_ =	shalt  }
.Lfunc_end0:
.L_simem_size_0:
called_computation_lowered:
.L_overlay_start_0:
0x88: {  	s2 =	sld [smem:$0x3FD9]  }
0x89: {  	s3 =	sld [smem:$0x3FFE];
	_ =	sdelay $0x1  }
0x8a: {  	s1 =	srdreg.scid  }
0x8b: {  	s0 =	sand.u32 $0x1, s1  }
0x8c: {  	s17 =	sshll.u32 s0, $0xA;
	s2 =	sadd.s32 s3, s2  }
0x8d: {  	s2 =	sadd.s32 s2, s17  }
0x8e: {  	[smem:$0x3FB9] =	sst s2  }
0x8f: {  	_ = 	snop  }
0x90: {  	s2 =	sld [smem:$0x3FC9];
	(tm) =	ssettm $0x1  }
0x91: {  	s18 =	sld [smem:$0x3FFB];
	_ =	sdelay $0x3  }
0x92: {  	_ =	strace s18  }
0x93: {  	s3 =	sld [smem:$0x3FFC];
	_ =	sdelay $0x3  }
0x94: {  	_ =	strace s3  }
0x95: {  	s3 =	sld [smem:$0x3FFD];
	_ =	sdelay $0x3  }
0x96: {  	_ =	strace s3  }
0x97: {  	_ =	strace $0x8FFFFFFF  }
0x98: {  	s19 =	sld [smem:$0x3FDB];
	_ =	sdelay $0x1  }
0x99: {  	s4 =	simm.s32 $_scs_section_size  }
0x9a: {  	s5 =	simm.s32 $_size__tile_overlayer_lowered;
	s6 =	simm.s32 $_tile_overlayer_lowered  }
0x9b: {  	s22 =	simm.s32 $0x1BFF;
	s21 =	sshll.u32 s6, $0x1;
	s3 =	sadd.s32 s4, s19  }
0x9c: {  	s7 =	simm.s32 $0x0;
	s20 =	sshll.u32 s5, $0x1;
	s5 =	sadd.s32 s21, s3  }
0x9d: {  	[timem:s7], [sflag:s22] =	dma.local [hbm:s5], s20  }
0x9e: {  	_ =	swait.ge [sflag:s22], s20  }
0x9f: {  	s4 =	ssub.s32 $0x0, s20;
	[sflag:s22] =	ssyncset.done $0x0  }
0xa0: {  	[sflag:s22] =	ssyncadd.s32 s4;
	_ =	sdelay $0x1  }
0xa1: {  	s23 =	simm.s32 $0x1B8B  }
0xa2: {  	_ =	swait.ge [sflag:s23], $0x1  }
0xa3: {  	[sflag:s23] =	ssyncset.done $0x0  }
0xa4: {  	s25 =	simm.s32 $0x1B8E;
	s24 =	sld [smem:$0x3FFE];
	[sflag:s23] =	ssyncadd.s32 $0xFFFFFFFF  }
0xa5: {  	s26 =	simm.s32 $execute0_lowered;
	[smem:$0x3FD2] =	sst s25  }
0xa6: {  	s5 =	sshll.u32 s26, $0x1;
	_ =	strace $0x80000046;
	[dreg:$0x1] =	wrdreg $0xFFFFFFFF  }
0xa7: {  	s28 =	simm.s32 $_size_execute0_lowered;
	s3 =	sadd.s32 s3, s5;
	[dreg:$0x0] =	wrdreg $0x0  }
0xa8: {  	s5 =	sshll.u32 s28, $0x1;
	[dreg:$0x2] =	wrdreg s3  }
0xa9: {  	[dreg:$0x3] =	wrdreg s5  }
0xaa: {  	[dreg:$0x4] =	wrdreg $0xC0  }
0xab: {  	_ =	task [dreg:s7], $0x5FFFF  }
0xac: {  	[dreg:$0x1] =	wrdreg $0xFFFFFFFF  }
0xad: {  	[dreg:$0x0] =	wrdreg $0x60  }
0xae: {  	[dreg:$0x2] =	wrdreg s2  }
0xaf: {  	[dreg:$0x3] =	wrdreg s24  }
0xb0: {  	[dreg:$0x4] =	wrdreg $0x0  }
0xb1: {  	[dreg:$0x5] =	wrdreg $0x9  }
0xb2: {  	_ =	task.clear_ibuf [dreg:s7], $0x6FFFF;
	_ =	strace $0x90000046  }
0xb3: {  	s29 =	simm.s32 $0x9;
	_ =	strace $0x80000048  }
0xb4: {  	_ =	swait.ge [sflag:s29], $0x1  }
0xb5: {  	[sflag:s29] =	ssyncadd.s32 $0xFFFFFFFF  }
0xb6: {  	_ =	strace $0x90000048  }
0xb7: {  	_ =	sfence  }
0xb8: {  	s30 =	sld [smem:$0x0];
	_ =	sdelay $0x2  }
0xb9: {  	s31 =	sshll.u32 s1, $0xD;
	s1 =	sshrl.u32 s1, $0x2  }
0xba: {  	s3 =	sand.u32 $0x4000, s31;
	s1 =	sadd.s32 s1, s30  }
0xbb: {  	s0 =	sor.u32 s3, s0;
	s1 =	sshll.u32 s1, $0x11  }
0xbc: {  	s0 =	sor.u32 s1, s0  }
0xbd: {  	s0 =	sadd.s32 $0x8F2B, s0  }
0xbe: {  	[sflag:s0] =	ssyncadd.remote.s32 $0x1  }
0xbf: {  	_ =	sfence.sel $0xFFFF  }
0xc0: {  	[dreg:$0x0] =	wrdreg $0xFFFFFFFF;
	(pc) =	sbr.abs _section_cstart, $3  }
0xc1: {  	[dreg:$0x1] =	wrdreg $0xFFFFFFFF  }
0xc2: {  	_ =	task.clear_ibuf [dreg:s7], $0x2FFFF;
	_ =	strace $0x9FFFFFFF  }
0xc3: {  	(tm) =	ssettm $0x7FFFFFFF  }
tec
execute0_lowered:
.L_overlay_start_1:
0x0: {  	(tag) =	ssettag $0x1  }
0x1: {  	s1 =	rddreg [dreg:$0x0]  }
0x2: {  	s0 =	srdreg.scid;
	s2 =	rddreg [dreg:$0x1]  }
0x3: {  	s13 =	stileid.u32;
	s3 =	rddreg [dreg:$0x2]  }
0x4: {  	s28 =	simm.s32 $0x19200;
	s29 =	simm.s32 $0x16100;
	s10 =	smul.u32 $0x4E000, s13  }
0x5: {  	s31 =	simm.s32 $0x1BA00;
	s30 =	simm.s32 $0x1;
	s21 =	smul.u32 $0x13800, s13  }
0x6: {  	s0 =	sand.u32 $0x1, s0;
	s12 =	smul.u32 $0x2710, s13;
	p0 =	sne.s32 s13, $0xF  }
0x7: {  	s4 =	sshll.u32 s0, $0x4;
	s8 =	ssub.s32 $0x2, s0;
	s19 =	smul.u32 $0x138800, s0  }
0x8: {  	s0 =	smul.u32 $0x27100, s0;
	s5 =	sor.u32 s13, s4;
	s4 =	simm.s32 $0x0  }
0x9: {  	s9 =	sshrl.u32 s8, $0x1;
	s10 =	sshrl.u32 s10, $0x2;
	s5 =	smul.u32 $0x2710, s5  }
0xa: {  	[smem:$0x7FF] =	sst s4;
	s8 =	ssub.s32 s8, s9;
	s10 =	sadd.s32 s10, s3  }
0xb: {  	s9 =	sshrl.u32 s19, $0x3;
	s0 =	sadd.s32 s12, s0;
	s12 =	simm.s32 $0x0  }
0xc: {  	_ =	strace $0x80000047;
	s22 =	smax.u32 s8, $0x1;
	s23 =	sadd.s32 $0x190, s0  }
0xd: {  	s25 =	sadd.s32 $0x140, s0;
	s8 =	simm.s32 $0x6;
	s6 =	sshrl.u32 s5, $0x3  }
0xe: {  	s5 =	sadd.s32 $0xD400, s2;
	[dreg:$0xa] =	wrdreg s22;
	s26 =	sshrl.u32 s25, $0x3  }
0xf: {  	s22 =	simm.s32 $0x16000;
	s7 =	sadd.s32 s6, s2;
	s6 =	sadd.s32 s5, s6  }
0x10: {  	s25 =	simm.s32 $0x16080;
	s7 =	sadd.s32 $0x3600, s7;
	[dreg:$0x4] =	wrdreg s6  }
0x11: {  	s2 =	sadd.s32 $0x17200, s2;
	s20 =	sadd.s32 $0xA, s6;
	[dreg:$0x5] =	wrdreg s7  }
0x12: {  	s18 =	sadd.s32 s26, s5;
	s11 =	sadd.s32 $0x14, s6;
	[dreg:$0x6] =	wrdreg s20  }
0x13: {  	s26 =	simm.s32 $0x4;
	s24 =	sadd.s32 $0x4CE, s6;
	[dreg:$0x7] =	wrdreg s11  }
0x14: {  	s6 =	sadd.s32 $0x4D8, s6;
	s7 =	sadd.s32 s21, s19;
	[dreg:$0xb] =	wrdreg s24  }
0x15: {  	s11 =	sadd.s32 $0x138000, s3;
	[dreg:$0xc] =	wrdreg s6;
	s19 =	sadd.s32 $0xF0, s0  }
0x16: {  	s21 =	simm.s32 $0x7;
	s24 =	simm.s32 $0x16A00;
	s7 =	sshrl.u32 s7, $0x3  }
0x17: {  	s0 =	simm.s32 $0x5;
	s7 =	sadd.s32 s2, s7;
	s2 =	sadd.s32 s2, s9  }
0x18: {  	s9 =	simm.s32 $0x3;
	[dreg:$0x8] =	wrdreg s7;
	s2 =	sadd.s32 $0x27000, s2  }
0x19: {  	s7 =	simm.s32 $0x2;
	[dreg:$0x9] =	wrdreg s2;
	s2 =	sshrl.u32 s23, $0x3  }
0x1a: {  	v0 =	vimm.f32 $0.0e+00;
	s23 =	simm.s32 $0x50;
	s17 =	sadd.s32 s2, s5;
	s2 =	simm.s32 $0x16200  }
.LBB2_1:
0x1b: {  	s6 =	rddreg [dreg:$0x5];
	s13 =	simm.s32 $0x13880  }
0x1c: {  	[tilespmem:s13], [sflag:$0x7] =	stream.linear.gather [hbm4b:s6+s4], $0x2710, $0x38;
	[tilespmem:$0x1E200] =	vst v63  }
0x1d: {  	_ =	swait.ge [sflag:s21], $0x2710  }
0x1e: {  	[sflag:s21] =	ssyncset.done $0x0  }
0x1f: {  	s20 =	rddreg [dreg:$0x4];
	[sflag:s21] =	ssyncadd.s32 $0xFFFFD8F0  }
0x20: {  	[tilespmem:s22], [sflag:$0x4] =	stream.linear.gather [hbm4b:s20+s4], $0x50, $0x38;
	[tilespmem:$0x1E200] =	vst v63  }
0x21: {  	_ = 	snop  }
0x22: {  	[tilespmem:s24], [sflag:$0x1] =	stream.indirect.gather [hbm4b:s1+s23], $0x80, s13, s23, $0xb8;
	[tilespmem:$0x1E200] =	vst v63  }
0x23: {  	s13 =	rddreg [dreg:$0x6]  }
0x24: {  	[tilespmem:s25], [sflag:$0x5] =	stream.linear.gather [hbm4b:s13+s4], $0x50, $0x38;
	[tilespmem:$0x1E200] =	vst v63  }
0x25: {  	s14 =	simm.s32 $0x138D0  }
0x26: {  	[tilespmem:s28], [sflag:$0x2] =	stream.indirect.gather [hbm4b:s1+s23], $0x80, s14, s23, $0xb8;
	[tilespmem:$0x1E200] =	vst v63  }
0x27: {  	s15 =	rddreg [dreg:$0x7]  }
0x28: {  	[tilespmem:s29], [sflag:$0x6] =	stream.linear.gather [hbm4b:s15+s4], $0x50, $0x38;
	[tilespmem:$0x1E200] =	vst v63  }
0x29: {  	s16 =	simm.s32 $0x13920  }
0x2a: {  	[tilespmem:s31], [sflag:$0x3] =	stream.indirect.gather [hbm4b:s1+s23], $0x80, s16, s23, $0xb8;
	[tilespmem:$0x1E200] =	vst v63  }
0x2b: {  	[tilespmem:$0x16200] =	vst v0  }
0x2c: {  	[tilespmem:$0x16280] =	vst v0  }
0x2d: {  	[tilespmem:$0x16300] =	vst v0  }
0x2e: {  	[tilespmem:$0x16380] =	vst v0  }
0x2f: {  	[tilespmem:$0x16400] =	vst v0  }
0x30: {  	[tilespmem:$0x16480] =	vst v0  }
0x31: {  	[tilespmem:$0x16500] =	vst v0  }
0x32: {  	[tilespmem:$0x16580] =	vst v0  }
0x33: {  	[tilespmem:$0x16600] =	vst v0  }
0x34: {  	[tilespmem:$0x16680] =	vst v0  }
0x35: {  	[tilespmem:$0x16700] =	vst v0  }
0x36: {  	[tilespmem:$0x16780] =	vst v0  }
0x37: {  	[tilespmem:$0x16800] =	vst v0  }
0x38: {  	[tilespmem:$0x16880] =	vst v0  }
0x39: {  	[tilespmem:$0x16900] =	vst v0  }
0x3a: {  	[tilespmem:$0x16980] =	vst v0  }
0x3b: {  	[tilespmem:$0x16210] =	vst v0  }
0x3c: {  	[tilespmem:$0x16290] =	vst v0  }
0x3d: {  	[tilespmem:$0x16310] =	vst v0  }
0x3e: {  	[tilespmem:$0x16390] =	vst v0  }
0x3f: {  	[tilespmem:$0x16410] =	vst v0  }
0x40: {  	[tilespmem:$0x16490] =	vst v0  }
0x41: {  	[tilespmem:$0x16510] =	vst v0  }
0x42: {  	[tilespmem:$0x16590] =	vst v0  }
0x43: {  	[tilespmem:$0x16610] =	vst v0  }
0x44: {  	[tilespmem:$0x16690] =	vst v0  }
0x45: {  	[tilespmem:$0x16710] =	vst v0  }
0x46: {  	[tilespmem:$0x16790] =	vst v0  }
0x47: {  	[tilespmem:$0x16810] =	vst v0  }
0x48: {  	[tilespmem:$0x16890] =	vst v0  }
0x49: {  	[tilespmem:$0x16910] =	vst v0  }
0x4a: {  	[tilespmem:$0x16990] =	vst v0  }
0x4b: {  	[tilespmem:$0x16220] =	vst v0  }
0x4c: {  	[tilespmem:$0x162A0] =	vst v0  }
0x4d: {  	[tilespmem:$0x16320] =	vst v0  }
0x4e: {  	[tilespmem:$0x163A0] =	vst v0  }
0x4f: {  	[tilespmem:$0x16420] =	vst v0  }
0x50: {  	[tilespmem:$0x164A0] =	vst v0  }
0x51: {  	[tilespmem:$0x16520] =	vst v0  }
0x52: {  	[tilespmem:$0x165A0] =	vst v0  }
0x53: {  	[tilespmem:$0x16620] =	vst v0  }
0x54: {  	[tilespmem:$0x166A0] =	vst v0  }
0x55: {  	[tilespmem:$0x16720] =	vst v0  }
0x56: {  	[tilespmem:$0x167A0] =	vst v0  }
0x57: {  	[tilespmem:$0x16820] =	vst v0  }
0x58: {  	[tilespmem:$0x168A0] =	vst v0  }
0x59: {  	[tilespmem:$0x16920] =	vst v0  }
0x5a: {  	[tilespmem:$0x169A0] =	vst v0  }
0x5b: {  	[tilespmem:$0x16230] =	vst v0  }
0x5c: {  	[tilespmem:$0x162B0] =	vst v0  }
0x5d: {  	[tilespmem:$0x16330] =	vst v0  }
0x5e: {  	[tilespmem:$0x163B0] =	vst v0  }
0x5f: {  	[tilespmem:$0x16430] =	vst v0  }
0x60: {  	[tilespmem:$0x164B0] =	vst v0  }
0x61: {  	[tilespmem:$0x16530] =	vst v0  }
0x62: {  	[tilespmem:$0x165B0] =	vst v0  }
0x63: {  	[tilespmem:$0x16630] =	vst v0  }
0x64: {  	[tilespmem:$0x166B0] =	vst v0  }
0x65: {  	[tilespmem:$0x16730] =	vst v0  }
0x66: {  	[tilespmem:$0x167B0] =	vst v0  }
0x67: {  	[tilespmem:$0x16830] =	vst v0  }
0x68: {  	[tilespmem:$0x168B0] =	vst v0  }
0x69: {  	[tilespmem:$0x16930] =	vst v0  }
0x6a: {  	[tilespmem:$0x169B0] =	vst v0  }
0x6b: {  	[tilespmem:$0x16240] =	vst v0  }
0x6c: {  	[tilespmem:$0x162C0] =	vst v0  }
0x6d: {  	[tilespmem:$0x16340] =	vst v0  }
0x6e: {  	[tilespmem:$0x163C0] =	vst v0  }
0x6f: {  	[tilespmem:$0x16440] =	vst v0  }
0x70: {  	[tilespmem:$0x164C0] =	vst v0  }
0x71: {  	[tilespmem:$0x16540] =	vst v0  }
0x72: {  	[tilespmem:$0x165C0] =	vst v0  }
0x73: {  	[tilespmem:$0x16640] =	vst v0  }
0x74: {  	[tilespmem:$0x166C0] =	vst v0  }
0x75: {  	[tilespmem:$0x16740] =	vst v0  }
0x76: {  	[tilespmem:$0x167C0] =	vst v0  }
0x77: {  	[tilespmem:$0x16840] =	vst v0  }
0x78: {  	[tilespmem:$0x168C0] =	vst v0  }
0x79: {  	[tilespmem:$0x16940] =	vst v0  }
0x7a: {  	[tilespmem:$0x169C0] =	vst v0  }
0x7b: {  	[tilespmem:$0x16250] =	vst v0  }
0x7c: {  	[tilespmem:$0x162D0] =	vst v0  }
0x7d: {  	[tilespmem:$0x16350] =	vst v0  }
0x7e: {  	[tilespmem:$0x163D0] =	vst v0  }
0x7f: {  	[tilespmem:$0x16450] =	vst v0  }
0x80: {  	[tilespmem:$0x164D0] =	vst v0  }
0x81: {  	[tilespmem:$0x16550] =	vst v0  }
0x82: {  	[tilespmem:$0x165D0] =	vst v0  }
0x83: {  	[tilespmem:$0x16650] =	vst v0  }
0x84: {  	[tilespmem:$0x166D0] =	vst v0  }
0x85: {  	[tilespmem:$0x16750] =	vst v0  }
0x86: {  	[tilespmem:$0x167D0] =	vst v0  }
0x87: {  	[tilespmem:$0x16850] =	vst v0  }
0x88: {  	[tilespmem:$0x168D0] =	vst v0  }
0x89: {  	[tilespmem:$0x16950] =	vst v0  }
0x8a: {  	[tilespmem:$0x169D0] =	vst v0  }
0x8b: {  	[tilespmem:$0x16260] =	vst v0  }
0x8c: {  	[tilespmem:$0x162E0] =	vst v0  }
0x8d: {  	[tilespmem:$0x16360] =	vst v0  }
0x8e: {  	[tilespmem:$0x163E0] =	vst v0  }
0x8f: {  	[tilespmem:$0x16460] =	vst v0  }
0x90: {  	[tilespmem:$0x164E0] =	vst v0  }
0x91: {  	[tilespmem:$0x16560] =	vst v0  }
0x92: {  	[tilespmem:$0x165E0] =	vst v0  }
0x93: {  	[tilespmem:$0x16660] =	vst v0  }
0x94: {  	[tilespmem:$0x166E0] =	vst v0  }
0x95: {  	[tilespmem:$0x16760] =	vst v0  }
0x96: {  	[tilespmem:$0x167E0] =	vst v0  }
0x97: {  	[tilespmem:$0x16860] =	vst v0  }
0x98: {  	[tilespmem:$0x168E0] =	vst v0  }
0x99: {  	[tilespmem:$0x16960] =	vst v0  }
0x9a: {  	[tilespmem:$0x169E0] =	vst v0  }
0x9b: {  	[tilespmem:$0x16270] =	vst v0  }
0x9c: {  	[tilespmem:$0x162F0] =	vst v0  }
0x9d: {  	[tilespmem:$0x16370] =	vst v0  }
0x9e: {  	[tilespmem:$0x163F0] =	vst v0  }
0x9f: {  	[tilespmem:$0x16470] =	vst v0  }
0xa0: {  	[tilespmem:$0x164F0] =	vst v0  }
0xa1: {  	[tilespmem:$0x16570] =	vst v0  }
0xa2: {  	[tilespmem:$0x165F0] =	vst v0  }
0xa3: {  	[tilespmem:$0x16670] =	vst v0  }
0xa4: {  	[tilespmem:$0x166F0] =	vst v0  }
0xa5: {  	[tilespmem:$0x16770] =	vst v0  }
0xa6: {  	[tilespmem:$0x167F0] =	vst v0  }
0xa7: {  	[tilespmem:$0x16870] =	vst v0  }
0xa8: {  	[tilespmem:$0x168F0] =	vst v0  }
0xa9: {  	[tilespmem:$0x16970] =	vst v0  }
0xaa: {  	s20 =	sadd.s32 $0x0, s10;
	[tilespmem:$0x169F0] =	vst v0  }
0xab: {  	[spmem:s20] =	stream.linear.scatter [tilespmem:s2], [sflag:$0x7], $0x800, $0x38;
	[tilespmem:$0x1E200] =	vst v63  }
0xac: {  	s13 =	simm.s32 $0x2000;
	_ =	swait.ge [sflag:s21], $0x800  }
.LBB2_2:
0xad: {  	s14 =	sshra.s32 s13, $0x2;
	[sflag:s21] =	ssyncset.done $0x0;
	p1 =	sne.s32 s13, $0x4C000  }
.Ltmp0:
0xae: {  	s14 =	sadd.s32 s14, s10;
	[sflag:s21] =	ssyncadd.s32 $0xFFFFF800;
	(pc) =	sbr.rel @p1 .LBB2_2-.Ltmp0, $3  }
0xaf: {  	[spmem:s14] =	stream.linear.scatter [tilespmem:s2], [sflag:$0x7], $0x800, $0x38;
	[tilespmem:$0x1E200] =	vst v63  }
0xb0: {  	s13 =	sadd.s32 $0x2000, s13;
	_ =	sdelay $0x1  }
0xb1: {  	_ =	swait.ge [sflag:s21], $0x800  }
0xb2: {  	[sflag:s21] =	ssyncset.done $0x0  }
0xb3: {  	s13 =	simm.s32 @!p0 $0x16200;
	[sflag:s21] =	ssyncadd.s32 $0xFFFFF800  }
0xb4: {  	[spmem:s11] =	stream.linear.scatter @!p0 [tilespmem:s13], [sflag:$0x7], $0x800, $0x38;
	[tilespmem:$0x1E200] =	vst v63  }
0xb5: {  	s13 =	simm.s32 @!p0 $0x7  }
0xb6: {  	_ =	swait.ge @!p0 [sflag:s13], $0x800  }
0xb7: {  	[sflag:s13] =	ssyncset.done @!p0 $0x0  }
0xb8: {  	[sflag:s13] =	ssyncadd.s32 @!p0 $0xFFFFF800  }
0xb9: {  	[bflag:$0x0] =	sbarrier.arrive $0xFFFF  }
0xba: {  	_ =	swait.ge [sflag:s26], $0x50  }
0xbb: {  	[sflag:s26] =	ssyncset.done $0x0  }
0xbc: {  	[sflag:s26] =	ssyncadd.s32 $0xFFFFFFB0  }
0xbd: {  	_ =	swait.ge [sflag:s30], $0x2800  }
0xbe: {  	[sflag:s30] =	ssyncset.done $0x0  }
0xbf: {  	[sflag:s30] =	ssyncadd.s32 $0xFFFFD800  }
0xc0: {  	[spmem:s3] =	stream.indirect.scatter.add.f32 [tilespmem:s24], [sflag:$0x7], $0x80, s22, s23, $0xb8;
	[tilespmem:$0x1E200] =	vst v63  }
0xc1: {  	_ =	swait.ge [sflag:s21], $0x2800  }
0xc2: {  	s15 =	sshrl.u32 s19, $0x3;
	[sflag:s21] =	ssyncset.done $0x0  }
0xc3: {  	s13 =	sadd.s32 s5, s15;
	[sflag:s21] =	ssyncadd.s32 $0xFFFFD800  }
0xc4: {  	[tilespmem:s22], [sflag:$0x4] =	stream.linear.gather [hbm4b:s13+s4], $0x50, $0x38;
	[tilespmem:$0x1E200] =	vst v63  }
0xc5: {  	s16 =	simm.s32 $0x13970  }
0xc6: {  	[tilespmem:s24], [sflag:$0x1] =	stream.indirect.gather [hbm4b:s1+s23], $0x80, s16, s23, $0xb8;
	[tilespmem:$0x1E200] =	vst v63  }
0xc7: {  	_ =	swait.ge [sflag:s0], $0x50  }
0xc8: {  	[sflag:s0] =	ssyncset.done $0x0  }
0xc9: {  	[sflag:s0] =	ssyncadd.s32 $0xFFFFFFB0  }
0xca: {  	_ =	swait.ge [sflag:s7], $0x2800  }
0xcb: {  	[sflag:s7] =	ssyncset.done $0x0  }
0xcc: {  	[sflag:s7] =	ssyncadd.s32 $0xFFFFD800  }
0xcd: {  	[spmem:s3] =	stream.indirect.scatter.add.f32 [tilespmem:s28], [sflag:$0x7], $0x80, s25, s23, $0xb8;
	[tilespmem:$0x1E200] =	vst v63  }
0xce: {  	_ =	swait.ge [sflag:s21], $0x2800  }
0xcf: {  	[sflag:s21] =	ssyncset.done $0x0  }
0xd0: {  	[sflag:s21] =	ssyncadd.s32 $0xFFFFD800  }
0xd1: {  	[tilespmem:s25], [sflag:$0x5] =	stream.linear.gather [hbm4b:s18+s4], $0x50, $0x38;
	[tilespmem:$0x1E200] =	vst v63  }
0xd2: {  	s20 =	simm.s32 $0x139C0  }
0xd3: {  	[tilespmem:s28], [sflag:$0x2] =	stream.indirect.gather [hbm4b:s1+s23], $0x80, s20, s23, $0xb8;
	[tilespmem:$0x1E200] =	vst v63  }
0xd4: {  	_ =	swait.ge [sflag:s8], $0x50  }
0xd5: {  	[sflag:s8] =	ssyncset.done $0x0  }
0xd6: {  	[sflag:s8] =	ssyncadd.s32 $0xFFFFFFB0  }
0xd7: {  	_ =	swait.ge [sflag:s9], $0x2800  }
0xd8: {  	[sflag:s9] =	ssyncset.done $0x0  }
0xd9: {  	[sflag:s9] =	ssyncadd.s32 $0xFFFFD800  }
0xda: {  	[spmem:s3] =	stream.indirect.scatter.add.f32 [tilespmem:s31], [sflag:$0x7], $0x80, s29, s23, $0xb8;
	[tilespmem:$0x1E200] =	vst v63  }
0xdb: {  	s14 =	sadd.s32 $0xF0, s19;
	_ =	swait.ge [sflag:s21], $0x2800  }
0xdc: {  	s15 =	sadd.s32 $0x1E, s17;
	s13 =	simm.s32 $0x3C0;
	[sflag:s21] =	ssyncset.done $0x0  }
0xdd: {  	s16 =	simm.s32 $0x13A10;
	s20 =	sadd.s32 $0x1E, s18;
	[sflag:s21] =	ssyncadd.s32 $0xFFFFD800  }
0xde: {  	[tilespmem:s29], [sflag:$0x6] =	stream.linear.gather [hbm4b:s17+s4], $0x50, $0x38;
	[tilespmem:$0x1E200] =	vst v63  }
.LBB2_4:
0xdf: {  	[tilespmem:s31], [sflag:$0x3] =	stream.indirect.gather [hbm4b:s1+s23], $0x80, s16, s23, $0xb8;
	[tilespmem:$0x1E200] =	vst v63  }
0xe0: {  	s16 =	smov.u32 s13  }
0xe1: {  	p1 =	sne.s32 s13, $0x9240;
	s13 =	sadd.s32 $0x3C0, s13;
	_ =	swait.ge [sflag:s26], $0x50  }
0xe2: {  	[sflag:s26] =	ssyncset.done $0x0  }
0xe3: {  	[sflag:s26] =	ssyncadd.s32 $0xFFFFFFB0  }
0xe4: {  	_ =	swait.ge [sflag:s30], $0x2800  }
0xe5: {  	[sflag:s30] =	ssyncset.done $0x0  }
0xe6: {  	[sflag:s30] =	ssyncadd.s32 $0xFFFFD800  }
0xe7: {  	[spmem:s3] =	stream.indirect.scatter.add.f32 [tilespmem:s24], [sflag:$0x7], $0x80, s22, s23, $0xb8;
	[tilespmem:$0x1E200] =	vst v63  }
0xe8: {  	_ =	swait.ge [sflag:s21], $0x2800  }
0xe9: {  	s6 =	sshrl.u32 s14, $0x3;
	[sflag:s21] =	ssyncset.done $0x0  }
0xea: {  	s6 =	sadd.s32 s5, s6;
	s16 =	sshra.s32 s16, $0x2;
	[sflag:s21] =	ssyncadd.s32 $0xFFFFD800  }
0xeb: {  	[tilespmem:s22], [sflag:$0x4] =	stream.linear.gather [hbm4b:s6+s4], $0x50, $0x38;
	[tilespmem:$0x1E200] =	vst v63  }
0xec: {  	s6 =	sadd.s32 $0x13970, s16  }
0xed: {  	[tilespmem:s24], [sflag:$0x1] =	stream.indirect.gather [hbm4b:s1+s23], $0x80, s6, s23, $0xb8;
	[tilespmem:$0x1E200] =	vst v63  }
0xee: {  	_ =	swait.ge [sflag:s0], $0x50  }
0xef: {  	[sflag:s0] =	ssyncset.done $0x0  }
0xf0: {  	[sflag:s0] =	ssyncadd.s32 $0xFFFFFFB0  }
0xf1: {  	_ =	swait.ge [sflag:s7], $0x2800  }
0xf2: {  	[sflag:s7] =	ssyncset.done $0x0  }
0xf3: {  	[sflag:s7] =	ssyncadd.s32 $0xFFFFD800  }
0xf4: {  	[spmem:s3] =	stream.indirect.scatter.add.f32 [tilespmem:s28], [sflag:$0x7], $0x80, s25, s23, $0xb8;
	[tilespmem:$0x1E200] =	vst v63  }
0xf5: {  	_ =	swait.ge [sflag:s21], $0x2800  }
0xf6: {  	[sflag:s21] =	ssyncset.done $0x0  }
0xf7: {  	[sflag:s21] =	ssyncadd.s32 $0xFFFFD800  }
0xf8: {  	[tilespmem:s25], [sflag:$0x5] =	stream.linear.gather [hbm4b:s20+s4], $0x50, $0x38;
	[tilespmem:$0x1E200] =	vst v63  }
0xf9: {  	s6 =	sadd.s32 $0x139C0, s16  }
0xfa: {  	[tilespmem:s28], [sflag:$0x2] =	stream.indirect.gather [hbm4b:s1+s23], $0x80, s6, s23, $0xb8;
	[tilespmem:$0x1E200] =	vst v63  }
0xfb: {  	_ =	swait.ge [sflag:s8], $0x50  }
0xfc: {  	[sflag:s8] =	ssyncset.done $0x0  }
0xfd: {  	[sflag:s8] =	ssyncadd.s32 $0xFFFFFFB0  }
0xfe: {  	_ =	swait.ge [sflag:s9], $0x2800  }
0xff: {  	[sflag:s9] =	ssyncset.done $0x0  }
0x100: {  	[sflag:s9] =	ssyncadd.s32 $0xFFFFD800  }
0x101: {  	[spmem:s3] =	stream.indirect.scatter.add.f32 [tilespmem:s31], [sflag:$0x7], $0x80, s29, s23, $0xb8;
	[tilespmem:$0x1E200] =	vst v63  }
.Ltmp1:
0x102: {  	_ =	swait.ge [sflag:s21], $0x2800;
	(pc) =	sbr.rel @p1 .LBB2_4-.Ltmp1, $4  }
0x103: {  	[sflag:s21] =	ssyncset.done $0x0  }
0x104: {  	s14 =	sadd.s32 $0xF0, s14;
	[sflag:s21] =	ssyncadd.s32 $0xFFFFD800  }
0x105: {  	[tilespmem:s29], [sflag:$0x6] =	stream.linear.gather [hbm4b:s15+s4], $0x50, $0x38;
	[tilespmem:$0x1E200] =	vst v63  }
0x106: {  	s16 =	sadd.s32 $0x13A10, s16;
	s20 =	sadd.s32 $0x1E, s20;
	s15 =	sadd.s32 $0x1E, s15  }
0x107: {  	[tilespmem:s31], [sflag:$0x3] =	stream.indirect.gather [hbm4b:s1+s23], $0x80, s16, s23, $0xb8;
	[tilespmem:$0x1E200] =	vst v63  }
0x108: {  	_ =	swait.ge [sflag:s26], $0x50  }
0x109: {  	[sflag:s26] =	ssyncset.done $0x0  }
0x10a: {  	[sflag:s26] =	ssyncadd.s32 $0xFFFFFFB0  }
0x10b: {  	_ =	swait.ge [sflag:s30], $0x2800  }
0x10c: {  	[sflag:s30] =	ssyncset.done $0x0  }
0x10d: {  	[sflag:s30] =	ssyncadd.s32 $0xFFFFD800  }
0x10e: {  	[spmem:s3] =	stream.indirect.scatter.add.f32 [tilespmem:s24], [sflag:$0x7], $0x80, s22, s23, $0xb8;
	[tilespmem:$0x1E200] =	vst v63  }
0x10f: {  	_ =	swait.ge [sflag:s21], $0x2800  }
0x110: {  	[sflag:s21] =	ssyncset.done $0x0  }
0x111: {  	s6 =	rddreg [dreg:$0xb];
	[sflag:s21] =	ssyncadd.s32 $0xFFFFD800  }
0x112: {  	[tilespmem:s22], [sflag:$0x4] =	stream.linear.gather [hbm4b:s6+s4], $0x50, $0x38;
	[tilespmem:$0x1E200] =	vst v63  }
0x113: {  	s13 =	simm.s32 $0x15EF0  }
0x114: {  	[tilespmem:s24], [sflag:$0x1] =	stream.indirect.gather [hbm4b:s1+s23], $0x80, s13, s23, $0xb8;
	[tilespmem:$0x1E200] =	vst v63  }
0x115: {  	_ =	swait.ge [sflag:s0], $0x50  }
0x116: {  	[sflag:s0] =	ssyncset.done $0x0  }
0x117: {  	[sflag:s0] =	ssyncadd.s32 $0xFFFFFFB0  }
0x118: {  	_ =	swait.ge [sflag:s7], $0x2800  }
0x119: {  	[sflag:s7] =	ssyncset.done $0x0  }
0x11a: {  	[sflag:s7] =	ssyncadd.s32 $0xFFFFD800  }
0x11b: {  	[spmem:s3] =	stream.indirect.scatter.add.f32 [tilespmem:s28], [sflag:$0x7], $0x80, s25, s23, $0xb8;
	[tilespmem:$0x1E200] =	vst v63  }
0x11c: {  	_ =	swait.ge [sflag:s21], $0x2800  }
0x11d: {  	[sflag:s21] =	ssyncset.done $0x0  }
0x11e: {  	s14 =	rddreg [dreg:$0xc];
	[sflag:s21] =	ssyncadd.s32 $0xFFFFD800  }
0x11f: {  	[tilespmem:s25], [sflag:$0x5] =	stream.linear.gather [hbm4b:s14+s4], $0x50, $0x38;
	[tilespmem:$0x1E200] =	vst v63  }
0x120: {  	s15 =	simm.s32 $0x15F40  }
0x121: {  	[tilespmem:s28], [sflag:$0x2] =	stream.indirect.gather [hbm4b:s1+s23], $0x80, s15, s23, $0xb8;
	[tilespmem:$0x1E200] =	vst v63  }
0x122: {  	_ =	swait.ge [sflag:s8], $0x50  }
0x123: {  	[sflag:s8] =	ssyncset.done $0x0  }
0x124: {  	[sflag:s8] =	ssyncadd.s32 $0xFFFFFFB0  }
0x125: {  	_ =	swait.ge [sflag:s9], $0x2800  }
0x126: {  	[sflag:s9] =	ssyncset.done $0x0  }
0x127: {  	[sflag:s9] =	ssyncadd.s32 $0xFFFFD800  }
0x128: {  	[spmem:s3] =	stream.indirect.scatter.add.f32 [tilespmem:s31], [sflag:$0x7], $0x80, s29, s23, $0xb8;
	[tilespmem:$0x1E200] =	vst v63  }
0x129: {  	_ =	swait.ge [sflag:s21], $0x2800  }
0x12a: {  	[sflag:s21] =	ssyncset.done $0x0  }
0x12b: {  	[sflag:s21] =	ssyncadd.s32 $0xFFFFD800  }
0x12c: {  	_ =	swait.ge [sflag:s26], $0x50  }
0x12d: {  	[sflag:s26] =	ssyncset.done $0x0  }
0x12e: {  	[sflag:s26] =	ssyncadd.s32 $0xFFFFFFB0  }
0x12f: {  	_ =	swait.ge [sflag:s30], $0x2800  }
0x130: {  	[sflag:s30] =	ssyncset.done $0x0  }
0x131: {  	[sflag:s30] =	ssyncadd.s32 $0xFFFFD800  }
0x132: {  	[spmem:s3] =	stream.indirect.scatter.add.f32 [tilespmem:s24], [sflag:$0x7], $0x80, s22, s23, $0xb8;
	[tilespmem:$0x1E200] =	vst v63  }
0x133: {  	_ =	swait.ge [sflag:s21], $0x2800  }
0x134: {  	[sflag:s21] =	ssyncset.done $0x0  }
0x135: {  	[sflag:s21] =	ssyncadd.s32 $0xFFFFD800  }
0x136: {  	_ =	swait.ge [sflag:s0], $0x50  }
0x137: {  	[sflag:s0] =	ssyncset.done $0x0  }
0x138: {  	[sflag:s0] =	ssyncadd.s32 $0xFFFFFFB0  }
0x139: {  	_ =	swait.ge [sflag:s7], $0x2800  }
0x13a: {  	[sflag:s7] =	ssyncset.done $0x0  }
0x13b: {  	[sflag:s7] =	ssyncadd.s32 $0xFFFFD800  }
0x13c: {  	[spmem:s3] =	stream.indirect.scatter.add.f32 [tilespmem:s28], [sflag:$0x7], $0x80, s25, s23, $0xb8;
	[tilespmem:$0x1E200] =	vst v63  }
0x13d: {  	_ =	swait.ge [sflag:s21], $0x2800  }
0x13e: {  	[sflag:s21] =	ssyncset.done $0x0  }
0x13f: {  	s16 =	stileid.u32;
	[sflag:s21] =	ssyncadd.s32 $0xFFFFD800  }
0x140: {  	s6 =	sshll.u32 s16, $0x6;
	[bflag:$0x0] =	sbarrier.arrive $0xFFFF  }
0x141: {  	s6 =	sor.u32 $0x1C07, s6;
	s13 =	sshrl.u32 s10, $0x3;
	s14 =	rddreg [dreg:$0x8]  }
0x142: {  	[hbm:s14], [sflag:s6] =	dma.local [spmem:s13], $0x2700  }
0x143: {  	_ =	swait.ge [sflag:s21], $0x2700  }
0x144: {  	[sflag:s21] =	ssyncset.done $0x0  }
0x145: {  	s13 =	sshrl.u32 @!p0 s11, $0x3;
	s14 =	rddreg [dreg:$0x9];
	[sflag:s21] =	ssyncadd.s32 $0xFFFFD900  }
0x146: {  	[hbm:s14], [sflag:s6] =	dma.local @!p0 [spmem:s13], $0x100  }
0x147: {  	s6 =	simm.s32 @!p0 $0x7  }
0x148: {  	_ =	swait.ge @!p0 [sflag:s6], $0x100  }
0x149: {  	s12 =	sadd.s32 $0x1, s12;
	s20 =	rddreg [dreg:$0xa]  }
0x14a: {  	p1 =	sne.s32 s12, s20  }
.Ltmp2:
0x14b: {  	_ = 	snop;
	(pc) =	sbr.rel @p1 .LBB2_1-.Ltmp2, $3  }
0x14c: {  	_ =	sdelay $0x1  }
0x14d: {  	[sflag:s6] =	ssyncset.done @!p0 $0x0  }
0x14e: {  	[sflag:s6] =	ssyncadd.s32 @!p0 $0xFFFFFF00  }
0x14f: {  	_ =	sfence.sel $0x180000  }
0x150: {  	[bflag:$0x0] =	sbarrier.arrive $0xFFFF  }
0x151: {  	_ =	strace $0x90000047  }
0x152: {  	s0 =	stileid.u32;
	[bflag:$0x2] =	sbarrier.arrive $0xFFFF  }
0x153: {  	p0 =	sne.s32 s0, $0x0;
	s0 =	rddreg [dreg:$0x3]  }
0x154: {  	s0 =	sadd.s32 @!p0 $0x100000, s0  }
0x155: {  	[sflag:s0] =	ssyncadd.tile.s32 @!p0 $0x1;
	_ =	shalt  }
.Lfunc_end2:
_tile_overlayer_lowered:
.L_overlay_start_2:
0x156: {  	(tag) =	ssettag $0x2  }
0x157: {  	s0 =	rddreg [dreg:$0x0];
	s2 =	stileid.u32  }
0x158: {  	s1 =	rddreg [dreg:$0x1];
	p0 =	sne.s32 s2, $0x0  }
0x159: {  	s3 =	rddreg [dreg:$0x2];
	[bflag:$0x3] =	sbarrier.arrive $0xFFFF;
	s2 =	simm.s32 @!p0 $0x1C07  }
0x15a: {  	[timem:s3], [sflag:s2] =	dma.local @!p0 [hbm:s0], s1  }
0x15b: {  	s0 =	simm.s32 @!p0 $0x7  }
0x15c: {  	_ =	swait.ge @!p0 [sflag:s0], s1  }
0x15d: {  	s1 =	ssub.s32 @!p0 $0x0, s1;
	[sflag:s0] =	ssyncset.done @!p0 $0x0  }
0x15e: {  	[sflag:s0] =	ssyncadd.s32 @!p0 s1  }
0x15f: {  	[bflag:$0x3] =	sbarrier.arrive $0xFFFF  }
0x160: {  	_ =	shalt  }

</sc_bundles>
